<compile_context>
chip_gen: v7x
topology: tpu7x:2x2x1
jax: 0.10.2.dev20260603
libtpu: 0.0.44.dev20260713+nightly
codegen_flags: <defaults>
</compile_context>

<pallas_src>
import functools

import jax
import jax.numpy as jnp
from jax import lax
from jax.experimental import pallas as pl
from jax.experimental.pallas import tpu as pltpu
from jax.experimental.pallas import tpu_sc as plsc

N = 10000
E = 320000
D_IN = 128
C = 128
D_OUT = 2

NC = 2
NS = 16
NW = NC * NS
EPW = E // NW
B = 80
CH = EPW // B
STRIPE = 640

_MESH = plsc.VectorSubcoreMesh(
    core_axis_name="c", subcore_axis_name="s", num_cores=NC, num_subcores=NS)



def _proj_body(x_ref, wl_ref, bl_ref, wr_ref, br_ref, xl_ref, xr_ref):
    xb = x_ref[...]
    xl_ref[...] = jnp.dot(xb, wl_ref[...], preferred_element_type=jnp.float32) + bl_ref[...]
    xr_ref[...] = jnp.dot(xb, wr_ref[...], preferred_element_type=jnp.float32) + br_ref[...]


def _ea_body(a_ref, we_ref, ea_ref):
    a = a_ref[...]
    we = we_ref[...]
    acc = a[:, 0:1] * we[0:1, :]
    for k in range(1, 4):
        acc = acc + a[:, k:k + 1] * we[k:k + 1, :]
    ea_ref[...] = acc


def _alpha_body(v_ref, att_ref, exbc_ref):
    v = v_ref[...]
    lr = jnp.maximum(v, 0.2 * v)
    s = jnp.sum(lr * att_ref[...], axis=1, keepdims=True)
    exbc_ref[...] = jnp.broadcast_to(jnp.exp(s), (v.shape[0], 16))


def _node_body(dp_ref, gp_ref, bg_ref, recipbc_ref, dis_ref, u_ref):
    den = dp_ref[0][:, 0:1] + dp_ref[1][:, 0:1]
    recip = 1.0 / (den + 1e-16)
    deg = den * recip
    safe = jnp.where(den > 0, deg, 1.0)
    dis = jnp.where(den > 0, 1.0 / jnp.sqrt(safe), 0.0)
    recipbc_ref[...] = jnp.broadcast_to(recip, (recip.shape[0], C))
    dis_ref[...] = dis
    gat = (gp_ref[0] + gp_ref[1]) * recip + bg_ref[...]
    h = jnp.maximum(gat, 0.0)
    u_ref[...] = h * dis


def _out_body(ap_ref, dis_ref, wg_ref, bg_ref, wo_ref, bo_ref, o_ref):
    acc = ap_ref[0] + ap_ref[1]
    xg = jnp.dot(acc, wg_ref[...], preferred_element_type=jnp.float32)
    gcn = xg * dis_ref[...] + bg_ref[...]
    h2 = jnp.maximum(gcn, 0.0)
    o_ref[...] = jnp.dot(h2, wo_ref[...], preferred_element_type=jnp.float32) + bo_ref[...]



BV = 200
CHV = EPW // BV


@functools.partial(
    pl.kernel,
    out_type=jax.ShapeDtypeStruct((E, C), jnp.float32),
    mesh=_MESH,
    scratch_types=[pltpu.VMEM((BV, C), jnp.float32),
                   pltpu.VMEM((BV, C), jnp.float32),
                   pltpu.VMEM((BV,), jnp.int32),
                   pltpu.VMEM((BV,), jnp.int32),
                   pltpu.VMEM((BV,), jnp.int32),
                   pltpu.VMEM((BV,), jnp.int32),
                   pltpu.SemaphoreType.DMA,
                   pltpu.SemaphoreType.DMA,
                   pltpu.SemaphoreType.DMA,
                   pltpu.SemaphoreType.DMA],
)
def _sc_vsum(xl, xr, ea, src, dst, vsum_o,
             buf0, buf1, srcv0, srcv1, dstv0, dstv1, sl0, sl1, sg0, sg1):
    c = lax.axis_index("c")
    s = lax.axis_index("s")
    wid = s * NC + c
    base0 = wid * EPW
    slots = [(buf0, srcv0, dstv0, sl0, sg0), (buf1, srcv1, dstv1, sl1, sg1)]

    def issue_loads(ci, bufp, sv, dv, sem):
        bs = pl.multiple_of(base0 + ci * BV, 8)
        pltpu.async_copy(src.at[pl.ds(bs, BV)], sv, sem)
        pltpu.async_copy(dst.at[pl.ds(bs, BV)], dv, sem)
        pltpu.async_copy(ea.at[pl.ds(bs, BV)], bufp, sem)

    def drain_loads(bufp, sv, dv, sem):
        pltpu.make_async_copy(src.at[pl.ds(base0, BV)], sv, sem).wait()
        pltpu.make_async_copy(dst.at[pl.ds(base0, BV)], dv, sem).wait()
        pltpu.make_async_copy(ea.at[pl.ds(base0, BV)], bufp, sem).wait()

    _SUB = ((0, 120), (120, 80))

    def issue_gathers(bufp, sv, dv, sem):
        for o, ln in _SUB:
            r = pl.ds(o, ln)
            pltpu.async_copy(xl.at[sv.at[r]], bufp.at[r], sem, add=True)
            pltpu.async_copy(xr.at[dv.at[r]], bufp.at[r], sem, add=True)

    def drain_gathers(bufp, sv, dv, sem):
        for o, ln in _SUB:
            r = pl.ds(o, ln)
            pltpu.make_async_copy(xl.at[sv.at[r]], bufp.at[r], sem).wait()
            pltpu.make_async_copy(xr.at[dv.at[r]], bufp.at[r], sem).wait()

    issue_loads(0, buf0, srcv0, dstv0, sl0)
    drain_loads(buf0, srcv0, dstv0, sl0)
    issue_gathers(buf0, srcv0, dstv0, sg0)

    @pl.loop(0, CHV // 2)
    def _j(j):
        for p in range(2):
            bufp, svp, dvp, slp, sgp = slots[p]
            bufq, svq, dvq, slq, sgq = slots[1 - p]
            i = 2 * j + p
            inext = jnp.minimum(i + 1, CHV - 1)
            issue_loads(inext, bufq, svq, dvq, slq)
            drain_gathers(bufp, svp, dvp, sgp)
            drain_loads(bufq, svq, dvq, slq)
            issue_gathers(bufq, svq, dvq, sgq)
            base = pl.multiple_of(base0 + i * BV, 8)
            pltpu.sync_copy(bufp, vsum_o.at[pl.ds(base, BV)])

    drain_gathers(buf0, srcv0, dstv0, sg0)


@functools.partial(
    pl.kernel,
    out_type=jax.ShapeDtypeStruct((NC, N, C), jnp.float32),
    mesh=_MESH,
    scratch_types=[pltpu.VMEM((B,), jnp.int32),
                   pltpu.VMEM((B, 16), jnp.float32),
                   pltpu.VMEM((B, C), jnp.float32),
                   pltpu.VMEM((8, C), jnp.float32),
                   pltpu.VMEM_SHARED((N, C), jnp.float32),
                   pltpu.SemaphoreType.DMA,
                   pltpu.SemaphoreType.DMA],
)
def _sc_den(dst, exbc, den_o, dstv, exbv, wide, zbuf, shden, sd1, sd2):
    c = lax.axis_index("c")
    s = lax.axis_index("s")
    wid = s * NC + c
    base0 = wid * EPW
    nfl = jnp.where(s == NS - 1, 5, 8)
    sbase = s * STRIPE

    @pl.loop(0, 8)
    def _zb(i):
        for k in range(8):
            zbuf[i, pl.ds(k * 16, 16)] = jnp.zeros((16,), jnp.float32)

    @pl.loop(0, nfl * 10)
    def _zs(j):
        pltpu.sync_copy(zbuf, shden.at[pl.ds(sbase + j * 8, 8)])

    @pl.loop(0, B)
    def _zw(b):
        for k in range(8):
            wide[b, pl.ds(k * 16, 16)] = jnp.zeros((16,), jnp.float32)
    plsc.subcore_barrier()

    @pl.loop(0, CH)
    def _chunk(chi):
        base = pl.multiple_of(base0 + chi * B, 8)
        a1 = pltpu.async_copy(dst.at[pl.ds(base, B)], dstv, sd1)
        a2 = pltpu.async_copy(exbc.at[pl.ds(base, B)], exbv, sd2)
        a1.wait(); a2.wait()

        @pl.loop(0, B)
        def _exp(b):
            w16 = exbv[b, pl.ds(0, 16)]
            wide[b, pl.ds(0, 16)] = w16

        pltpu.sync_copy(wide, shden.at[dstv], add=True)

    plsc.subcore_barrier()

    @pl.loop(0, nfl)
    def _flush(j):
        r0 = sbase + j * 80
        pltpu.sync_copy(shden.at[pl.ds(r0, 80)], den_o.at[c, pl.ds(r0, 80)])


@functools.partial(
    pl.kernel,
    out_type=jax.ShapeDtypeStruct((NC, N, C), jnp.float32),
    mesh=_MESH,
    scratch_types=[pltpu.VMEM((B, C), jnp.float32),
                   pltpu.VMEM((B,), jnp.int32),
                   pltpu.VMEM((B,), jnp.int32),
                   pltpu.VMEM((B, 16), jnp.float32),
                   pltpu.VMEM((8, C), jnp.float32),
                   pltpu.VMEM_SHARED((N, C), jnp.float32),
                   pltpu.SemaphoreType.DMA,
                   pltpu.SemaphoreType.DMA,
                   pltpu.SemaphoreType.DMA],
)
def _sc_gat(xl, src, dst, exbc, gat_o,
            rows, srcv, dstv, exbv, zbuf, shacc, s1, s2, s3):
    c = lax.axis_index("c")
    s = lax.axis_index("s")
    wid = s * NC + c
    base0 = wid * EPW
    nfl = jnp.where(s == NS - 1, 5, 8)
    sbase = s * STRIPE

    @pl.loop(0, 8)
    def _zb(i):
        for k in range(8):
            zbuf[i, pl.ds(k * 16, 16)] = jnp.zeros((16,), jnp.float32)

    @pl.loop(0, nfl * 10)
    def _zs(j):
        pltpu.sync_copy(zbuf, shacc.at[pl.ds(sbase + j * 8, 8)])
    plsc.subcore_barrier()

    @pl.loop(0, CH)
    def _chunk(chi):
        base = pl.multiple_of(base0 + chi * B, 8)
        a1 = pltpu.async_copy(src.at[pl.ds(base, B)], srcv, s1)
        a2 = pltpu.async_copy(dst.at[pl.ds(base, B)], dstv, s2)
        a3 = pltpu.async_copy(exbc.at[pl.ds(base, B)], exbv, s3)
        a1.wait(); a2.wait(); a3.wait()
        H = B // 2
        g1 = pltpu.async_copy(xl.at[srcv.at[pl.ds(0, H)]], rows.at[pl.ds(0, H)], s1)
        g2 = pltpu.async_copy(xl.at[srcv.at[pl.ds(H, H)]], rows.at[pl.ds(H, H)], s2)
        g1.wait()

        @pl.loop(0, H)
        def _scale0(b):
            w16 = exbv[b, pl.ds(0, 16)]
            for k in range(8):
                rows[b, pl.ds(k * 16, 16)] = rows[b, pl.ds(k * 16, 16)] * w16

        g2.wait()

        @pl.loop(0, H)
        def _scale1(b):
            w16 = exbv[H + b, pl.ds(0, 16)]
            for k in range(8):
                rows[H + b, pl.ds(k * 16, 16)] = rows[H + b, pl.ds(k * 16, 16)] * w16

        pltpu.sync_copy(rows, shacc.at[dstv], add=True)

    plsc.subcore_barrier()

    @pl.loop(0, nfl)
    def _flush(j):
        r0 = sbase + j * 80
        pltpu.sync_copy(shacc.at[pl.ds(r0, 80)], gat_o.at[c, pl.ds(r0, 80)])


@functools.partial(
    pl.kernel,
    out_type=[jax.ShapeDtypeStruct((NC, N, C), jnp.float32),
              jax.ShapeDtypeStruct((E, 16), jnp.float32)],
    mesh=_MESH,
    scratch_types=[pltpu.VMEM((B, C), jnp.float32),
                   pltpu.VMEM((B,), jnp.int32),
                   pltpu.VMEM((B,), jnp.int32),
                   pltpu.VMEM((B, 16), jnp.float32),
                   pltpu.VMEM((B // 2, C), jnp.float32),
                   pltpu.VMEM((8, C), jnp.float32),
                   pltpu.VMEM_SHARED((N, C), jnp.float32),
                   pltpu.SemaphoreType.DMA,
                   pltpu.SemaphoreType.DMA,
                   pltpu.SemaphoreType.DMA],
)
def _sc_gcn(u, src, dst, exbc, recipbc, acc_o, anbc_o,
            rows, srcv, dstv, exbv, rcv, zbuf, shacc, s1, s2, s3):
    c = lax.axis_index("c")
    s = lax.axis_index("s")
    wid = s * NC + c
    base0 = wid * EPW
    nfl = jnp.where(s == NS - 1, 5, 8)
    sbase = s * STRIPE

    @pl.loop(0, 8)
    def _zb(i):
        for k in range(8):
            zbuf[i, pl.ds(k * 16, 16)] = jnp.zeros((16,), jnp.float32)

    @pl.loop(0, nfl * 10)
    def _zs(j):
        pltpu.sync_copy(zbuf, shacc.at[pl.ds(sbase + j * 8, 8)])
    plsc.subcore_barrier()

    @pl.loop(0, CH)
    def _chunk(chi):
        base = pl.multiple_of(base0 + chi * B, 8)
        a1 = pltpu.async_copy(src.at[pl.ds(base, B)], srcv, s1)
        a2 = pltpu.async_copy(dst.at[pl.ds(base, B)], dstv, s2)
        a3 = pltpu.async_copy(exbc.at[pl.ds(base, B)], exbv, s3)
        a1.wait(); a2.wait(); a3.wait()
        gu = pltpu.async_copy(u.at[srcv], rows, s1)
        H = B // 2
        r0 = pltpu.async_copy(recipbc.at[dstv.at[pl.ds(0, H)]], rcv, s2)
        r0.wait()

        @pl.loop(0, H)
        def _an0(b):
            exbv[b, pl.ds(0, 16)] = exbv[b, pl.ds(0, 16)] * rcv[b, pl.ds(0, 16)]

        pltpu.async_copy(recipbc.at[dstv.at[pl.ds(H, H)]], rcv, s3).wait()

        @pl.loop(0, H)
        def _an1(b):
            exbv[H + b, pl.ds(0, 16)] = exbv[H + b, pl.ds(0, 16)] * rcv[b, pl.ds(0, 16)]

        gu.wait()

        @pl.loop(0, B)
        def _scale(b):
            an16 = exbv[b, pl.ds(0, 16)]
            for k in range(8):
                rows[b, pl.ds(k * 16, 16)] = rows[b, pl.ds(k * 16, 16)] * an16

        pltpu.sync_copy(exbv, anbc_o.at[pl.ds(base, B)])
        pltpu.sync_copy(rows, shacc.at[dstv], add=True)

    plsc.subcore_barrier()

    @pl.loop(0, nfl)
    def _flush(j):
        r0 = sbase + j * 80
        pltpu.sync_copy(shacc.at[pl.ds(r0, 80)], acc_o.at[c, pl.ds(r0, 80)])



def kernel(x, edge_index, edge_attr, W_l, b_l, W_r, b_r, att, W_e, b_gat,
           W_gcn, b_gcn, W_out, b_out):
    f32 = jnp.float32
    src = edge_index[0]
    dst = edge_index[1]
    att2 = att.reshape(1, C)
    bl2 = b_l.reshape(1, C)
    br2 = b_r.reshape(1, C)
    bg2 = b_gat.reshape(1, C)
    bgcn2 = b_gcn.reshape(1, C)
    W_out_p = jnp.zeros((C, 128), f32).at[:, :D_OUT].set(W_out)
    b_out_p = jnp.zeros((1, 128), f32).at[:, :D_OUT].set(b_out.reshape(1, D_OUT))

    blk = 2000
    xl, xr = pl.pallas_call(
        _proj_body,
        grid=(N // blk,),
        in_specs=[pl.BlockSpec((blk, D_IN), lambda i: (i, 0)),
                  pl.BlockSpec((D_IN, C), lambda i: (0, 0)),
                  pl.BlockSpec((1, C), lambda i: (0, 0)),
                  pl.BlockSpec((D_IN, C), lambda i: (0, 0)),
                  pl.BlockSpec((1, C), lambda i: (0, 0))],
        out_specs=[pl.BlockSpec((blk, C), lambda i: (i, 0)),
                   pl.BlockSpec((blk, C), lambda i: (i, 0))],
        out_shape=[jax.ShapeDtypeStruct((N, C), f32)] * 2,
    )(x, W_l, bl2, W_r, br2)

    eblk = 8000
    ea = pl.pallas_call(
        _ea_body,
        grid=(E // eblk,),
        in_specs=[pl.BlockSpec((eblk, 4), lambda i: (i, 0)),
                  pl.BlockSpec((4, C), lambda i: (0, 0))],
        out_specs=pl.BlockSpec((eblk, C), lambda i: (i, 0)),
        out_shape=jax.ShapeDtypeStruct((E, C), f32),
    )(edge_attr, W_e)

    vsum = _sc_vsum(xl, xr, ea, src, dst)

    ablk = 4000
    exbc = pl.pallas_call(
        _alpha_body,
        grid=(E // ablk,),
        in_specs=[pl.BlockSpec((ablk, C), lambda i: (i, 0)),
                  pl.BlockSpec((1, C), lambda i: (0, 0))],
        out_specs=pl.BlockSpec((ablk, 16), lambda i: (i, 0)),
        out_shape=jax.ShapeDtypeStruct((E, 16), f32),
    )(vsum, att2)

    den_parts = _sc_den(dst, exbc)
    gat_parts = _sc_gat(xl, src, dst, exbc)

    recipbc, dis_col, u = pl.pallas_call(
        _node_body,
        grid=(N // blk,),
        in_specs=[pl.BlockSpec((NC, blk, C), lambda i: (0, i, 0)),
                  pl.BlockSpec((NC, blk, C), lambda i: (0, i, 0)),
                  pl.BlockSpec((1, C), lambda i: (0, 0))],
        out_specs=[pl.BlockSpec((blk, C), lambda i: (i, 0)),
                   pl.BlockSpec((blk, 1), lambda i: (i, 0)),
                   pl.BlockSpec((blk, C), lambda i: (i, 0))],
        out_shape=[jax.ShapeDtypeStruct((N, C), f32),
                   jax.ShapeDtypeStruct((N, 1), f32),
                   jax.ShapeDtypeStruct((N, C), f32)],
    )(den_parts, gat_parts, bg2)

    acc_parts, anbc = _sc_gcn(u, src, dst, exbc, recipbc)

    out_p = pl.pallas_call(
        _out_body,
        grid=(N // blk,),
        in_specs=[pl.BlockSpec((NC, blk, C), lambda i: (0, i, 0)),
                  pl.BlockSpec((blk, 1), lambda i: (i, 0)),
                  pl.BlockSpec((D_IN, C), lambda i: (0, 0)),
                  pl.BlockSpec((1, C), lambda i: (0, 0)),
                  pl.BlockSpec((C, 128), lambda i: (0, 0)),
                  pl.BlockSpec((1, 128), lambda i: (0, 0))],
        out_specs=pl.BlockSpec((blk, 128), lambda i: (i, 0)),
        out_shape=jax.ShapeDtypeStruct((N, 128), f32),
    )(acc_parts, dis_col, W_gcn, bgcn2, W_out_p, b_out_p)

    out = out_p[:, :D_OUT]
    alpha_n = anbc[:, 0:1]
    return (out, (edge_index, alpha_n))

# --- scband reference (transcript-rebuilt; emitter-appended) ---
"""Pipeline reference for scband-gnn-attention-74912819577042 (READ-ONLY COPY).

The authoritative reference and input builder live on the scoring server;
editing this copy changes nothing except your own understanding.
"""

import jax, jax.numpy as jnp
import numpy as np

N = 10000
E = 320000
D_IN = 128
D_EDGE = 4
H = 1
C = 128
D_OUT = 2


def _glorot(key, shape):
    limit = float(np.sqrt(6.0 / (shape[0] + shape[1])))
    return jax.random.uniform(key, shape, dtype=jnp.float32, minval=-limit, maxval=limit)


def setup_inputs(seed: int = 0):
    key = jax.random.key(seed)
    ks = jax.random.split(key, 16)
    x = jax.random.normal(ks[0], (N, D_IN), dtype=jnp.float32)
    edge_index = jax.random.randint(ks[1], (2, E), 0, N, dtype=jnp.int32)
    edge_attr = jax.random.normal(ks[2], (E, D_EDGE), dtype=jnp.float32)
    W_l = _glorot(ks[3], (D_IN, H * C))
    b_l = jnp.zeros((H * C,), dtype=jnp.float32)
    W_r = _glorot(ks[4], (D_IN, H * C))
    b_r = jnp.zeros((H * C,), dtype=jnp.float32)
    att = _glorot(ks[5], (H, C))
    W_e = _glorot(ks[6], (D_EDGE, H * C))
    b_gat = jnp.zeros((H * C,), dtype=jnp.float32)
    W_gcn = _glorot(ks[7], (H * C, C))
    b_gcn = jnp.zeros((C,), dtype=jnp.float32)
    W_out = _glorot(ks[8], (C, D_OUT))
    b_out = jnp.zeros((D_OUT,), dtype=jnp.float32)
    return {"x": x, "edge_index": edge_index, "edge_attr": edge_attr, "W_l": W_l, "b_l": b_l, "W_r": W_r, "b_r": b_r, "att": att, "W_e": W_e, "b_gat": b_gat, "W_gcn": W_gcn, "b_gcn": b_gcn, "W_out": W_out, "b_out": b_out}


def _gnn_forward(x, edge_attr, W_l, b_l, W_r, b_r, att, W_e, b_gat, W_gcn, b_gcn, W_out, b_out, src, dst):
    # --- GATv2Conv (add_self_loops=False, concat=True, negative_slope=0.2, dropout=0) ---
    x_l = (x @ W_l + b_l).reshape(N, H, C)
    x_r = (x @ W_r + b_r).reshape(N, H, C)
    e = x_l[src] + x_r[dst] + (edge_attr @ W_e).reshape(E, H, C)
    e = jax.nn.leaky_relu(e, negative_slope=0.2)
    alpha = (e * att[None, :, :]).sum(-1)  # [E, H]
    # softmax over edges grouped by destination node (max-subtracted, max detached as in PyG)
    amax = jax.ops.segment_max(alpha, dst, num_segments=N)
    amax = jnp.where(jnp.isfinite(amax), amax, 0.0)
    ex = jnp.exp(alpha - jax.lax.stop_gradient(amax)[dst])
    denom = jax.ops.segment_sum(ex, dst, num_segments=N)
    alpha_n = ex / (denom[dst] + 1e-16)
    msg = x_l[src] * alpha_n[:, :, None]
    gat_out = jax.ops.segment_sum(msg, dst, num_segments=N).reshape(N, H * C) + b_gat
    h = jax.nn.relu(gat_out)
    # --- GCNConv with edge_weight = mean over heads of attention (add_self_loops=False) ---
    w = alpha_n.mean(axis=1)  # [E]
    deg = jax.ops.segment_sum(w, dst, num_segments=N)
    dis = jnp.where(deg > 0, 1.0 / jnp.sqrt(jnp.where(deg > 0, deg, 1.0)), 0.0)
    norm = dis[src] * w * dis[dst]
    xg = h @ W_gcn
    gcn_out = jax.ops.segment_sum(norm[:, None] * xg[src], dst, num_segments=N) + b_gcn
    h2 = jax.nn.relu(gcn_out)
    # --- output linear layer ---
    out = h2 @ W_out + b_out
    return out, alpha_n


def reference(x, edge_index, edge_attr, W_l, b_l, W_r, b_r, att, W_e, b_gat, W_gcn, b_gcn, W_out, b_out):
    src = edge_index[0]
    dst = edge_index[1]
    out, alpha = _gnn_forward(x, edge_attr, W_l, b_l, W_r, b_r, att, W_e, b_gat, W_gcn, b_gcn, W_out, b_out, src, dst)
    return (out, (edge_index, alpha))

if __name__ == "__main__":
    import jax
    _d = setup_inputs()
    print(jax.jit(kernel)(*tuple(_d.values())))

</pallas_src>

<mosaic_0001>
#map = affine_map<(d0, d1) -> (0, 0)>
#map1 = affine_map<(d0, d1) -> (0)>
module attributes {stable_mosaic.version = 14 : i64} {
  func.func @_sc_vsum(%arg0: i32, %arg1: i32, %arg2: memref<10000x128xf32, #tpu.memory_space<hbm>>, %arg3: memref<10000x128xf32, #tpu.memory_space<hbm>>, %arg4: memref<320000x128xf32, #tpu.memory_space<hbm>>, %arg5: memref<320000xi32, #tpu.memory_space<hbm>>, %arg6: memref<320000xi32, #tpu.memory_space<hbm>>, %arg7: memref<320000x128xf32, #tpu.memory_space<hbm>>, %arg8: memref<200x128xf32, #tpu.memory_space<vmem>>, %arg9: memref<200x128xf32, #tpu.memory_space<vmem>>, %arg10: memref<200xi32, #tpu.memory_space<vmem>>, %arg11: memref<200xi32, #tpu.memory_space<vmem>>, %arg12: memref<200xi32, #tpu.memory_space<vmem>>, %arg13: memref<200xi32, #tpu.memory_space<vmem>>, %arg14: memref<!tpu.dma_semaphore, #tpu.memory_space<semaphore_mem>>, %arg15: memref<!tpu.dma_semaphore, #tpu.memory_space<semaphore_mem>>, %arg16: memref<!tpu.dma_semaphore, #tpu.memory_space<semaphore_mem>>, %arg17: memref<!tpu.dma_semaphore, #tpu.memory_space<semaphore_mem>>) attributes {dimension_semantics = [#tpu.dimension_semantics<core_parallel>, #tpu.dimension_semantics<subcore_parallel>], iteration_bounds = array<i64: 2, 16>, scalar_prefetch = 0 : i64, scratch_operands = 10 : i64, tpu.core_type = #tpu.core_type<sc_vector_subcore>, window_params = [{transform_indices = #map}, {transform_indices = #map}, {transform_indices = #map}, {transform_indices = #map1}, {transform_indices = #map1}, {transform_indices = #map}]} {
    %mul3A = arith.constant 2 : i32
    %mul3A_0 = arith.muli %arg1, %mul3A : i32
    %add3A = arith.addi %mul3A_0, %arg0 : i32
    %mul3A_1 = arith.constant 10000 : i32
    %mul3A_2 = arith.muli %add3A, %mul3A_1 : i32
    %add3A_3 = arith.constant 0 : i32
    %add3A_4 = arith.addi %mul3A_2, %add3A_3 : i32
    %multiple_of3A = tpu.assume_multiple %add3A_4, 8 : i32
    %dma_start3A = tpu.memref_slice %arg5[%multiple_of3A] : memref<320000xi32, #tpu.memory_space<hbm>> -> memref<200xi32, #tpu.memory_space<hbm>>
    %dma_start3A_5 = tpu.memref_slice %arg5[%multiple_of3A] : memref<320000xi32, #tpu.memory_space<hbm>> -> memref<200xi32, #tpu.memory_space<hbm>>
    tpu.enqueue_dma source(%dma_start3A_5 : memref<200xi32, #tpu.memory_space<hbm>>) target(%arg10 : memref<200xi32, #tpu.memory_space<vmem>>) target_semaphore(%arg14 : memref<!tpu.dma_semaphore, #tpu.memory_space<semaphore_mem>>)
    %dma_start3A_6 = tpu.memref_slice %arg6[%multiple_of3A] : memref<320000xi32, #tpu.memory_space<hbm>> -> memref<200xi32, #tpu.memory_space<hbm>>
    %dma_start3A_7 = tpu.memref_slice %arg6[%multiple_of3A] : memref<320000xi32, #tpu.memory_space<hbm>> -> memref<200xi32, #tpu.memory_space<hbm>>
    tpu.enqueue_dma source(%dma_start3A_7 : memref<200xi32, #tpu.memory_space<hbm>>) target(%arg12 : memref<200xi32, #tpu.memory_space<vmem>>) target_semaphore(%arg14 : memref<!tpu.dma_semaphore, #tpu.memory_space<semaphore_mem>>)
    %dma_start3A_8 = arith.constant 0 : i32
    %dma_start3A_9 = tpu.memref_slice %arg4[%multiple_of3A, %dma_start3A_8] : memref<320000x128xf32, #tpu.memory_space<hbm>> -> memref<200x128xf32, #tpu.memory_space<hbm>>
    %dma_start3A_10 = arith.constant 0 : i32
    %dma_start3A_11 = tpu.memref_slice %arg4[%multiple_of3A, %dma_start3A_10] : memref<320000x128xf32, #tpu.memory_space<hbm>> -> memref<200x128xf32, #tpu.memory_space<hbm>>
    tpu.enqueue_dma source(%dma_start3A_11 : memref<200x128xf32, #tpu.memory_space<hbm>>) target(%arg8 : memref<200x128xf32, #tpu.memory_space<vmem>>) target_semaphore(%arg14 : memref<!tpu.dma_semaphore, #tpu.memory_space<semaphore_mem>>)
    %dma_wait3A = tpu.memref_slice %arg5[%mul3A_2] : memref<320000xi32, #tpu.memory_space<hbm>> -> memref<200xi32, #tpu.memory_space<hbm>>
    %dma_wait3A_12 = tpu.memref_slice %arg5[%mul3A_2] : memref<320000xi32, #tpu.memory_space<hbm>> -> memref<200xi32, #tpu.memory_space<hbm>>
    tpu.wait_dma2 semaphore(%arg14 : memref<!tpu.dma_semaphore, #tpu.memory_space<semaphore_mem>>) src(%dma_wait3A_12 : memref<200xi32, #tpu.memory_space<hbm>>) dst(%arg10 : memref<200xi32, #tpu.memory_space<vmem>>)
    %dma_wait3A_13 = tpu.memref_slice %arg6[%mul3A_2] : memref<320000xi32, #tpu.memory_space<hbm>> -> memref<200xi32, #tpu.memory_space<hbm>>
    %dma_wait3A_14 = tpu.memref_slice %arg6[%mul3A_2] : memref<320000xi32, #tpu.memory_space<hbm>> -> memref<200xi32, #tpu.memory_space<hbm>>
    tpu.wait_dma2 semaphore(%arg14 : memref<!tpu.dma_semaphore, #tpu.memory_space<semaphore_mem>>) src(%dma_wait3A_14 : memref<200xi32, #tpu.memory_space<hbm>>) dst(%arg12 : memref<200xi32, #tpu.memory_space<vmem>>)
    %dma_wait3A_15 = arith.constant 0 : i32
    %dma_wait3A_16 = tpu.memref_slice %arg4[%mul3A_2, %dma_wait3A_15] : memref<320000x128xf32, #tpu.memory_space<hbm>> -> memref<200x128xf32, #tpu.memory_space<hbm>>
    %dma_wait3A_17 = arith.constant 0 : i32
    %dma_wait3A_18 = tpu.memref_slice %arg4[%mul3A_2, %dma_wait3A_17] : memref<320000x128xf32, #tpu.memory_space<hbm>> -> memref<200x128xf32, #tpu.memory_space<hbm>>
    tpu.wait_dma2 semaphore(%arg14 : memref<!tpu.dma_semaphore, #tpu.memory_space<semaphore_mem>>) src(%dma_wait3A_18 : memref<200x128xf32, #tpu.memory_space<hbm>>) dst(%arg8 : memref<200x128xf32, #tpu.memory_space<vmem>>)
    %dma_start3A_19 = arith.constant 0 : i32
    %dma_start3A_20 = arith.constant 0 : i32
    %dma_start3A_21 = tpu.memref_slice %arg8[%dma_start3A_19, %dma_start3A_20] : memref<200x128xf32, #tpu.memory_space<vmem>> -> memref<120x128xf32, #tpu.memory_space<vmem>>
    %dma_start3A_22 = arith.constant 0 : i32
    %dma_start3A_23 = tpu.memref_slice %arg10[%dma_start3A_22] : memref<200xi32, #tpu.memory_space<vmem>> -> memref<120xi32, #tpu.memory_space<vmem>>
    %dma_start3A_24 = arith.constant 0 : i32
    %dma_start3A_25 = arith.constant 0 : i32
    %dma_start3A_26 = tpu.memref_slice %arg2[%dma_start3A_24, %dma_start3A_25] : memref<10000x128xf32, #tpu.memory_space<hbm>> -> memref<10000x128xf32, #tpu.memory_space<hbm>>
    tpu.enqueue_indirect_dma source(%dma_start3A_26 : memref<10000x128xf32, #tpu.memory_space<hbm>>) target(%dma_start3A_21 : memref<120x128xf32, #tpu.memory_space<vmem>>) offsets(%dma_start3A_23 : memref<120xi32, #tpu.memory_space<vmem>>) semaphore(%arg16 : memref<!tpu.dma_semaphore, #tpu.memory_space<semaphore_mem>>) {add = true}
    %dma_start3A_27 = arith.constant 0 : i32
    %dma_start3A_28 = arith.constant 0 : i32
    %dma_start3A_29 = tpu.memref_slice %arg8[%dma_start3A_27, %dma_start3A_28] : memref<200x128xf32, #tpu.memory_space<vmem>> -> memref<120x128xf32, #tpu.memory_space<vmem>>
    %dma_start3A_30 = arith.constant 0 : i32
    %dma_start3A_31 = tpu.memref_slice %arg12[%dma_start3A_30] : memref<200xi32, #tpu.memory_space<vmem>> -> memref<120xi32, #tpu.memory_space<vmem>>
    %dma_start3A_32 = arith.constant 0 : i32
    %dma_start3A_33 = arith.constant 0 : i32
    %dma_start3A_34 = tpu.memref_slice %arg3[%dma_start3A_32, %dma_start3A_33] : memref<10000x128xf32, #tpu.memory_space<hbm>> -> memref<10000x128xf32, #tpu.memory_space<hbm>>
    tpu.enqueue_indirect_dma source(%dma_start3A_34 : memref<10000x128xf32, #tpu.memory_space<hbm>>) target(%dma_start3A_29 : memref<120x128xf32, #tpu.memory_space<vmem>>) offsets(%dma_start3A_31 : memref<120xi32, #tpu.memory_space<vmem>>) semaphore(%arg16 : memref<!tpu.dma_semaphore, #tpu.memory_space<semaphore_mem>>) {add = true}
    %dma_start3A_35 = arith.constant 120 : i32
    %dma_start3A_36 = arith.constant 0 : i32
    %dma_start3A_37 = tpu.memref_slice %arg8[%dma_start3A_35, %dma_start3A_36] : memref<200x128xf32, #tpu.memory_space<vmem>> -> memref<80x128xf32, #tpu.memory_space<vmem>>
    %dma_start3A_38 = arith.constant 120 : i32
    %dma_start3A_39 = tpu.memref_slice %arg10[%dma_start3A_38] : memref<200xi32, #tpu.memory_space<vmem>> -> memref<80xi32, #tpu.memory_space<vmem>>
    %dma_start3A_40 = arith.constant 0 : i32
    %dma_start3A_41 = arith.constant 0 : i32
    %dma_start3A_42 = tpu.memref_slice %arg2[%dma_start3A_40, %dma_start3A_41] : memref<10000x128xf32, #tpu.memory_space<hbm>> -> memref<10000x128xf32, #tpu.memory_space<hbm>>
    tpu.enqueue_indirect_dma source(%dma_start3A_42 : memref<10000x128xf32, #tpu.memory_space<hbm>>) target(%dma_start3A_37 : memref<80x128xf32, #tpu.memory_space<vmem>>) offsets(%dma_start3A_39 : memref<80xi32, #tpu.memory_space<vmem>>) semaphore(%arg16 : memref<!tpu.dma_semaphore, #tpu.memory_space<semaphore_mem>>) {add = true}
    %dma_start3A_43 = arith.constant 120 : i32
    %dma_start3A_44 = arith.constant 0 : i32
    %dma_start3A_45 = tpu.memref_slice %arg8[%dma_start3A_43, %dma_start3A_44] : memref<200x128xf32, #tpu.memory_space<vmem>> -> memref<80x128xf32, #tpu.memory_space<vmem>>
    %dma_start3A_46 = arith.constant 120 : i32
    %dma_start3A_47 = tpu.memref_slice %arg12[%dma_start3A_46] : memref<200xi32, #tpu.memory_space<vmem>> -> memref<80xi32, #tpu.memory_space<vmem>>
    %dma_start3A_48 = arith.constant 0 : i32
    %dma_start3A_49 = arith.constant 0 : i32
    %dma_start3A_50 = tpu.memref_slice %arg3[%dma_start3A_48, %dma_start3A_49] : memref<10000x128xf32, #tpu.memory_space<hbm>> -> memref<10000x128xf32, #tpu.memory_space<hbm>>
    tpu.enqueue_indirect_dma source(%dma_start3A_50 : memref<10000x128xf32, #tpu.memory_space<hbm>>) target(%dma_start3A_45 : memref<80x128xf32, #tpu.memory_space<vmem>>) offsets(%dma_start3A_47 : memref<80xi32, #tpu.memory_space<vmem>>) semaphore(%arg16 : memref<!tpu.dma_semaphore, #tpu.memory_space<semaphore_mem>>) {add = true}
    %scan3A = arith.constant 0 : i32
    %scan3A_51 = arith.constant 25 : i32
    %scan3A_52 = arith.addi %scan3A, %scan3A_51 : i32
    %scan3A_53 = arith.constant 1 : i32
    scf.for %scan3A_87 = %scan3A to %scan3A_52 step %scan3A_53  : i32 {
      %mul3A_88 = arith.constant 1 : i32
      %mul3A_89 = arith.muli %scan3A_87, %mul3A_88 : i32
      %add3A_90 = arith.constant 0 : i32
      %add3A_91 = arith.addi %add3A_90, %mul3A_89 : i32
      %mul3A_92 = arith.constant 2 : i32
      %mul3A_93 = arith.muli %mul3A_92, %add3A_91 : i32
      %add3A_94 = arith.constant 0 : i32
      %add3A_95 = arith.addi %mul3A_93, %add3A_94 : i32
      %add3A_96 = arith.constant 1 : i32
      %add3A_97 = arith.addi %add3A_95, %add3A_96 : i32
      %min3A = arith.constant 49 : i32
      %min3A_98 = arith.minsi %add3A_97, %min3A : i32
      %mul3A_99 = arith.constant 200 : i32
      %mul3A_100 = arith.muli %min3A_98, %mul3A_99 : i32
      %add3A_101 = arith.addi %mul3A_2, %mul3A_100 : i32
      %multiple_of3A_102 = tpu.assume_multiple %add3A_101, 8 : i32
      %dma_start3A_103 = tpu.memref_slice %arg5[%multiple_of3A_102] : memref<320000xi32, #tpu.memory_space<hbm>> -> memref<200xi32, #tpu.memory_space<hbm>>
      %dma_start3A_104 = tpu.memref_slice %arg5[%multiple_of3A_102] : memref<320000xi32, #tpu.memory_space<hbm>> -> memref<200xi32, #tpu.memory_space<hbm>>
      tpu.enqueue_dma source(%dma_start3A_104 : memref<200xi32, #tpu.memory_space<hbm>>) target(%arg11 : memref<200xi32, #tpu.memory_space<vmem>>) target_semaphore(%arg15 : memref<!tpu.dma_semaphore, #tpu.memory_space<semaphore_mem>>)
      %dma_start3A_105 = tpu.memref_slice %arg6[%multiple_of3A_102] : memref<320000xi32, #tpu.memory_space<hbm>> -> memref<200xi32, #tpu.memory_space<hbm>>
      %dma_start3A_106 = tpu.memref_slice %arg6[%multiple_of3A_102] : memref<320000xi32, #tpu.memory_space<hbm>> -> memref<200xi32, #tpu.memory_space<hbm>>
      tpu.enqueue_dma source(%dma_start3A_106 : memref<200xi32, #tpu.memory_space<hbm>>) target(%arg13 : memref<200xi32, #tpu.memory_space<vmem>>) target_semaphore(%arg15 : memref<!tpu.dma_semaphore, #tpu.memory_space<semaphore_mem>>)
      %dma_start3A_107 = arith.constant 0 : i32
      %dma_start3A_108 = tpu.memref_slice %arg4[%multiple_of3A_102, %dma_start3A_107] : memref<320000x128xf32, #tpu.memory_space<hbm>> -> memref<200x128xf32, #tpu.memory_space<hbm>>
      %dma_start3A_109 = arith.constant 0 : i32
      %dma_start3A_110 = tpu.memref_slice %arg4[%multiple_of3A_102, %dma_start3A_109] : memref<320000x128xf32, #tpu.memory_space<hbm>> -> memref<200x128xf32, #tpu.memory_space<hbm>>
      tpu.enqueue_dma source(%dma_start3A_110 : memref<200x128xf32, #tpu.memory_space<hbm>>) target(%arg9 : memref<200x128xf32, #tpu.memory_space<vmem>>) target_semaphore(%arg15 : memref<!tpu.dma_semaphore, #tpu.memory_space<semaphore_mem>>)
      %dma_wait3A_111 = arith.constant 0 : i32
      %dma_wait3A_112 = arith.constant 0 : i32
      %dma_wait3A_113 = tpu.memref_slice %arg8[%dma_wait3A_111, %dma_wait3A_112] : memref<200x128xf32, #tpu.memory_space<vmem>> -> memref<120x128xf32, #tpu.memory_space<vmem>>
      %dma_wait3A_114 = arith.constant 0 : i32
      %dma_wait3A_115 = tpu.memref_slice %arg10[%dma_wait3A_114] : memref<200xi32, #tpu.memory_space<vmem>> -> memref<120xi32, #tpu.memory_space<vmem>>
      %dma_wait3A_116 = arith.constant 0 : i32
      %dma_wait3A_117 = arith.constant 0 : i32
      %dma_wait3A_118 = tpu.memref_slice %arg2[%dma_wait3A_116, %dma_wait3A_117] : memref<10000x128xf32, #tpu.memory_space<hbm>> -> memref<10000x128xf32, #tpu.memory_space<hbm>>
      tpu.wait_indirect_dma semaphore(%arg16 : memref<!tpu.dma_semaphore, #tpu.memory_space<semaphore_mem>>) src(%dma_wait3A_118 : memref<10000x128xf32, #tpu.memory_space<hbm>>) dst(%dma_wait3A_113 : memref<120x128xf32, #tpu.memory_space<vmem>>)
      %dma_wait3A_119 = arith.constant 0 : i32
      %dma_wait3A_120 = arith.constant 0 : i32
      %dma_wait3A_121 = tpu.memref_slice %arg8[%dma_wait3A_119, %dma_wait3A_120] : memref<200x128xf32, #tpu.memory_space<vmem>> -> memref<120x128xf32, #tpu.memory_space<vmem>>
      %dma_wait3A_122 = arith.constant 0 : i32
      %dma_wait3A_123 = tpu.memref_slice %arg12[%dma_wait3A_122] : memref<200xi32, #tpu.memory_space<vmem>> -> memref<120xi32, #tpu.memory_space<vmem>>
      %dma_wait3A_124 = arith.constant 0 : i32
      %dma_wait3A_125 = arith.constant 0 : i32
      %dma_wait3A_126 = tpu.memref_slice %arg3[%dma_wait3A_124, %dma_wait3A_125] : memref<10000x128xf32, #tpu.memory_space<hbm>> -> memref<10000x128xf32, #tpu.memory_space<hbm>>
      tpu.wait_indirect_dma semaphore(%arg16 : memref<!tpu.dma_semaphore, #tpu.memory_space<semaphore_mem>>) src(%dma_wait3A_126 : memref<10000x128xf32, #tpu.memory_space<hbm>>) dst(%dma_wait3A_121 : memref<120x128xf32, #tpu.memory_space<vmem>>)
      %dma_wait3A_127 = arith.constant 120 : i32
      %dma_wait3A_128 = arith.constant 0 : i32
      %dma_wait3A_129 = tpu.memref_slice %arg8[%dma_wait3A_127, %dma_wait3A_128] : memref<200x128xf32, #tpu.memory_space<vmem>> -> memref<80x128xf32, #tpu.memory_space<vmem>>
      %dma_wait3A_130 = arith.constant 120 : i32
      %dma_wait3A_131 = tpu.memref_slice %arg10[%dma_wait3A_130] : memref<200xi32, #tpu.memory_space<vmem>> -> memref<80xi32, #tpu.memory_space<vmem>>
      %dma_wait3A_132 = arith.constant 0 : i32
      %dma_wait3A_133 = arith.constant 0 : i32
      %dma_wait3A_134 = tpu.memref_slice %arg2[%dma_wait3A_132, %dma_wait3A_133] : memref<10000x128xf32, #tpu.memory_space<hbm>> -> memref<10000x128xf32, #tpu.memory_space<hbm>>
      tpu.wait_indirect_dma semaphore(%arg16 : memref<!tpu.dma_semaphore, #tpu.memory_space<semaphore_mem>>) src(%dma_wait3A_134 : memref<10000x128xf32, #tpu.memory_space<hbm>>) dst(%dma_wait3A_129 : memref<80x128xf32, #tpu.memory_space<vmem>>)
      %dma_wait3A_135 = arith.constant 120 : i32
      %dma_wait3A_136 = arith.constant 0 : i32
      %dma_wait3A_137 = tpu.memref_slice %arg8[%dma_wait3A_135, %dma_wait3A_136] : memref<200x128xf32, #tpu.memory_space<vmem>> -> memref<80x128xf32, #tpu.memory_space<vmem>>
      %dma_wait3A_138 = arith.constant 120 : i32
      %dma_wait3A_139 = tpu.memref_slice %arg12[%dma_wait3A_138] : memref<200xi32, #tpu.memory_space<vmem>> -> memref<80xi32, #tpu.memory_space<vmem>>
      %dma_wait3A_140 = arith.constant 0 : i32
      %dma_wait3A_141 = arith.constant 0 : i32
      %dma_wait3A_142 = tpu.memref_slice %arg3[%dma_wait3A_140, %dma_wait3A_141] : memref<10000x128xf32, #tpu.memory_space<hbm>> -> memref<10000x128xf32, #tpu.memory_space<hbm>>
      tpu.wait_indirect_dma semaphore(%arg16 : memref<!tpu.dma_semaphore, #tpu.memory_space<semaphore_mem>>) src(%dma_wait3A_142 : memref<10000x128xf32, #tpu.memory_space<hbm>>) dst(%dma_wait3A_137 : memref<80x128xf32, #tpu.memory_space<vmem>>)
      %dma_wait3A_143 = tpu.memref_slice %arg5[%mul3A_2] : memref<320000xi32, #tpu.memory_space<hbm>> -> memref<200xi32, #tpu.memory_space<hbm>>
      %dma_wait3A_144 = tpu.memref_slice %arg5[%mul3A_2] : memref<320000xi32, #tpu.memory_space<hbm>> -> memref<200xi32, #tpu.memory_space<hbm>>
      tpu.wait_dma2 semaphore(%arg15 : memref<!tpu.dma_semaphore, #tpu.memory_space<semaphore_mem>>) src(%dma_wait3A_144 : memref<200xi32, #tpu.memory_space<hbm>>) dst(%arg11 : memref<200xi32, #tpu.memory_space<vmem>>)
      %dma_wait3A_145 = tpu.memref_slice %arg6[%mul3A_2] : memref<320000xi32, #tpu.memory_space<hbm>> -> memref<200xi32, #tpu.memory_space<hbm>>
      %dma_wait3A_146 = tpu.memref_slice %arg6[%mul3A_2] : memref<320000xi32, #tpu.memory_space<hbm>> -> memref<200xi32, #tpu.memory_space<hbm>>
      tpu.wait_dma2 semaphore(%arg15 : memref<!tpu.dma_semaphore, #tpu.memory_space<semaphore_mem>>) src(%dma_wait3A_146 : memref<200xi32, #tpu.memory_space<hbm>>) dst(%arg13 : memref<200xi32, #tpu.memory_space<vmem>>)
      %dma_wait3A_147 = arith.constant 0 : i32
      %dma_wait3A_148 = tpu.memref_slice %arg4[%mul3A_2, %dma_wait3A_147] : memref<320000x128xf32, #tpu.memory_space<hbm>> -> memref<200x128xf32, #tpu.memory_space<hbm>>
      %dma_wait3A_149 = arith.constant 0 : i32
      %dma_wait3A_150 = tpu.memref_slice %arg4[%mul3A_2, %dma_wait3A_149] : memref<320000x128xf32, #tpu.memory_space<hbm>> -> memref<200x128xf32, #tpu.memory_space<hbm>>
      tpu.wait_dma2 semaphore(%arg15 : memref<!tpu.dma_semaphore, #tpu.memory_space<semaphore_mem>>) src(%dma_wait3A_150 : memref<200x128xf32, #tpu.memory_space<hbm>>) dst(%arg9 : memref<200x128xf32, #tpu.memory_space<vmem>>)
      %dma_start3A_151 = arith.constant 0 : i32
      %dma_start3A_152 = arith.constant 0 : i32
      %dma_start3A_153 = tpu.memref_slice %arg9[%dma_start3A_151, %dma_start3A_152] : memref<200x128xf32, #tpu.memory_space<vmem>> -> memref<120x128xf32, #tpu.memory_space<vmem>>
      %dma_start3A_154 = arith.constant 0 : i32
      %dma_start3A_155 = tpu.memref_slice %arg11[%dma_start3A_154] : memref<200xi32, #tpu.memory_space<vmem>> -> memref<120xi32, #tpu.memory_space<vmem>>
      %dma_start3A_156 = arith.constant 0 : i32
      %dma_start3A_157 = arith.constant 0 : i32
      %dma_start3A_158 = tpu.memref_slice %arg2[%dma_start3A_156, %dma_start3A_157] : memref<10000x128xf32, #tpu.memory_space<hbm>> -> memref<10000x128xf32, #tpu.memory_space<hbm>>
      tpu.enqueue_indirect_dma source(%dma_start3A_158 : memref<10000x128xf32, #tpu.memory_space<hbm>>) target(%dma_start3A_153 : memref<120x128xf32, #tpu.memory_space<vmem>>) offsets(%dma_start3A_155 : memref<120xi32, #tpu.memory_space<vmem>>) semaphore(%arg17 : memref<!tpu.dma_semaphore, #tpu.memory_space<semaphore_mem>>) {add = true}
      %dma_start3A_159 = arith.constant 0 : i32
      %dma_start3A_160 = arith.constant 0 : i32
      %dma_start3A_161 = tpu.memref_slice %arg9[%dma_start3A_159, %dma_start3A_160] : memref<200x128xf32, #tpu.memory_space<vmem>> -> memref<120x128xf32, #tpu.memory_space<vmem>>
      %dma_start3A_162 = arith.constant 0 : i32
      %dma_start3A_163 = tpu.memref_slice %arg13[%dma_start3A_162] : memref<200xi32, #tpu.memory_space<vmem>> -> memref<120xi32, #tpu.memory_space<vmem>>
      %dma_start3A_164 = arith.constant 0 : i32
      %dma_start3A_165 = arith.constant 0 : i32
      %dma_start3A_166 = tpu.memref_slice %arg3[%dma_start3A_164, %dma_start3A_165] : memref<10000x128xf32, #tpu.memory_space<hbm>> -> memref<10000x128xf32, #tpu.memory_space<hbm>>
      tpu.enqueue_indirect_dma source(%dma_start3A_166 : memref<10000x128xf32, #tpu.memory_space<hbm>>) target(%dma_start3A_161 : memref<120x128xf32, #tpu.memory_space<vmem>>) offsets(%dma_start3A_163 : memref<120xi32, #tpu.memory_space<vmem>>) semaphore(%arg17 : memref<!tpu.dma_semaphore, #tpu.memory_space<semaphore_mem>>) {add = true}
      %dma_start3A_167 = arith.constant 120 : i32
      %dma_start3A_168 = arith.constant 0 : i32
      %dma_start3A_169 = tpu.memref_slice %arg9[%dma_start3A_167, %dma_start3A_168] : memref<200x128xf32, #tpu.memory_space<vmem>> -> memref<80x128xf32, #tpu.memory_space<vmem>>
      %dma_start3A_170 = arith.constant 120 : i32
      %dma_start3A_171 = tpu.memref_slice %arg11[%dma_start3A_170] : memref<200xi32, #tpu.memory_space<vmem>> -> memref<80xi32, #tpu.memory_space<vmem>>
      %dma_start3A_172 = arith.constant 0 : i32
      %dma_start3A_173 = arith.constant 0 : i32
      %dma_start3A_174 = tpu.memref_slice %arg2[%dma_start3A_172, %dma_start3A_173] : memref<10000x128xf32, #tpu.memory_space<hbm>> -> memref<10000x128xf32, #tpu.memory_space<hbm>>
      tpu.enqueue_indirect_dma source(%dma_start3A_174 : memref<10000x128xf32, #tpu.memory_space<hbm>>) target(%dma_start3A_169 : memref<80x128xf32, #tpu.memory_space<vmem>>) offsets(%dma_start3A_171 : memref<80xi32, #tpu.memory_space<vmem>>) semaphore(%arg17 : memref<!tpu.dma_semaphore, #tpu.memory_space<semaphore_mem>>) {add = true}
      %dma_start3A_175 = arith.constant 120 : i32
      %dma_start3A_176 = arith.constant 0 : i32
      %dma_start3A_177 = tpu.memref_slice %arg9[%dma_start3A_175, %dma_start3A_176] : memref<200x128xf32, #tpu.memory_space<vmem>> -> memref<80x128xf32, #tpu.memory_space<vmem>>
      %dma_start3A_178 = arith.constant 120 : i32
      %dma_start3A_179 = tpu.memref_slice %arg13[%dma_start3A_178] : memref<200xi32, #tpu.memory_space<vmem>> -> memref<80xi32, #tpu.memory_space<vmem>>
      %dma_start3A_180 = arith.constant 0 : i32
      %dma_start3A_181 = arith.constant 0 : i32
      %dma_start3A_182 = tpu.memref_slice %arg3[%dma_start3A_180, %dma_start3A_181] : memref<10000x128xf32, #tpu.memory_space<hbm>> -> memref<10000x128xf32, #tpu.memory_space<hbm>>
      tpu.enqueue_indirect_dma source(%dma_start3A_182 : memref<10000x128xf32, #tpu.memory_space<hbm>>) target(%dma_start3A_177 : memref<80x128xf32, #tpu.memory_space<vmem>>) offsets(%dma_start3A_179 : memref<80xi32, #tpu.memory_space<vmem>>) semaphore(%arg17 : memref<!tpu.dma_semaphore, #tpu.memory_space<semaphore_mem>>) {add = true}
      %mul3A_183 = arith.constant 200 : i32
      %mul3A_184 = arith.muli %add3A_95, %mul3A_183 : i32
      %add3A_185 = arith.addi %mul3A_2, %mul3A_184 : i32
      %multiple_of3A_186 = tpu.assume_multiple %add3A_185, 8 : i32
      "tpu.region"() ({
        %run_scoped3A = tpu.sem_alloc : memref<!tpu.dma_semaphore, #tpu.memory_space<semaphore_mem>>
        %dma_start3A_283 = arith.constant 0 : i32
        %dma_start3A_284 = tpu.memref_slice %arg7[%multiple_of3A_186, %dma_start3A_283] : memref<320000x128xf32, #tpu.memory_space<hbm>> -> memref<200x128xf32, #tpu.memory_space<hbm>>
        %dma_start3A_285 = arith.constant 0 : i32
        %dma_start3A_286 = tpu.memref_slice %arg7[%multiple_of3A_186, %dma_start3A_285] : memref<320000x128xf32, #tpu.memory_space<hbm>> -> memref<200x128xf32, #tpu.memory_space<hbm>>
        tpu.enqueue_dma source(%arg8 : memref<200x128xf32, #tpu.memory_space<vmem>>) target(%dma_start3A_286 : memref<200x128xf32, #tpu.memory_space<hbm>>) target_semaphore(%run_scoped3A : memref<!tpu.dma_semaphore, #tpu.memory_space<semaphore_mem>>)
        %dma_wait3A_287 = arith.constant 0 : i32
        %dma_wait3A_288 = tpu.memref_slice %arg7[%multiple_of3A_186, %dma_wait3A_287] : memref<320000x128xf32, #tpu.memory_space<hbm>> -> memref<200x128xf32, #tpu.memory_space<hbm>>
        %dma_wait3A_289 = arith.constant 0 : i32
        %dma_wait3A_290 = tpu.memref_slice %arg7[%multiple_of3A_186, %dma_wait3A_289] : memref<320000x128xf32, #tpu.memory_space<hbm>> -> memref<200x128xf32, #tpu.memory_space<hbm>>
        tpu.wait_dma2 semaphore(%run_scoped3A : memref<!tpu.dma_semaphore, #tpu.memory_space<semaphore_mem>>) src(%arg8 : memref<200x128xf32, #tpu.memory_space<vmem>>) dst(%dma_wait3A_290 : memref<200x128xf32, #tpu.memory_space<hbm>>)
        tpu.yield
      }) : () -> ()
      %mul3A_187 = arith.constant 2 : i32
      %mul3A_188 = arith.muli %mul3A_187, %add3A_91 : i32
      %add3A_189 = arith.constant 1 : i32
      %add3A_190 = arith.addi %mul3A_188, %add3A_189 : i32
      %add3A_191 = arith.constant 1 : i32
      %add3A_192 = arith.addi %add3A_190, %add3A_191 : i32
      %min3A_193 = arith.constant 49 : i32
      %min3A_194 = arith.minsi %add3A_192, %min3A_193 : i32
      %mul3A_195 = arith.constant 200 : i32
      %mul3A_196 = arith.muli %min3A_194, %mul3A_195 : i32
      %add3A_197 = arith.addi %mul3A_2, %mul3A_196 : i32
      %multiple_of3A_198 = tpu.assume_multiple %add3A_197, 8 : i32
      %dma_start3A_199 = tpu.memref_slice %arg5[%multiple_of3A_198] : memref<320000xi32, #tpu.memory_space<hbm>> -> memref<200xi32, #tpu.memory_space<hbm>>
      %dma_start3A_200 = tpu.memref_slice %arg5[%multiple_of3A_198] : memref<320000xi32, #tpu.memory_space<hbm>> -> memref<200xi32, #tpu.memory_space<hbm>>
      tpu.enqueue_dma source(%dma_start3A_200 : memref<200xi32, #tpu.memory_space<hbm>>) target(%arg10 : memref<200xi32, #tpu.memory_space<vmem>>) target_semaphore(%arg14 : memref<!tpu.dma_semaphore, #tpu.memory_space<semaphore_mem>>)
      %dma_start3A_201 = tpu.memref_slice %arg6[%multiple_of3A_198] : memref<320000xi32, #tpu.memory_space<hbm>> -> memref<200xi32, #tpu.memory_space<hbm>>
      %dma_start3A_202 = tpu.memref_slice %arg6[%multiple_of3A_198] : memref<320000xi32, #tpu.memory_space<hbm>> -> memref<200xi32, #tpu.memory_space<hbm>>
      tpu.enqueue_dma source(%dma_start3A_202 : memref<200xi32, #tpu.memory_space<hbm>>) target(%arg12 : memref<200xi32, #tpu.memory_space<vmem>>) target_semaphore(%arg14 : memref<!tpu.dma_semaphore, #tpu.memory_space<semaphore_mem>>)
      %dma_start3A_203 = arith.constant 0 : i32
      %dma_start3A_204 = tpu.memref_slice %arg4[%multiple_of3A_198, %dma_start3A_203] : memref<320000x128xf32, #tpu.memory_space<hbm>> -> memref<200x128xf32, #tpu.memory_space<hbm>>
      %dma_start3A_205 = arith.constant 0 : i32
      %dma_start3A_206 = tpu.memref_slice %arg4[%multiple_of3A_198, %dma_start3A_205] : memref<320000x128xf32, #tpu.memory_space<hbm>> -> memref<200x128xf32, #tpu.memory_space<hbm>>
      tpu.enqueue_dma source(%dma_start3A_206 : memref<200x128xf32, #tpu.memory_space<hbm>>) target(%arg8 : memref<200x128xf32, #tpu.memory_space<vmem>>) target_semaphore(%arg14 : memref<!tpu.dma_semaphore, #tpu.memory_space<semaphore_mem>>)
      %dma_wait3A_207 = arith.constant 0 : i32
      %dma_wait3A_208 = arith.constant 0 : i32
      %dma_wait3A_209 = tpu.memref_slice %arg9[%dma_wait3A_207, %dma_wait3A_208] : memref<200x128xf32, #tpu.memory_space<vmem>> -> memref<120x128xf32, #tpu.memory_space<vmem>>
      %dma_wait3A_210 = arith.constant 0 : i32
      %dma_wait3A_211 = tpu.memref_slice %arg11[%dma_wait3A_210] : memref<200xi32, #tpu.memory_space<vmem>> -> memref<120xi32, #tpu.memory_space<vmem>>
      %dma_wait3A_212 = arith.constant 0 : i32
      %dma_wait3A_213 = arith.constant 0 : i32
      %dma_wait3A_214 = tpu.memref_slice %arg2[%dma_wait3A_212, %dma_wait3A_213] : memref<10000x128xf32, #tpu.memory_space<hbm>> -> memref<10000x128xf32, #tpu.memory_space<hbm>>
      tpu.wait_indirect_dma semaphore(%arg17 : memref<!tpu.dma_semaphore, #tpu.memory_space<semaphore_mem>>) src(%dma_wait3A_214 : memref<10000x128xf32, #tpu.memory_space<hbm>>) dst(%dma_wait3A_209 : memref<120x128xf32, #tpu.memory_space<vmem>>)
      %dma_wait3A_215 = arith.constant 0 : i32
      %dma_wait3A_216 = arith.constant 0 : i32
      %dma_wait3A_217 = tpu.memref_slice %arg9[%dma_wait3A_215, %dma_wait3A_216] : memref<200x128xf32, #tpu.memory_space<vmem>> -> memref<120x128xf32, #tpu.memory_space<vmem>>
      %dma_wait3A_218 = arith.constant 0 : i32
      %dma_wait3A_219 = tpu.memref_slice %arg13[%dma_wait3A_218] : memref<200xi32, #tpu.memory_space<vmem>> -> memref<120xi32, #tpu.memory_space<vmem>>
      %dma_wait3A_220 = arith.constant 0 : i32
      %dma_wait3A_221 = arith.constant 0 : i32
      %dma_wait3A_222 = tpu.memref_slice %arg3[%dma_wait3A_220, %dma_wait3A_221] : memref<10000x128xf32, #tpu.memory_space<hbm>> -> memref<10000x128xf32, #tpu.memory_space<hbm>>
      tpu.wait_indirect_dma semaphore(%arg17 : memref<!tpu.dma_semaphore, #tpu.memory_space<semaphore_mem>>) src(%dma_wait3A_222 : memref<10000x128xf32, #tpu.memory_space<hbm>>) dst(%dma_wait3A_217 : memref<120x128xf32, #tpu.memory_space<vmem>>)
      %dma_wait3A_223 = arith.constant 120 : i32
      %dma_wait3A_224 = arith.constant 0 : i32
      %dma_wait3A_225 = tpu.memref_slice %arg9[%dma_wait3A_223, %dma_wait3A_224] : memref<200x128xf32, #tpu.memory_space<vmem>> -> memref<80x128xf32, #tpu.memory_space<vmem>>
      %dma_wait3A_226 = arith.constant 120 : i32
      %dma_wait3A_227 = tpu.memref_slice %arg11[%dma_wait3A_226] : memref<200xi32, #tpu.memory_space<vmem>> -> memref<80xi32, #tpu.memory_space<vmem>>
      %dma_wait3A_228 = arith.constant 0 : i32
      %dma_wait3A_229 = arith.constant 0 : i32
      %dma_wait3A_230 = tpu.memref_slice %arg2[%dma_wait3A_228, %dma_wait3A_229] : memref<10000x128xf32, #tpu.memory_space<hbm>> -> memref<10000x128xf32, #tpu.memory_space<hbm>>
      tpu.wait_indirect_dma semaphore(%arg17 : memref<!tpu.dma_semaphore, #tpu.memory_space<semaphore_mem>>) src(%dma_wait3A_230 : memref<10000x128xf32, #tpu.memory_space<hbm>>) dst(%dma_wait3A_225 : memref<80x128xf32, #tpu.memory_space<vmem>>)
      %dma_wait3A_231 = arith.constant 120 : i32
      %dma_wait3A_232 = arith.constant 0 : i32
      %dma_wait3A_233 = tpu.memref_slice %arg9[%dma_wait3A_231, %dma_wait3A_232] : memref<200x128xf32, #tpu.memory_space<vmem>> -> memref<80x128xf32, #tpu.memory_space<vmem>>
      %dma_wait3A_234 = arith.constant 120 : i32
      %dma_wait3A_235 = tpu.memref_slice %arg13[%dma_wait3A_234] : memref<200xi32, #tpu.memory_space<vmem>> -> memref<80xi32, #tpu.memory_space<vmem>>
      %dma_wait3A_236 = arith.constant 0 : i32
      %dma_wait3A_237 = arith.constant 0 : i32
      %dma_wait3A_238 = tpu.memref_slice %arg3[%dma_wait3A_236, %dma_wait3A_237] : memref<10000x128xf32, #tpu.memory_space<hbm>> -> memref<10000x128xf32, #tpu.memory_space<hbm>>
      tpu.wait_indirect_dma semaphore(%arg17 : memref<!tpu.dma_semaphore, #tpu.memory_space<semaphore_mem>>) src(%dma_wait3A_238 : memref<10000x128xf32, #tpu.memory_space<hbm>>) dst(%dma_wait3A_233 : memref<80x128xf32, #tpu.memory_space<vmem>>)
      %dma_wait3A_239 = tpu.memref_slice %arg5[%mul3A_2] : memref<320000xi32, #tpu.memory_space<hbm>> -> memref<200xi32, #tpu.memory_space<hbm>>
      %dma_wait3A_240 = tpu.memref_slice %arg5[%mul3A_2] : memref<320000xi32, #tpu.memory_space<hbm>> -> memref<200xi32, #tpu.memory_space<hbm>>
      tpu.wait_dma2 semaphore(%arg14 : memref<!tpu.dma_semaphore, #tpu.memory_space<semaphore_mem>>) src(%dma_wait3A_240 : memref<200xi32, #tpu.memory_space<hbm>>) dst(%arg10 : memref<200xi32, #tpu.memory_space<vmem>>)
      %dma_wait3A_241 = tpu.memref_slice %arg6[%mul3A_2] : memref<320000xi32, #tpu.memory_space<hbm>> -> memref<200xi32, #tpu.memory_space<hbm>>
      %dma_wait3A_242 = tpu.memref_slice %arg6[%mul3A_2] : memref<320000xi32, #tpu.memory_space<hbm>> -> memref<200xi32, #tpu.memory_space<hbm>>
      tpu.wait_dma2 semaphore(%arg14 : memref<!tpu.dma_semaphore, #tpu.memory_space<semaphore_mem>>) src(%dma_wait3A_242 : memref<200xi32, #tpu.memory_space<hbm>>) dst(%arg12 : memref<200xi32, #tpu.memory_space<vmem>>)
      %dma_wait3A_243 = arith.constant 0 : i32
      %dma_wait3A_244 = tpu.memref_slice %arg4[%mul3A_2, %dma_wait3A_243] : memref<320000x128xf32, #tpu.memory_space<hbm>> -> memref<200x128xf32, #tpu.memory_space<hbm>>
      %dma_wait3A_245 = arith.constant 0 : i32
      %dma_wait3A_246 = tpu.memref_slice %arg4[%mul3A_2, %dma_wait3A_245] : memref<320000x128xf32, #tpu.memory_space<hbm>> -> memref<200x128xf32, #tpu.memory_space<hbm>>
      tpu.wait_dma2 semaphore(%arg14 : memref<!tpu.dma_semaphore, #tpu.memory_space<semaphore_mem>>) src(%dma_wait3A_246 : memref<200x128xf32, #tpu.memory_space<hbm>>) dst(%arg8 : memref<200x128xf32, #tpu.memory_space<vmem>>)
      %dma_start3A_247 = arith.constant 0 : i32
      %dma_start3A_248 = arith.constant 0 : i32
      %dma_start3A_249 = tpu.memref_slice %arg8[%dma_start3A_247, %dma_start3A_248] : memref<200x128xf32, #tpu.memory_space<vmem>> -> memref<120x128xf32, #tpu.memory_space<vmem>>
      %dma_start3A_250 = arith.constant 0 : i32
      %dma_start3A_251 = tpu.memref_slice %arg10[%dma_start3A_250] : memref<200xi32, #tpu.memory_space<vmem>> -> memref<120xi32, #tpu.memory_space<vmem>>
      %dma_start3A_252 = arith.constant 0 : i32
      %dma_start3A_253 = arith.constant 0 : i32
      %dma_start3A_254 = tpu.memref_slice %arg2[%dma_start3A_252, %dma_start3A_253] : memref<10000x128xf32, #tpu.memory_space<hbm>> -> memref<10000x128xf32, #tpu.memory_space<hbm>>
      tpu.enqueue_indirect_dma source(%dma_start3A_254 : memref<10000x128xf32, #tpu.memory_space<hbm>>) target(%dma_start3A_249 : memref<120x128xf32, #tpu.memory_space<vmem>>) offsets(%dma_start3A_251 : memref<120xi32, #tpu.memory_space<vmem>>) semaphore(%arg16 : memref<!tpu.dma_semaphore, #tpu.memory_space<semaphore_mem>>) {add = true}
      %dma_start3A_255 = arith.constant 0 : i32
      %dma_start3A_256 = arith.constant 0 : i32
      %dma_start3A_257 = tpu.memref_slice %arg8[%dma_start3A_255, %dma_start3A_256] : memref<200x128xf32, #tpu.memory_space<vmem>> -> memref<120x128xf32, #tpu.memory_space<vmem>>
      %dma_start3A_258 = arith.constant 0 : i32
      %dma_start3A_259 = tpu.memref_slice %arg12[%dma_start3A_258] : memref<200xi32, #tpu.memory_space<vmem>> -> memref<120xi32, #tpu.memory_space<vmem>>
      %dma_start3A_260 = arith.constant 0 : i32
      %dma_start3A_261 = arith.constant 0 : i32
      %dma_start3A_262 = tpu.memref_slice %arg3[%dma_start3A_260, %dma_start3A_261] : memref<10000x128xf32, #tpu.memory_space<hbm>> -> memref<10000x128xf32, #tpu.memory_space<hbm>>
      tpu.enqueue_indirect_dma source(%dma_start3A_262 : memref<10000x128xf32, #tpu.memory_space<hbm>>) target(%dma_start3A_257 : memref<120x128xf32, #tpu.memory_space<vmem>>) offsets(%dma_start3A_259 : memref<120xi32, #tpu.memory_space<vmem>>) semaphore(%arg16 : memref<!tpu.dma_semaphore, #tpu.memory_space<semaphore_mem>>) {add = true}
      %dma_start3A_263 = arith.constant 120 : i32
      %dma_start3A_264 = arith.constant 0 : i32
      %dma_start3A_265 = tpu.memref_slice %arg8[%dma_start3A_263, %dma_start3A_264] : memref<200x128xf32, #tpu.memory_space<vmem>> -> memref<80x128xf32, #tpu.memory_space<vmem>>
      %dma_start3A_266 = arith.constant 120 : i32
      %dma_start3A_267 = tpu.memref_slice %arg10[%dma_start3A_266] : memref<200xi32, #tpu.memory_space<vmem>> -> memref<80xi32, #tpu.memory_space<vmem>>
      %dma_start3A_268 = arith.constant 0 : i32
      %dma_start3A_269 = arith.constant 0 : i32
      %dma_start3A_270 = tpu.memref_slice %arg2[%dma_start3A_268, %dma_start3A_269] : memref<10000x128xf32, #tpu.memory_space<hbm>> -> memref<10000x128xf32, #tpu.memory_space<hbm>>
      tpu.enqueue_indirect_dma source(%dma_start3A_270 : memref<10000x128xf32, #tpu.memory_space<hbm>>) target(%dma_start3A_265 : memref<80x128xf32, #tpu.memory_space<vmem>>) offsets(%dma_start3A_267 : memref<80xi32, #tpu.memory_space<vmem>>) semaphore(%arg16 : memref<!tpu.dma_semaphore, #tpu.memory_space<semaphore_mem>>) {add = true}
      %dma_start3A_271 = arith.constant 120 : i32
      %dma_start3A_272 = arith.constant 0 : i32
      %dma_start3A_273 = tpu.memref_slice %arg8[%dma_start3A_271, %dma_start3A_272] : memref<200x128xf32, #tpu.memory_space<vmem>> -> memref<80x128xf32, #tpu.memory_space<vmem>>
      %dma_start3A_274 = arith.constant 120 : i32
      %dma_start3A_275 = tpu.memref_slice %arg12[%dma_start3A_274] : memref<200xi32, #tpu.memory_space<vmem>> -> memref<80xi32, #tpu.memory_space<vmem>>
      %dma_start3A_276 = arith.constant 0 : i32
      %dma_start3A_277 = arith.constant 0 : i32
      %dma_start3A_278 = tpu.memref_slice %arg3[%dma_start3A_276, %dma_start3A_277] : memref<10000x128xf32, #tpu.memory_space<hbm>> -> memref<10000x128xf32, #tpu.memory_space<hbm>>
      tpu.enqueue_indirect_dma source(%dma_start3A_278 : memref<10000x128xf32, #tpu.memory_space<hbm>>) target(%dma_start3A_273 : memref<80x128xf32, #tpu.memory_space<vmem>>) offsets(%dma_start3A_275 : memref<80xi32, #tpu.memory_space<vmem>>) semaphore(%arg16 : memref<!tpu.dma_semaphore, #tpu.memory_space<semaphore_mem>>) {add = true}
      %mul3A_279 = arith.constant 200 : i32
      %mul3A_280 = arith.muli %add3A_190, %mul3A_279 : i32
      %add3A_281 = arith.addi %mul3A_2, %mul3A_280 : i32
      %multiple_of3A_282 = tpu.assume_multiple %add3A_281, 8 : i32
      "tpu.region"() ({
        %run_scoped3A = tpu.sem_alloc : memref<!tpu.dma_semaphore, #tpu.memory_space<semaphore_mem>>
        %dma_start3A_283 = arith.constant 0 : i32
        %dma_start3A_284 = tpu.memref_slice %arg7[%multiple_of3A_282, %dma_start3A_283] : memref<320000x128xf32, #tpu.memory_space<hbm>> -> memref<200x128xf32, #tpu.memory_space<hbm>>
        %dma_start3A_285 = arith.constant 0 : i32
        %dma_start3A_286 = tpu.memref_slice %arg7[%multiple_of3A_282, %dma_start3A_285] : memref<320000x128xf32, #tpu.memory_space<hbm>> -> memref<200x128xf32, #tpu.memory_space<hbm>>
        tpu.enqueue_dma source(%arg9 : memref<200x128xf32, #tpu.memory_space<vmem>>) target(%dma_start3A_286 : memref<200x128xf32, #tpu.memory_space<hbm>>) target_semaphore(%run_scoped3A : memref<!tpu.dma_semaphore, #tpu.memory_space<semaphore_mem>>)
        %dma_wait3A_287 = arith.constant 0 : i32
        %dma_wait3A_288 = tpu.memref_slice %arg7[%multiple_of3A_282, %dma_wait3A_287] : memref<320000x128xf32, #tpu.memory_space<hbm>> -> memref<200x128xf32, #tpu.memory_space<hbm>>
        %dma_wait3A_289 = arith.constant 0 : i32
        %dma_wait3A_290 = tpu.memref_slice %arg7[%multiple_of3A_282, %dma_wait3A_289] : memref<320000x128xf32, #tpu.memory_space<hbm>> -> memref<200x128xf32, #tpu.memory_space<hbm>>
        tpu.wait_dma2 semaphore(%run_scoped3A : memref<!tpu.dma_semaphore, #tpu.memory_space<semaphore_mem>>) src(%arg9 : memref<200x128xf32, #tpu.memory_space<vmem>>) dst(%dma_wait3A_290 : memref<200x128xf32, #tpu.memory_space<hbm>>)
        tpu.yield
      }) : () -> ()
    }
    %scan3A_54 = arith.constant 25 : i32
    %dma_wait3A_55 = arith.constant 0 : i32
    %dma_wait3A_56 = arith.constant 0 : i32
    %dma_wait3A_57 = tpu.memref_slice %arg8[%dma_wait3A_55, %dma_wait3A_56] : memref<200x128xf32, #tpu.memory_space<vmem>> -> memref<120x128xf32, #tpu.memory_space<vmem>>
    %dma_wait3A_58 = arith.constant 0 : i32
    %dma_wait3A_59 = tpu.memref_slice %arg10[%dma_wait3A_58] : memref<200xi32, #tpu.memory_space<vmem>> -> memref<120xi32, #tpu.memory_space<vmem>>
    %dma_wait3A_60 = arith.constant 0 : i32
    %dma_wait3A_61 = arith.constant 0 : i32
    %dma_wait3A_62 = tpu.memref_slice %arg2[%dma_wait3A_60, %dma_wait3A_61] : memref<10000x128xf32, #tpu.memory_space<hbm>> -> memref<10000x128xf32, #tpu.memory_space<hbm>>
    tpu.wait_indirect_dma semaphore(%arg16 : memref<!tpu.dma_semaphore, #tpu.memory_space<semaphore_mem>>) src(%dma_wait3A_62 : memref<10000x128xf32, #tpu.memory_space<hbm>>) dst(%dma_wait3A_57 : memref<120x128xf32, #tpu.memory_space<vmem>>)
    %dma_wait3A_63 = arith.constant 0 : i32
    %dma_wait3A_64 = arith.constant 0 : i32
    %dma_wait3A_65 = tpu.memref_slice %arg8[%dma_wait3A_63, %dma_wait3A_64] : memref<200x128xf32, #tpu.memory_space<vmem>> -> memref<120x128xf32, #tpu.memory_space<vmem>>
    %dma_wait3A_66 = arith.constant 0 : i32
    %dma_wait3A_67 = tpu.memref_slice %arg12[%dma_wait3A_66] : memref<200xi32, #tpu.memory_space<vmem>> -> memref<120xi32, #tpu.memory_space<vmem>>
    %dma_wait3A_68 = arith.constant 0 : i32
    %dma_wait3A_69 = arith.constant 0 : i32
    %dma_wait3A_70 = tpu.memref_slice %arg3[%dma_wait3A_68, %dma_wait3A_69] : memref<10000x128xf32, #tpu.memory_space<hbm>> -> memref<10000x128xf32, #tpu.memory_space<hbm>>
    tpu.wait_indirect_dma semaphore(%arg16 : memref<!tpu.dma_semaphore, #tpu.memory_space<semaphore_mem>>) src(%dma_wait3A_70 : memref<10000x128xf32, #tpu.memory_space<hbm>>) dst(%dma_wait3A_65 : memref<120x128xf32, #tpu.memory_space<vmem>>)
    %dma_wait3A_71 = arith.constant 120 : i32
    %dma_wait3A_72 = arith.constant 0 : i32
    %dma_wait3A_73 = tpu.memref_slice %arg8[%dma_wait3A_71, %dma_wait3A_72] : memref<200x128xf32, #tpu.memory_space<vmem>> -> memref<80x128xf32, #tpu.memory_space<vmem>>
    %dma_wait3A_74 = arith.constant 120 : i32
    %dma_wait3A_75 = tpu.memref_slice %arg10[%dma_wait3A_74] : memref<200xi32, #tpu.memory_space<vmem>> -> memref<80xi32, #tpu.memory_space<vmem>>
    %dma_wait3A_76 = arith.constant 0 : i32
    %dma_wait3A_77 = arith.constant 0 : i32
    %dma_wait3A_78 = tpu.memref_slice %arg2[%dma_wait3A_76, %dma_wait3A_77] : memref<10000x128xf32, #tpu.memory_space<hbm>> -> memref<10000x128xf32, #tpu.memory_space<hbm>>
    tpu.wait_indirect_dma semaphore(%arg16 : memref<!tpu.dma_semaphore, #tpu.memory_space<semaphore_mem>>) src(%dma_wait3A_78 : memref<10000x128xf32, #tpu.memory_space<hbm>>) dst(%dma_wait3A_73 : memref<80x128xf32, #tpu.memory_space<vmem>>)
    %dma_wait3A_79 = arith.constant 120 : i32
    %dma_wait3A_80 = arith.constant 0 : i32
    %dma_wait3A_81 = tpu.memref_slice %arg8[%dma_wait3A_79, %dma_wait3A_80] : memref<200x128xf32, #tpu.memory_space<vmem>> -> memref<80x128xf32, #tpu.memory_space<vmem>>
    %dma_wait3A_82 = arith.constant 120 : i32
    %dma_wait3A_83 = tpu.memref_slice %arg12[%dma_wait3A_82] : memref<200xi32, #tpu.memory_space<vmem>> -> memref<80xi32, #tpu.memory_space<vmem>>
    %dma_wait3A_84 = arith.constant 0 : i32
    %dma_wait3A_85 = arith.constant 0 : i32
    %dma_wait3A_86 = tpu.memref_slice %arg3[%dma_wait3A_84, %dma_wait3A_85] : memref<10000x128xf32, #tpu.memory_space<hbm>> -> memref<10000x128xf32, #tpu.memory_space<hbm>>
    tpu.wait_indirect_dma semaphore(%arg16 : memref<!tpu.dma_semaphore, #tpu.memory_space<semaphore_mem>>) src(%dma_wait3A_86 : memref<10000x128xf32, #tpu.memory_space<hbm>>) dst(%dma_wait3A_81 : memref<80x128xf32, #tpu.memory_space<vmem>>)
    return
  }
}

#map = affine_map<(d0, d1) -> (0)>
#map1 = affine_map<(d0, d1) -> (0, 0)>
#map2 = affine_map<(d0, d1) -> (0, 0, 0)>
module attributes {stable_mosaic.version = 14 : i64} {
  func.func @_sc_den(%arg0: i32, %arg1: i32, %arg2: memref<320000xi32, #tpu.memory_space<hbm>>, %arg3: memref<320000x16xf32, #tpu.memory_space<hbm>>, %arg4: memref<2x10000x128xf32, #tpu.memory_space<hbm>>, %arg5: memref<80xi32, #tpu.memory_space<vmem>>, %arg6: memref<80x16xf32, #tpu.memory_space<vmem>>, %arg7: memref<80x128xf32, #tpu.memory_space<vmem>>, %arg8: memref<8x128xf32, #tpu.memory_space<vmem>>, %arg9: memref<10000x128xf32, #tpu.memory_space<vmem_shared>>, %arg10: memref<!tpu.dma_semaphore, #tpu.memory_space<semaphore_mem>>, %arg11: memref<!tpu.dma_semaphore, #tpu.memory_space<semaphore_mem>>) attributes {dimension_semantics = [#tpu.dimension_semantics<core_parallel>, #tpu.dimension_semantics<subcore_parallel>], iteration_bounds = array<i64: 2, 16>, scalar_prefetch = 0 : i64, scratch_operands = 7 : i64, tpu.core_type = #tpu.core_type<sc_vector_subcore>, window_params = [{transform_indices = #map}, {transform_indices = #map1}, {transform_indices = #map2}]} {
    %mul3A = arith.constant 2 : i32
    %mul3A_0 = arith.muli %arg1, %mul3A : i32
    %add3A = arith.addi %mul3A_0, %arg0 : i32
    %mul3A_1 = arith.constant 10000 : i32
    %mul3A_2 = arith.muli %add3A, %mul3A_1 : i32
    %eq3A = arith.constant 15 : i32
    %eq3A_3 = arith.cmpi eq, %arg1, %eq3A : i32
    %jit3A = arith.constant 5 : i32
    %jit3A_4 = arith.constant 8 : i32
    %select_n3A = arith.select %eq3A_3, %jit3A, %jit3A_4 : i32
    %mul3A_5 = arith.constant 640 : i32
    %mul3A_6 = arith.muli %arg1, %mul3A_5 : i32
    %scan3A = arith.constant 0 : i32
    %scan3A_7 = arith.constant 8 : i32
    %scan3A_8 = arith.addi %scan3A, %scan3A_7 : i32
    %scan3A_9 = arith.constant 1 : i32
    scf.for %scan3A_59 = %scan3A to %scan3A_8 step %scan3A_9  : i32 {
      %mul3A_60 = arith.constant 1 : i32
      %mul3A_61 = arith.muli %scan3A_59, %mul3A_60 : i32
      %add3A_62 = arith.constant 0 : i32
      %add3A_63 = arith.addi %add3A_62, %mul3A_61 : i32
      %broadcast_in_dim3A = arith.constant 0.000000e+00 : f32
      %broadcast_in_dim3A_64 = vector.broadcast %broadcast_in_dim3A : f32 to vector<16xf32>
      %swap3A = arith.index_cast %add3A_63 : i32 to index
      %swap3A_65 = arith.constant 0 : index
      %swap3A_66 = tpu.vector_load %arg8[%swap3A, %swap3A_65] {strides = array<i32>} : memref<8x128xf32, #tpu.memory_space<vmem>>, vector<1x16xf32>,
      %swap3A_67 = vector.shape_cast %swap3A_66 : vector<1x16xf32> to vector<16xf32>
      %swap3A_68 = vector.shape_cast %broadcast_in_dim3A_64 : vector<16xf32> to vector<1x16xf32>
      tpu.vector_store %arg8[%swap3A, %swap3A_65], %swap3A_68 {strides = array<i32>} : memref<8x128xf32, #tpu.memory_space<vmem>>, vector<1x16xf32>,
      %broadcast_in_dim3A_69 = arith.constant 0.000000e+00 : f32
      %broadcast_in_dim3A_70 = vector.broadcast %broadcast_in_dim3A_69 : f32 to vector<16xf32>
      %swap3A_71 = arith.index_cast %add3A_63 : i32 to index
      %swap3A_72 = arith.constant 16 : index
      %swap3A_73 = tpu.vector_load %arg8[%swap3A_71, %swap3A_72] {strides = array<i32>} : memref<8x128xf32, #tpu.memory_space<vmem>>, vector<1x16xf32>,
      %swap3A_74 = vector.shape_cast %swap3A_73 : vector<1x16xf32> to vector<16xf32>
      %swap3A_75 = vector.shape_cast %broadcast_in_dim3A_70 : vector<16xf32> to vector<1x16xf32>
      tpu.vector_store %arg8[%swap3A_71, %swap3A_72], %swap3A_75 {strides = array<i32>} : memref<8x128xf32, #tpu.memory_space<vmem>>, vector<1x16xf32>,
      %broadcast_in_dim3A_76 = arith.constant 0.000000e+00 : f32
      %broadcast_in_dim3A_77 = vector.broadcast %broadcast_in_dim3A_76 : f32 to vector<16xf32>
      %swap3A_78 = arith.index_cast %add3A_63 : i32 to index
      %swap3A_79 = arith.constant 32 : index
      %swap3A_80 = tpu.vector_load %arg8[%swap3A_78, %swap3A_79] {strides = array<i32>} : memref<8x128xf32, #tpu.memory_space<vmem>>, vector<1x16xf32>,
      %swap3A_81 = vector.shape_cast %swap3A_80 : vector<1x16xf32> to vector<16xf32>
      %swap3A_82 = vector.shape_cast %broadcast_in_dim3A_77 : vector<16xf32> to vector<1x16xf32>
      tpu.vector_store %arg8[%swap3A_78, %swap3A_79], %swap3A_82 {strides = array<i32>} : memref<8x128xf32, #tpu.memory_space<vmem>>, vector<1x16xf32>,
      %broadcast_in_dim3A_83 = arith.constant 0.000000e+00 : f32
      %broadcast_in_dim3A_84 = vector.broadcast %broadcast_in_dim3A_83 : f32 to vector<16xf32>
      %swap3A_85 = arith.index_cast %add3A_63 : i32 to index
      %swap3A_86 = arith.constant 48 : index
      %swap3A_87 = tpu.vector_load %arg8[%swap3A_85, %swap3A_86] {strides = array<i32>} : memref<8x128xf32, #tpu.memory_space<vmem>>, vector<1x16xf32>,
      %swap3A_88 = vector.shape_cast %swap3A_87 : vector<1x16xf32> to vector<16xf32>
      %swap3A_89 = vector.shape_cast %broadcast_in_dim3A_84 : vector<16xf32> to vector<1x16xf32>
      tpu.vector_store %arg8[%swap3A_85, %swap3A_86], %swap3A_89 {strides = array<i32>} : memref<8x128xf32, #tpu.memory_space<vmem>>, vector<1x16xf32>,
      %broadcast_in_dim3A_90 = arith.constant 0.000000e+00 : f32
      %broadcast_in_dim3A_91 = vector.broadcast %broadcast_in_dim3A_90 : f32 to vector<16xf32>
      %swap3A_92 = arith.index_cast %add3A_63 : i32 to index
      %swap3A_93 = arith.constant 64 : index
      %swap3A_94 = tpu.vector_load %arg8[%swap3A_92, %swap3A_93] {strides = array<i32>} : memref<8x128xf32, #tpu.memory_space<vmem>>, vector<1x16xf32>,
      %swap3A_95 = vector.shape_cast %swap3A_94 : vector<1x16xf32> to vector<16xf32>
      %swap3A_96 = vector.shape_cast %broadcast_in_dim3A_91 : vector<16xf32> to vector<1x16xf32>
      tpu.vector_store %arg8[%swap3A_92, %swap3A_93], %swap3A_96 {strides = array<i32>} : memref<8x128xf32, #tpu.memory_space<vmem>>, vector<1x16xf32>,
      %broadcast_in_dim3A_97 = arith.constant 0.000000e+00 : f32
      %broadcast_in_dim3A_98 = vector.broadcast %broadcast_in_dim3A_97 : f32 to vector<16xf32>
      %swap3A_99 = arith.index_cast %add3A_63 : i32 to index
      %swap3A_100 = arith.constant 80 : index
      %swap3A_101 = tpu.vector_load %arg8[%swap3A_99, %swap3A_100] {strides = array<i32>} : memref<8x128xf32, #tpu.memory_space<vmem>>, vector<1x16xf32>,
      %swap3A_102 = vector.shape_cast %swap3A_101 : vector<1x16xf32> to vector<16xf32>
      %swap3A_103 = vector.shape_cast %broadcast_in_dim3A_98 : vector<16xf32> to vector<1x16xf32>
      tpu.vector_store %arg8[%swap3A_99, %swap3A_100], %swap3A_103 {strides = array<i32>} : memref<8x128xf32, #tpu.memory_space<vmem>>, vector<1x16xf32>,
      %broadcast_in_dim3A_104 = arith.constant 0.000000e+00 : f32
      %broadcast_in_dim3A_105 = vector.broadcast %broadcast_in_dim3A_104 : f32 to vector<16xf32>
      %swap3A_106 = arith.index_cast %add3A_63 : i32 to index
      %swap3A_107 = arith.constant 96 : index
      %swap3A_108 = tpu.vector_load %arg8[%swap3A_106, %swap3A_107] {strides = array<i32>} : memref<8x128xf32, #tpu.memory_space<vmem>>, vector<1x16xf32>,
      %swap3A_109 = vector.shape_cast %swap3A_108 : vector<1x16xf32> to vector<16xf32>
      %swap3A_110 = vector.shape_cast %broadcast_in_dim3A_105 : vector<16xf32> to vector<1x16xf32>
      tpu.vector_store %arg8[%swap3A_106, %swap3A_107], %swap3A_110 {strides = array<i32>} : memref<8x128xf32, #tpu.memory_space<vmem>>, vector<1x16xf32>,
      %broadcast_in_dim3A_111 = arith.constant 0.000000e+00 : f32
      %broadcast_in_dim3A_112 = vector.broadcast %broadcast_in_dim3A_111 : f32 to vector<16xf32>
      %swap3A_113 = arith.index_cast %add3A_63 : i32 to index
      %swap3A_114 = arith.constant 112 : index
      %swap3A_115 = tpu.vector_load %arg8[%swap3A_113, %swap3A_114] {strides = array<i32>} : memref<8x128xf32, #tpu.memory_space<vmem>>, vector<1x16xf32>,
      %swap3A_116 = vector.shape_cast %swap3A_115 : vector<1x16xf32> to vector<16xf32>
      %swap3A_117 = vector.shape_cast %broadcast_in_dim3A_112 : vector<16xf32> to vector<1x16xf32>
      tpu.vector_store %arg8[%swap3A_113, %swap3A_114], %swap3A_117 {strides = array<i32>} : memref<8x128xf32, #tpu.memory_space<vmem>>, vector<1x16xf32>,
    }
    %scan3A_10 = arith.constant 8 : i32
    %mul3A_11 = arith.constant 10 : i32
    %mul3A_12 = arith.muli %select_n3A, %mul3A_11 : i32
    %sub3A = arith.constant 0 : i32
    %sub3A_13 = arith.subi %mul3A_12, %sub3A : i32
    %sub3A_14 = arith.constant 1 : i32
    %sub3A_15 = arith.constant 1 : i32
    %sub3A_16 = arith.subi %sub3A_14, %sub3A_15 : i32
    %add3A_17 = arith.addi %sub3A_13, %sub3A_16 : i32
    %div3A = arith.constant 1 : i32
    %div3A_18 = arith.divsi %add3A_17, %div3A : i32
    %while3A = arith.constant 1 : i32
    %while3A_19 = arith.constant 0 : i32
    %while3A_20 = arith.constant 0 : i32
    %while3A_21 = arith.subi %div3A_18, %while3A_20 : i32
    %while3A_22 = arith.addi %while3A_20, %while3A_21 : i32
    %while3A_23 = arith.constant 1 : i32
    %while3A_24 = arith.divsi %while3A_21, %while3A_23 : i32
    %while3A_25 = arith.muli %while3A_24, %while3A_23 : i32
    %while3A_26 = arith.addi %while3A_20, %while3A_25 : i32
    %while3A_27 = arith.constant 1 : i32
    scf.for %while3A_59 = %while3A_20 to %while3A_26 step %while3A_27  : i32 {
      %mul3A_60 = arith.muli %while3A_59, %while3A : i32
      %add3A_61 = arith.addi %while3A_19, %mul3A_60 : i32
      %mul3A_62 = arith.constant 8 : i32
      %mul3A_63 = arith.muli %add3A_61, %mul3A_62 : i32
      %add3A_64 = arith.addi %mul3A_6, %mul3A_63 : i32
      "tpu.region"() ({
        %run_scoped3A = tpu.sem_alloc : memref<!tpu.dma_semaphore, #tpu.memory_space<semaphore_mem>>
        %dma_start3A = arith.constant 0 : i32
        %dma_start3A_65 = tpu.memref_slice %arg9[%add3A_64, %dma_start3A] : memref<10000x128xf32, #tpu.memory_space<vmem_shared>> -> memref<8x128xf32, #tpu.memory_space<vmem_shared>>
        %dma_start3A_66 = arith.constant 0 : i32
        %dma_start3A_67 = tpu.memref_slice %arg9[%add3A_64, %dma_start3A_66] : memref<10000x128xf32, #tpu.memory_space<vmem_shared>> -> memref<8x128xf32, #tpu.memory_space<vmem_shared>>
        tpu.enqueue_dma source(%arg8 : memref<8x128xf32, #tpu.memory_space<vmem>>) target(%dma_start3A_67 : memref<8x128xf32, #tpu.memory_space<vmem_shared>>) target_semaphore(%run_scoped3A : memref<!tpu.dma_semaphore, #tpu.memory_space<semaphore_mem>>)
        %dma_wait3A = arith.constant 0 : i32
        %dma_wait3A_68 = tpu.memref_slice %arg9[%add3A_64, %dma_wait3A] : memref<10000x128xf32, #tpu.memory_space<vmem_shared>> -> memref<8x128xf32, #tpu.memory_space<vmem_shared>>
        %dma_wait3A_69 = arith.constant 0 : i32
        %dma_wait3A_70 = tpu.memref_slice %arg9[%add3A_64, %dma_wait3A_69] : memref<10000x128xf32, #tpu.memory_space<vmem_shared>> -> memref<8x128xf32, #tpu.memory_space<vmem_shared>>
        tpu.wait_dma2 semaphore(%run_scoped3A : memref<!tpu.dma_semaphore, #tpu.memory_space<semaphore_mem>>) src(%arg8 : memref<8x128xf32, #tpu.memory_space<vmem>>) dst(%dma_wait3A_70 : memref<8x128xf32, #tpu.memory_space<vmem_shared>>)
        tpu.yield
      }) : () -> ()
    }
    %while3A_28 = arith.constant 1 : i32
    scf.for %while3A_59 = %while3A_26 to %while3A_22 step %while3A_28  : i32 {
      %mul3A_60 = arith.muli %while3A_59, %while3A : i32
      %add3A_61 = arith.addi %while3A_19, %mul3A_60 : i32
      %mul3A_62 = arith.constant 8 : i32
      %mul3A_63 = arith.muli %add3A_61, %mul3A_62 : i32
      %add3A_64 = arith.addi %mul3A_6, %mul3A_63 : i32
      "tpu.region"() ({
        %run_scoped3A = tpu.sem_alloc : memref<!tpu.dma_semaphore, #tpu.memory_space<semaphore_mem>>
        %dma_start3A = arith.constant 0 : i32
        %dma_start3A_65 = tpu.memref_slice %arg9[%add3A_64, %dma_start3A] : memref<10000x128xf32, #tpu.memory_space<vmem_shared>> -> memref<8x128xf32, #tpu.memory_space<vmem_shared>>
        %dma_start3A_66 = arith.constant 0 : i32
        %dma_start3A_67 = tpu.memref_slice %arg9[%add3A_64, %dma_start3A_66] : memref<10000x128xf32, #tpu.memory_space<vmem_shared>> -> memref<8x128xf32, #tpu.memory_space<vmem_shared>>
        tpu.enqueue_dma source(%arg8 : memref<8x128xf32, #tpu.memory_space<vmem>>) target(%dma_start3A_67 : memref<8x128xf32, #tpu.memory_space<vmem_shared>>) target_semaphore(%run_scoped3A : memref<!tpu.dma_semaphore, #tpu.memory_space<semaphore_mem>>)
        %dma_wait3A = arith.constant 0 : i32
        %dma_wait3A_68 = tpu.memref_slice %arg9[%add3A_64, %dma_wait3A] : memref<10000x128xf32, #tpu.memory_space<vmem_shared>> -> memref<8x128xf32, #tpu.memory_space<vmem_shared>>
        %dma_wait3A_69 = arith.constant 0 : i32
        %dma_wait3A_70 = tpu.memref_slice %arg9[%add3A_64, %dma_wait3A_69] : memref<10000x128xf32, #tpu.memory_space<vmem_shared>> -> memref<8x128xf32, #tpu.memory_space<vmem_shared>>
        tpu.wait_dma2 semaphore(%run_scoped3A : memref<!tpu.dma_semaphore, #tpu.memory_space<semaphore_mem>>) src(%arg8 : memref<8x128xf32, #tpu.memory_space<vmem>>) dst(%dma_wait3A_70 : memref<8x128xf32, #tpu.memory_space<vmem_shared>>)
        tpu.yield
      }) : () -> ()
    }
    %scan3A_29 = arith.constant 0 : i32
    %scan3A_30 = arith.constant 80 : i32
    %scan3A_31 = arith.addi %scan3A_29, %scan3A_30 : i32
    %scan3A_32 = arith.constant 1 : i32
    scf.for %scan3A_59 = %scan3A_29 to %scan3A_31 step %scan3A_32  : i32 {
      %mul3A_60 = arith.constant 1 : i32
      %mul3A_61 = arith.muli %scan3A_59, %mul3A_60 : i32
      %add3A_62 = arith.constant 0 : i32
      %add3A_63 = arith.addi %add3A_62, %mul3A_61 : i32
      %broadcast_in_dim3A = arith.constant 0.000000e+00 : f32
      %broadcast_in_dim3A_64 = vector.broadcast %broadcast_in_dim3A : f32 to vector<16xf32>
      %swap3A = arith.index_cast %add3A_63 : i32 to index
      %swap3A_65 = arith.constant 0 : index
      %swap3A_66 = tpu.vector_load %arg7[%swap3A, %swap3A_65] {strides = array<i32>} : memref<80x128xf32, #tpu.memory_space<vmem>>, vector<1x16xf32>,
      %swap3A_67 = vector.shape_cast %swap3A_66 : vector<1x16xf32> to vector<16xf32>
      %swap3A_68 = vector.shape_cast %broadcast_in_dim3A_64 : vector<16xf32> to vector<1x16xf32>
      tpu.vector_store %arg7[%swap3A, %swap3A_65], %swap3A_68 {strides = array<i32>} : memref<80x128xf32, #tpu.memory_space<vmem>>, vector<1x16xf32>,
      %broadcast_in_dim3A_69 = arith.constant 0.000000e+00 : f32
      %broadcast_in_dim3A_70 = vector.broadcast %broadcast_in_dim3A_69 : f32 to vector<16xf32>
      %swap3A_71 = arith.index_cast %add3A_63 : i32 to index
      %swap3A_72 = arith.constant 16 : index
      %swap3A_73 = tpu.vector_load %arg7[%swap3A_71, %swap3A_72] {strides = array<i32>} : memref<80x128xf32, #tpu.memory_space<vmem>>, vector<1x16xf32>,
      %swap3A_74 = vector.shape_cast %swap3A_73 : vector<1x16xf32> to vector<16xf32>
      %swap3A_75 = vector.shape_cast %broadcast_in_dim3A_70 : vector<16xf32> to vector<1x16xf32>
      tpu.vector_store %arg7[%swap3A_71, %swap3A_72], %swap3A_75 {strides = array<i32>} : memref<80x128xf32, #tpu.memory_space<vmem>>, vector<1x16xf32>,
      %broadcast_in_dim3A_76 = arith.constant 0.000000e+00 : f32
      %broadcast_in_dim3A_77 = vector.broadcast %broadcast_in_dim3A_76 : f32 to vector<16xf32>
      %swap3A_78 = arith.index_cast %add3A_63 : i32 to index
      %swap3A_79 = arith.constant 32 : index
      %swap3A_80 = tpu.vector_load %arg7[%swap3A_78, %swap3A_79] {strides = array<i32>} : memref<80x128xf32, #tpu.memory_space<vmem>>, vector<1x16xf32>,
      %swap3A_81 = vector.shape_cast %swap3A_80 : vector<1x16xf32> to vector<16xf32>
      %swap3A_82 = vector.shape_cast %broadcast_in_dim3A_77 : vector<16xf32> to vector<1x16xf32>
      tpu.vector_store %arg7[%swap3A_78, %swap3A_79], %swap3A_82 {strides = array<i32>} : memref<80x128xf32, #tpu.memory_space<vmem>>, vector<1x16xf32>,
      %broadcast_in_dim3A_83 = arith.constant 0.000000e+00 : f32
      %broadcast_in_dim3A_84 = vector.broadcast %broadcast_in_dim3A_83 : f32 to vector<16xf32>
      %swap3A_85 = arith.index_cast %add3A_63 : i32 to index
      %swap3A_86 = arith.constant 48 : index
      %swap3A_87 = tpu.vector_load %arg7[%swap3A_85, %swap3A_86] {strides = array<i32>} : memref<80x128xf32, #tpu.memory_space<vmem>>, vector<1x16xf32>,
      %swap3A_88 = vector.shape_cast %swap3A_87 : vector<1x16xf32> to vector<16xf32>
      %swap3A_89 = vector.shape_cast %broadcast_in_dim3A_84 : vector<16xf32> to vector<1x16xf32>
      tpu.vector_store %arg7[%swap3A_85, %swap3A_86], %swap3A_89 {strides = array<i32>} : memref<80x128xf32, #tpu.memory_space<vmem>>, vector<1x16xf32>,
      %broadcast_in_dim3A_90 = arith.constant 0.000000e+00 : f32
      %broadcast_in_dim3A_91 = vector.broadcast %broadcast_in_dim3A_90 : f32 to vector<16xf32>
      %swap3A_92 = arith.index_cast %add3A_63 : i32 to index
      %swap3A_93 = arith.constant 64 : index
      %swap3A_94 = tpu.vector_load %arg7[%swap3A_92, %swap3A_93] {strides = array<i32>} : memref<80x128xf32, #tpu.memory_space<vmem>>, vector<1x16xf32>,
      %swap3A_95 = vector.shape_cast %swap3A_94 : vector<1x16xf32> to vector<16xf32>
      %swap3A_96 = vector.shape_cast %broadcast_in_dim3A_91 : vector<16xf32> to vector<1x16xf32>
      tpu.vector_store %arg7[%swap3A_92, %swap3A_93], %swap3A_96 {strides = array<i32>} : memref<80x128xf32, #tpu.memory_space<vmem>>, vector<1x16xf32>,
      %broadcast_in_dim3A_97 = arith.constant 0.000000e+00 : f32
      %broadcast_in_dim3A_98 = vector.broadcast %broadcast_in_dim3A_97 : f32 to vector<16xf32>
      %swap3A_99 = arith.index_cast %add3A_63 : i32 to index
      %swap3A_100 = arith.constant 80 : index
      %swap3A_101 = tpu.vector_load %arg7[%swap3A_99, %swap3A_100] {strides = array<i32>} : memref<80x128xf32, #tpu.memory_space<vmem>>, vector<1x16xf32>,
      %swap3A_102 = vector.shape_cast %swap3A_101 : vector<1x16xf32> to vector<16xf32>
      %swap3A_103 = vector.shape_cast %broadcast_in_dim3A_98 : vector<16xf32> to vector<1x16xf32>
      tpu.vector_store %arg7[%swap3A_99, %swap3A_100], %swap3A_103 {strides = array<i32>} : memref<80x128xf32, #tpu.memory_space<vmem>>, vector<1x16xf32>,
      %broadcast_in_dim3A_104 = arith.constant 0.000000e+00 : f32
      %broadcast_in_dim3A_105 = vector.broadcast %broadcast_in_dim3A_104 : f32 to vector<16xf32>
      %swap3A_106 = arith.index_cast %add3A_63 : i32 to index
      %swap3A_107 = arith.constant 96 : index
      %swap3A_108 = tpu.vector_load %arg7[%swap3A_106, %swap3A_107] {strides = array<i32>} : memref<80x128xf32, #tpu.memory_space<vmem>>, vector<1x16xf32>,
      %swap3A_109 = vector.shape_cast %swap3A_108 : vector<1x16xf32> to vector<16xf32>
      %swap3A_110 = vector.shape_cast %broadcast_in_dim3A_105 : vector<16xf32> to vector<1x16xf32>
      tpu.vector_store %arg7[%swap3A_106, %swap3A_107], %swap3A_110 {strides = array<i32>} : memref<80x128xf32, #tpu.memory_space<vmem>>, vector<1x16xf32>,
      %broadcast_in_dim3A_111 = arith.constant 0.000000e+00 : f32
      %broadcast_in_dim3A_112 = vector.broadcast %broadcast_in_dim3A_111 : f32 to vector<16xf32>
      %swap3A_113 = arith.index_cast %add3A_63 : i32 to index
      %swap3A_114 = arith.constant 112 : index
      %swap3A_115 = tpu.vector_load %arg7[%swap3A_113, %swap3A_114] {strides = array<i32>} : memref<80x128xf32, #tpu.memory_space<vmem>>, vector<1x16xf32>,
      %swap3A_116 = vector.shape_cast %swap3A_115 : vector<1x16xf32> to vector<16xf32>
      %swap3A_117 = vector.shape_cast %broadcast_in_dim3A_112 : vector<16xf32> to vector<1x16xf32>
      tpu.vector_store %arg7[%swap3A_113, %swap3A_114], %swap3A_117 {strides = array<i32>} : memref<80x128xf32, #tpu.memory_space<vmem>>, vector<1x16xf32>,
    }
    %scan3A_33 = arith.constant 80 : i32
    %barrier3A = arith.constant 0 : index
    tpu.barrier barrier_id(%barrier3A)
    %scan3A_34 = arith.constant 0 : i32
    %scan3A_35 = arith.constant 125 : i32
    %scan3A_36 = arith.addi %scan3A_34, %scan3A_35 : i32
    %scan3A_37 = arith.constant 1 : i32
    scf.for %scan3A_59 = %scan3A_34 to %scan3A_36 step %scan3A_37  : i32 {
      %mul3A_60 = arith.constant 1 : i32
      %mul3A_61 = arith.muli %scan3A_59, %mul3A_60 : i32
      %add3A_62 = arith.constant 0 : i32
      %add3A_63 = arith.addi %add3A_62, %mul3A_61 : i32
      %mul3A_64 = arith.constant 80 : i32
      %mul3A_65 = arith.muli %add3A_63, %mul3A_64 : i32
      %add3A_66 = arith.addi %mul3A_2, %mul3A_65 : i32
      %multiple_of3A = tpu.assume_multiple %add3A_66, 8 : i32
      %dma_start3A = tpu.memref_slice %arg2[%multiple_of3A] : memref<320000xi32, #tpu.memory_space<hbm>> -> memref<80xi32, #tpu.memory_space<hbm>>
      %dma_start3A_67 = tpu.memref_slice %arg2[%multiple_of3A] : memref<320000xi32, #tpu.memory_space<hbm>> -> memref<80xi32, #tpu.memory_space<hbm>>
      tpu.enqueue_dma source(%dma_start3A_67 : memref<80xi32, #tpu.memory_space<hbm>>) target(%arg5 : memref<80xi32, #tpu.memory_space<vmem>>) target_semaphore(%arg10 : memref<!tpu.dma_semaphore, #tpu.memory_space<semaphore_mem>>)
      %dma_start3A_68 = arith.constant 0 : i32
      %dma_start3A_69 = tpu.memref_slice %arg3[%multiple_of3A, %dma_start3A_68] : memref<320000x16xf32, #tpu.memory_space<hbm>> -> memref<80x16xf32, #tpu.memory_space<hbm>>
      %dma_start3A_70 = arith.constant 0 : i32
      %dma_start3A_71 = tpu.memref_slice %arg3[%multiple_of3A, %dma_start3A_70] : memref<320000x16xf32, #tpu.memory_space<hbm>> -> memref<80x16xf32, #tpu.memory_space<hbm>>
      tpu.enqueue_dma source(%dma_start3A_71 : memref<80x16xf32, #tpu.memory_space<hbm>>) target(%arg6 : memref<80x16xf32, #tpu.memory_space<vmem>>) target_semaphore(%arg11 : memref<!tpu.dma_semaphore, #tpu.memory_space<semaphore_mem>>)
      %dma_wait3A = tpu.memref_slice %arg2[%multiple_of3A] : memref<320000xi32, #tpu.memory_space<hbm>> -> memref<80xi32, #tpu.memory_space<hbm>>
      %dma_wait3A_72 = tpu.memref_slice %arg2[%multiple_of3A] : memref<320000xi32, #tpu.memory_space<hbm>> -> memref<80xi32, #tpu.memory_space<hbm>>
      tpu.wait_dma2 semaphore(%arg10 : memref<!tpu.dma_semaphore, #tpu.memory_space<semaphore_mem>>) src(%dma_wait3A_72 : memref<80xi32, #tpu.memory_space<hbm>>) dst(%arg5 : memref<80xi32, #tpu.memory_space<vmem>>)
      %dma_wait3A_73 = arith.constant 0 : i32
      %dma_wait3A_74 = tpu.memref_slice %arg3[%multiple_of3A, %dma_wait3A_73] : memref<320000x16xf32, #tpu.memory_space<hbm>> -> memref<80x16xf32, #tpu.memory_space<hbm>>
      %dma_wait3A_75 = arith.constant 0 : i32
      %dma_wait3A_76 = tpu.memref_slice %arg3[%multiple_of3A, %dma_wait3A_75] : memref<320000x16xf32, #tpu.memory_space<hbm>> -> memref<80x16xf32, #tpu.memory_space<hbm>>
      tpu.wait_dma2 semaphore(%arg11 : memref<!tpu.dma_semaphore, #tpu.memory_space<semaphore_mem>>) src(%dma_wait3A_76 : memref<80x16xf32, #tpu.memory_space<hbm>>) dst(%arg6 : memref<80x16xf32, #tpu.memory_space<vmem>>)
      %scan3A_77 = arith.constant 0 : i32
      %scan3A_78 = arith.constant 80 : i32
      %scan3A_79 = arith.addi %scan3A_77, %scan3A_78 : i32
      %scan3A_80 = arith.constant 1 : i32
      scf.for %scan3A_82 = %scan3A_77 to %scan3A_79 step %scan3A_80  : i32 {
        %mul3A_83 = arith.constant 1 : i32
        %mul3A_84 = arith.muli %scan3A_82, %mul3A_83 : i32
        %add3A_85 = arith.constant 0 : i32
        %add3A_86 = arith.addi %add3A_85, %mul3A_84 : i32
        %get3A = arith.index_cast %add3A_86 : i32 to index
        %get3A_87 = arith.constant 0 : index
        %get3A_88 = tpu.vector_load %arg6[%get3A, %get3A_87] {strides = array<i32>} : memref<80x16xf32, #tpu.memory_space<vmem>>, vector<1x16xf32>,
        %get3A_89 = vector.shape_cast %get3A_88 : vector<1x16xf32> to vector<16xf32>
        %swap3A = arith.index_cast %add3A_86 : i32 to index
        %swap3A_90 = arith.constant 0 : index
        %swap3A_91 = tpu.vector_load %arg7[%swap3A, %swap3A_90] {strides = array<i32>} : memref<80x128xf32, #tpu.memory_space<vmem>>, vector<1x16xf32>,
        %swap3A_92 = vector.shape_cast %swap3A_91 : vector<1x16xf32> to vector<16xf32>
        %swap3A_93 = vector.shape_cast %get3A_89 : vector<16xf32> to vector<1x16xf32>
        tpu.vector_store %arg7[%swap3A, %swap3A_90], %swap3A_93 {strides = array<i32>} : memref<80x128xf32, #tpu.memory_space<vmem>>, vector<1x16xf32>,
      }
      %scan3A_81 = arith.constant 80 : i32
      "tpu.region"() ({
        %run_scoped3A = tpu.sem_alloc : memref<!tpu.dma_semaphore, #tpu.memory_space<semaphore_mem>>
        %dma_start3A_82 = arith.constant 0 : i32
        %dma_start3A_83 = arith.constant 0 : i32
        %dma_start3A_84 = tpu.memref_slice %arg9[%dma_start3A_82, %dma_start3A_83] : memref<10000x128xf32, #tpu.memory_space<vmem_shared>> -> memref<10000x128xf32, #tpu.memory_space<vmem_shared>>
        tpu.enqueue_indirect_dma source(%arg7 : memref<80x128xf32, #tpu.memory_space<vmem>>) target(%dma_start3A_84 : memref<10000x128xf32, #tpu.memory_space<vmem_shared>>) offsets(%arg5 : memref<80xi32, #tpu.memory_space<vmem>>) semaphore(%run_scoped3A : memref<!tpu.dma_semaphore, #tpu.memory_space<semaphore_mem>>) {add = true}
        %dma_wait3A_85 = arith.constant 0 : i32
        %dma_wait3A_86 = arith.constant 0 : i32
        %dma_wait3A_87 = tpu.memref_slice %arg9[%dma_wait3A_85, %dma_wait3A_86] : memref<10000x128xf32, #tpu.memory_space<vmem_shared>> -> memref<10000x128xf32, #tpu.memory_space<vmem_shared>>
        tpu.wait_indirect_dma semaphore(%run_scoped3A : memref<!tpu.dma_semaphore, #tpu.memory_space<semaphore_mem>>) src(%arg7 : memref<80x128xf32, #tpu.memory_space<vmem>>) dst(%dma_wait3A_87 : memref<10000x128xf32, #tpu.memory_space<vmem_shared>>)
        tpu.yield
      }) : () -> ()
    }
    %scan3A_38 = arith.constant 125 : i32
    %barrier3A_39 = arith.constant 0 : index
    tpu.barrier barrier_id(%barrier3A_39)
    %sub3A_40 = arith.constant 0 : i32
    %sub3A_41 = arith.subi %select_n3A, %sub3A_40 : i32
    %sub3A_42 = arith.constant 1 : i32
    %sub3A_43 = arith.constant 1 : i32
    %sub3A_44 = arith.subi %sub3A_42, %sub3A_43 : i32
    %add3A_45 = arith.addi %sub3A_41, %sub3A_44 : i32
    %div3A_46 = arith.constant 1 : i32
    %div3A_47 = arith.divsi %add3A_45, %div3A_46 : i32
    %while3A_48 = arith.constant 1 : i32
    %while3A_49 = arith.constant 0 : i32
    %while3A_50 = arith.constant 0 : i32
    %while3A_51 = arith.subi %div3A_47, %while3A_50 : i32
    %while3A_52 = arith.addi %while3A_50, %while3A_51 : i32
    %while3A_53 = arith.constant 1 : i32
    %while3A_54 = arith.divsi %while3A_51, %while3A_53 : i32
    %while3A_55 = arith.muli %while3A_54, %while3A_53 : i32
    %while3A_56 = arith.addi %while3A_50, %while3A_55 : i32
    %while3A_57 = arith.constant 1 : i32
    scf.for %while3A_59 = %while3A_50 to %while3A_56 step %while3A_57  : i32 {
      %mul3A_60 = arith.muli %while3A_59, %while3A_48 : i32
      %add3A_61 = arith.addi %while3A_49, %mul3A_60 : i32
      %mul3A_62 = arith.constant 80 : i32
      %mul3A_63 = arith.muli %add3A_61, %mul3A_62 : i32
      %add3A_64 = arith.addi %mul3A_6, %mul3A_63 : i32
      "tpu.region"() ({
        %run_scoped3A = tpu.sem_alloc : memref<!tpu.dma_semaphore, #tpu.memory_space<semaphore_mem>>
        %dma_start3A = arith.constant 0 : i32
        %dma_start3A_65 = tpu.memref_slice %arg4[%arg0, %add3A_64, %dma_start3A] : memref<2x10000x128xf32, #tpu.memory_space<hbm>> -> memref<1x80x128xf32, #tpu.memory_space<hbm>>
        %dma_start3A_66 = tpu.memref_squeeze %dma_start3A_65 : memref<1x80x128xf32, #tpu.memory_space<hbm>> -> memref<80x128xf32, #tpu.memory_space<hbm>>
        %dma_start3A_67 = arith.constant 0 : i32
        %dma_start3A_68 = tpu.memref_slice %arg9[%add3A_64, %dma_start3A_67] : memref<10000x128xf32, #tpu.memory_space<vmem_shared>> -> memref<80x128xf32, #tpu.memory_space<vmem_shared>>
        tpu.enqueue_dma source(%dma_start3A_68 : memref<80x128xf32, #tpu.memory_space<vmem_shared>>) target(%dma_start3A_66 : memref<80x128xf32, #tpu.memory_space<hbm>>) target_semaphore(%run_scoped3A : memref<!tpu.dma_semaphore, #tpu.memory_space<semaphore_mem>>)
        %dma_wait3A = arith.constant 0 : i32
        %dma_wait3A_69 = tpu.memref_slice %arg4[%arg0, %add3A_64, %dma_wait3A] : memref<2x10000x128xf32, #tpu.memory_space<hbm>> -> memref<1x80x128xf32, #tpu.memory_space<hbm>>
        %dma_wait3A_70 = tpu.memref_squeeze %dma_wait3A_69 : memref<1x80x128xf32, #tpu.memory_space<hbm>> -> memref<80x128xf32, #tpu.memory_space<hbm>>
        %dma_wait3A_71 = arith.constant 0 : i32
        %dma_wait3A_72 = tpu.memref_slice %arg9[%add3A_64, %dma_wait3A_71] : memref<10000x128xf32, #tpu.memory_space<vmem_shared>> -> memref<80x128xf32, #tpu.memory_space<vmem_shared>>
        tpu.wait_dma2 semaphore(%run_scoped3A : memref<!tpu.dma_semaphore, #tpu.memory_space<semaphore_mem>>) src(%dma_wait3A_72 : memref<80x128xf32, #tpu.memory_space<vmem_shared>>) dst(%dma_wait3A_70 : memref<80x128xf32, #tpu.memory_space<hbm>>)
        tpu.yield
      }) : () -> ()
    }
    %while3A_58 = arith.constant 1 : i32
    scf.for %while3A_59 = %while3A_56 to %while3A_52 step %while3A_58  : i32 {
      %mul3A_60 = arith.muli %while3A_59, %while3A_48 : i32
      %add3A_61 = arith.addi %while3A_49, %mul3A_60 : i32
      %mul3A_62 = arith.constant 80 : i32
      %mul3A_63 = arith.muli %add3A_61, %mul3A_62 : i32
      %add3A_64 = arith.addi %mul3A_6, %mul3A_63 : i32
      "tpu.region"() ({
        %run_scoped3A = tpu.sem_alloc : memref<!tpu.dma_semaphore, #tpu.memory_space<semaphore_mem>>
        %dma_start3A = arith.constant 0 : i32
        %dma_start3A_65 = tpu.memref_slice %arg4[%arg0, %add3A_64, %dma_start3A] : memref<2x10000x128xf32, #tpu.memory_space<hbm>> -> memref<1x80x128xf32, #tpu.memory_space<hbm>>
        %dma_start3A_66 = tpu.memref_squeeze %dma_start3A_65 : memref<1x80x128xf32, #tpu.memory_space<hbm>> -> memref<80x128xf32, #tpu.memory_space<hbm>>
        %dma_start3A_67 = arith.constant 0 : i32
        %dma_start3A_68 = tpu.memref_slice %arg9[%add3A_64, %dma_start3A_67] : memref<10000x128xf32, #tpu.memory_space<vmem_shared>> -> memref<80x128xf32, #tpu.memory_space<vmem_shared>>
        tpu.enqueue_dma source(%dma_start3A_68 : memref<80x128xf32, #tpu.memory_space<vmem_shared>>) target(%dma_start3A_66 : memref<80x128xf32, #tpu.memory_space<hbm>>) target_semaphore(%run_scoped3A : memref<!tpu.dma_semaphore, #tpu.memory_space<semaphore_mem>>)
        %dma_wait3A = arith.constant 0 : i32
        %dma_wait3A_69 = tpu.memref_slice %arg4[%arg0, %add3A_64, %dma_wait3A] : memref<2x10000x128xf32, #tpu.memory_space<hbm>> -> memref<1x80x128xf32, #tpu.memory_space<hbm>>
        %dma_wait3A_70 = tpu.memref_squeeze %dma_wait3A_69 : memref<1x80x128xf32, #tpu.memory_space<hbm>> -> memref<80x128xf32, #tpu.memory_space<hbm>>
        %dma_wait3A_71 = arith.constant 0 : i32
        %dma_wait3A_72 = tpu.memref_slice %arg9[%add3A_64, %dma_wait3A_71] : memref<10000x128xf32, #tpu.memory_space<vmem_shared>> -> memref<80x128xf32, #tpu.memory_space<vmem_shared>>
        tpu.wait_dma2 semaphore(%run_scoped3A : memref<!tpu.dma_semaphore, #tpu.memory_space<semaphore_mem>>) src(%dma_wait3A_72 : memref<80x128xf32, #tpu.memory_space<vmem_shared>>) dst(%dma_wait3A_70 : memref<80x128xf32, #tpu.memory_space<hbm>>)
        tpu.yield
      }) : () -> ()
    }
    return
  }
}

#map = affine_map<(d0, d1) -> (0, 0)>
#map1 = affine_map<(d0, d1) -> (0)>
#map2 = affine_map<(d0, d1) -> (0, 0, 0)>
module attributes {stable_mosaic.version = 14 : i64} {
  func.func @_sc_gcn(%arg0: i32, %arg1: i32, %arg2: memref<10000x128xf32, #tpu.memory_space<hbm>>, %arg3: memref<320000xi32, #tpu.memory_space<hbm>>, %arg4: memref<320000xi32, #tpu.memory_space<hbm>>, %arg5: memref<320000x16xf32, #tpu.memory_space<hbm>>, %arg6: memref<10000x128xf32, #tpu.memory_space<hbm>>, %arg7: memref<2x10000x128xf32, #tpu.memory_space<hbm>>, %arg8: memref<320000x16xf32, #tpu.memory_space<hbm>>, %arg9: memref<80x128xf32, #tpu.memory_space<vmem>>, %arg10: memref<80xi32, #tpu.memory_space<vmem>>, %arg11: memref<80xi32, #tpu.memory_space<vmem>>, %arg12: memref<80x16xf32, #tpu.memory_space<vmem>>, %arg13: memref<40x128xf32, #tpu.memory_space<vmem>>, %arg14: memref<8x128xf32, #tpu.memory_space<vmem>>, %arg15: memref<10000x128xf32, #tpu.memory_space<vmem_shared>>, %arg16: memref<!tpu.dma_semaphore, #tpu.memory_space<semaphore_mem>>, %arg17: memref<!tpu.dma_semaphore, #tpu.memory_space<semaphore_mem>>, %arg18: memref<!tpu.dma_semaphore, #tpu.memory_space<semaphore_mem>>) attributes {dimension_semantics = [#tpu.dimension_semantics<core_parallel>, #tpu.dimension_semantics<subcore_parallel>], iteration_bounds = array<i64: 2, 16>, scalar_prefetch = 0 : i64, scratch_operands = 10 : i64, tpu.core_type = #tpu.core_type<sc_vector_subcore>, window_params = [{transform_indices = #map}, {transform_indices = #map1}, {transform_indices = #map1}, {transform_indices = #map}, {transform_indices = #map}, {transform_indices = #map2}, {transform_indices = #map}]} {
    %mul3A = arith.constant 2 : i32
    %mul3A_0 = arith.muli %arg1, %mul3A : i32
    %add3A = arith.addi %mul3A_0, %arg0 : i32
    %mul3A_1 = arith.constant 10000 : i32
    %mul3A_2 = arith.muli %add3A, %mul3A_1 : i32
    %eq3A = arith.constant 15 : i32
    %eq3A_3 = arith.cmpi eq, %arg1, %eq3A : i32
    %jit3A = arith.constant 5 : i32
    %jit3A_4 = arith.constant 8 : i32
    %select_n3A = arith.select %eq3A_3, %jit3A, %jit3A_4 : i32
    %mul3A_5 = arith.constant 640 : i32
    %mul3A_6 = arith.muli %arg1, %mul3A_5 : i32
    %scan3A = arith.constant 0 : i32
    %scan3A_7 = arith.constant 8 : i32
    %scan3A_8 = arith.addi %scan3A, %scan3A_7 : i32
    %scan3A_9 = arith.constant 1 : i32
    scf.for %scan3A_54 = %scan3A to %scan3A_8 step %scan3A_9  : i32 {
      %mul3A_55 = arith.constant 1 : i32
      %mul3A_56 = arith.muli %scan3A_54, %mul3A_55 : i32
      %add3A_57 = arith.constant 0 : i32
      %add3A_58 = arith.addi %add3A_57, %mul3A_56 : i32
      %broadcast_in_dim3A = arith.constant 0.000000e+00 : f32
      %broadcast_in_dim3A_59 = vector.broadcast %broadcast_in_dim3A : f32 to vector<16xf32>
      %swap3A = arith.index_cast %add3A_58 : i32 to index
      %swap3A_60 = arith.constant 0 : index
      %swap3A_61 = tpu.vector_load %arg14[%swap3A, %swap3A_60] {strides = array<i32>} : memref<8x128xf32, #tpu.memory_space<vmem>>, vector<1x16xf32>,
      %swap3A_62 = vector.shape_cast %swap3A_61 : vector<1x16xf32> to vector<16xf32>
      %swap3A_63 = vector.shape_cast %broadcast_in_dim3A_59 : vector<16xf32> to vector<1x16xf32>
      tpu.vector_store %arg14[%swap3A, %swap3A_60], %swap3A_63 {strides = array<i32>} : memref<8x128xf32, #tpu.memory_space<vmem>>, vector<1x16xf32>,
      %broadcast_in_dim3A_64 = arith.constant 0.000000e+00 : f32
      %broadcast_in_dim3A_65 = vector.broadcast %broadcast_in_dim3A_64 : f32 to vector<16xf32>
      %swap3A_66 = arith.index_cast %add3A_58 : i32 to index
      %swap3A_67 = arith.constant 16 : index
      %swap3A_68 = tpu.vector_load %arg14[%swap3A_66, %swap3A_67] {strides = array<i32>} : memref<8x128xf32, #tpu.memory_space<vmem>>, vector<1x16xf32>,
      %swap3A_69 = vector.shape_cast %swap3A_68 : vector<1x16xf32> to vector<16xf32>
      %swap3A_70 = vector.shape_cast %broadcast_in_dim3A_65 : vector<16xf32> to vector<1x16xf32>
      tpu.vector_store %arg14[%swap3A_66, %swap3A_67], %swap3A_70 {strides = array<i32>} : memref<8x128xf32, #tpu.memory_space<vmem>>, vector<1x16xf32>,
      %broadcast_in_dim3A_71 = arith.constant 0.000000e+00 : f32
      %broadcast_in_dim3A_72 = vector.broadcast %broadcast_in_dim3A_71 : f32 to vector<16xf32>
      %swap3A_73 = arith.index_cast %add3A_58 : i32 to index
      %swap3A_74 = arith.constant 32 : index
      %swap3A_75 = tpu.vector_load %arg14[%swap3A_73, %swap3A_74] {strides = array<i32>} : memref<8x128xf32, #tpu.memory_space<vmem>>, vector<1x16xf32>,
      %swap3A_76 = vector.shape_cast %swap3A_75 : vector<1x16xf32> to vector<16xf32>
      %swap3A_77 = vector.shape_cast %broadcast_in_dim3A_72 : vector<16xf32> to vector<1x16xf32>
      tpu.vector_store %arg14[%swap3A_73, %swap3A_74], %swap3A_77 {strides = array<i32>} : memref<8x128xf32, #tpu.memory_space<vmem>>, vector<1x16xf32>,
      %broadcast_in_dim3A_78 = arith.constant 0.000000e+00 : f32
      %broadcast_in_dim3A_79 = vector.broadcast %broadcast_in_dim3A_78 : f32 to vector<16xf32>
      %swap3A_80 = arith.index_cast %add3A_58 : i32 to index
      %swap3A_81 = arith.constant 48 : index
      %swap3A_82 = tpu.vector_load %arg14[%swap3A_80, %swap3A_81] {strides = array<i32>} : memref<8x128xf32, #tpu.memory_space<vmem>>, vector<1x16xf32>,
      %swap3A_83 = vector.shape_cast %swap3A_82 : vector<1x16xf32> to vector<16xf32>
      %swap3A_84 = vector.shape_cast %broadcast_in_dim3A_79 : vector<16xf32> to vector<1x16xf32>
      tpu.vector_store %arg14[%swap3A_80, %swap3A_81], %swap3A_84 {strides = array<i32>} : memref<8x128xf32, #tpu.memory_space<vmem>>, vector<1x16xf32>,
      %broadcast_in_dim3A_85 = arith.constant 0.000000e+00 : f32
      %broadcast_in_dim3A_86 = vector.broadcast %broadcast_in_dim3A_85 : f32 to vector<16xf32>
      %swap3A_87 = arith.index_cast %add3A_58 : i32 to index
      %swap3A_88 = arith.constant 64 : index
      %swap3A_89 = tpu.vector_load %arg14[%swap3A_87, %swap3A_88] {strides = array<i32>} : memref<8x128xf32, #tpu.memory_space<vmem>>, vector<1x16xf32>,
      %swap3A_90 = vector.shape_cast %swap3A_89 : vector<1x16xf32> to vector<16xf32>
      %swap3A_91 = vector.shape_cast %broadcast_in_dim3A_86 : vector<16xf32> to vector<1x16xf32>
      tpu.vector_store %arg14[%swap3A_87, %swap3A_88], %swap3A_91 {strides = array<i32>} : memref<8x128xf32, #tpu.memory_space<vmem>>, vector<1x16xf32>,
      %broadcast_in_dim3A_92 = arith.constant 0.000000e+00 : f32
      %broadcast_in_dim3A_93 = vector.broadcast %broadcast_in_dim3A_92 : f32 to vector<16xf32>
      %swap3A_94 = arith.index_cast %add3A_58 : i32 to index
      %swap3A_95 = arith.constant 80 : index
      %swap3A_96 = tpu.vector_load %arg14[%swap3A_94, %swap3A_95] {strides = array<i32>} : memref<8x128xf32, #tpu.memory_space<vmem>>, vector<1x16xf32>,
      %swap3A_97 = vector.shape_cast %swap3A_96 : vector<1x16xf32> to vector<16xf32>
      %swap3A_98 = vector.shape_cast %broadcast_in_dim3A_93 : vector<16xf32> to vector<1x16xf32>
      tpu.vector_store %arg14[%swap3A_94, %swap3A_95], %swap3A_98 {strides = array<i32>} : memref<8x128xf32, #tpu.memory_space<vmem>>, vector<1x16xf32>,
      %broadcast_in_dim3A_99 = arith.constant 0.000000e+00 : f32
      %broadcast_in_dim3A_100 = vector.broadcast %broadcast_in_dim3A_99 : f32 to vector<16xf32>
      %swap3A_101 = arith.index_cast %add3A_58 : i32 to index
      %swap3A_102 = arith.constant 96 : index
      %swap3A_103 = tpu.vector_load %arg14[%swap3A_101, %swap3A_102] {strides = array<i32>} : memref<8x128xf32, #tpu.memory_space<vmem>>, vector<1x16xf32>,
      %swap3A_104 = vector.shape_cast %swap3A_103 : vector<1x16xf32> to vector<16xf32>
      %swap3A_105 = vector.shape_cast %broadcast_in_dim3A_100 : vector<16xf32> to vector<1x16xf32>
      tpu.vector_store %arg14[%swap3A_101, %swap3A_102], %swap3A_105 {strides = array<i32>} : memref<8x128xf32, #tpu.memory_space<vmem>>, vector<1x16xf32>,
      %broadcast_in_dim3A_106 = arith.constant 0.000000e+00 : f32
      %broadcast_in_dim3A_107 = vector.broadcast %broadcast_in_dim3A_106 : f32 to vector<16xf32>
      %swap3A_108 = arith.index_cast %add3A_58 : i32 to index
      %swap3A_109 = arith.constant 112 : index
      %swap3A_110 = tpu.vector_load %arg14[%swap3A_108, %swap3A_109] {strides = array<i32>} : memref<8x128xf32, #tpu.memory_space<vmem>>, vector<1x16xf32>,
      %swap3A_111 = vector.shape_cast %swap3A_110 : vector<1x16xf32> to vector<16xf32>
      %swap3A_112 = vector.shape_cast %broadcast_in_dim3A_107 : vector<16xf32> to vector<1x16xf32>
      tpu.vector_store %arg14[%swap3A_108, %swap3A_109], %swap3A_112 {strides = array<i32>} : memref<8x128xf32, #tpu.memory_space<vmem>>, vector<1x16xf32>,
    }
    %scan3A_10 = arith.constant 8 : i32
    %mul3A_11 = arith.constant 10 : i32
    %mul3A_12 = arith.muli %select_n3A, %mul3A_11 : i32
    %sub3A = arith.constant 0 : i32
    %sub3A_13 = arith.subi %mul3A_12, %sub3A : i32
    %sub3A_14 = arith.constant 1 : i32
    %sub3A_15 = arith.constant 1 : i32
    %sub3A_16 = arith.subi %sub3A_14, %sub3A_15 : i32
    %add3A_17 = arith.addi %sub3A_13, %sub3A_16 : i32
    %div3A = arith.constant 1 : i32
    %div3A_18 = arith.divsi %add3A_17, %div3A : i32
    %while3A = arith.constant 1 : i32
    %while3A_19 = arith.constant 0 : i32
    %while3A_20 = arith.constant 0 : i32
    %while3A_21 = arith.subi %div3A_18, %while3A_20 : i32
    %while3A_22 = arith.addi %while3A_20, %while3A_21 : i32
    %while3A_23 = arith.constant 1 : i32
    %while3A_24 = arith.divsi %while3A_21, %while3A_23 : i32
    %while3A_25 = arith.muli %while3A_24, %while3A_23 : i32
    %while3A_26 = arith.addi %while3A_20, %while3A_25 : i32
    %while3A_27 = arith.constant 1 : i32
    scf.for %while3A_54 = %while3A_20 to %while3A_26 step %while3A_27  : i32 {
      %mul3A_55 = arith.muli %while3A_54, %while3A : i32
      %add3A_56 = arith.addi %while3A_19, %mul3A_55 : i32
      %mul3A_57 = arith.constant 8 : i32
      %mul3A_58 = arith.muli %add3A_56, %mul3A_57 : i32
      %add3A_59 = arith.addi %mul3A_6, %mul3A_58 : i32
      "tpu.region"() ({
        %run_scoped3A = tpu.sem_alloc : memref<!tpu.dma_semaphore, #tpu.memory_space<semaphore_mem>>
        %dma_start3A = arith.constant 0 : i32
        %dma_start3A_60 = tpu.memref_slice %arg15[%add3A_59, %dma_start3A] : memref<10000x128xf32, #tpu.memory_space<vmem_shared>> -> memref<8x128xf32, #tpu.memory_space<vmem_shared>>
        %dma_start3A_61 = arith.constant 0 : i32
        %dma_start3A_62 = tpu.memref_slice %arg15[%add3A_59, %dma_start3A_61] : memref<10000x128xf32, #tpu.memory_space<vmem_shared>> -> memref<8x128xf32, #tpu.memory_space<vmem_shared>>
        tpu.enqueue_dma source(%arg14 : memref<8x128xf32, #tpu.memory_space<vmem>>) target(%dma_start3A_62 : memref<8x128xf32, #tpu.memory_space<vmem_shared>>) target_semaphore(%run_scoped3A : memref<!tpu.dma_semaphore, #tpu.memory_space<semaphore_mem>>)
        %dma_wait3A = arith.constant 0 : i32
        %dma_wait3A_63 = tpu.memref_slice %arg15[%add3A_59, %dma_wait3A] : memref<10000x128xf32, #tpu.memory_space<vmem_shared>> -> memref<8x128xf32, #tpu.memory_space<vmem_shared>>
        %dma_wait3A_64 = arith.constant 0 : i32
        %dma_wait3A_65 = tpu.memref_slice %arg15[%add3A_59, %dma_wait3A_64] : memref<10000x128xf32, #tpu.memory_space<vmem_shared>> -> memref<8x128xf32, #tpu.memory_space<vmem_shared>>
        tpu.wait_dma2 semaphore(%run_scoped3A : memref<!tpu.dma_semaphore, #tpu.memory_space<semaphore_mem>>) src(%arg14 : memref<8x128xf32, #tpu.memory_space<vmem>>) dst(%dma_wait3A_65 : memref<8x128xf32, #tpu.memory_space<vmem_shared>>)
        tpu.yield
      }) : () -> ()
    }
    %while3A_28 = arith.constant 1 : i32
    scf.for %while3A_54 = %while3A_26 to %while3A_22 step %while3A_28  : i32 {
      %mul3A_55 = arith.muli %while3A_54, %while3A : i32
      %add3A_56 = arith.addi %while3A_19, %mul3A_55 : i32
      %mul3A_57 = arith.constant 8 : i32
      %mul3A_58 = arith.muli %add3A_56, %mul3A_57 : i32
      %add3A_59 = arith.addi %mul3A_6, %mul3A_58 : i32
      "tpu.region"() ({
        %run_scoped3A = tpu.sem_alloc : memref<!tpu.dma_semaphore, #tpu.memory_space<semaphore_mem>>
        %dma_start3A = arith.constant 0 : i32
        %dma_start3A_60 = tpu.memref_slice %arg15[%add3A_59, %dma_start3A] : memref<10000x128xf32, #tpu.memory_space<vmem_shared>> -> memref<8x128xf32, #tpu.memory_space<vmem_shared>>
        %dma_start3A_61 = arith.constant 0 : i32
        %dma_start3A_62 = tpu.memref_slice %arg15[%add3A_59, %dma_start3A_61] : memref<10000x128xf32, #tpu.memory_space<vmem_shared>> -> memref<8x128xf32, #tpu.memory_space<vmem_shared>>
        tpu.enqueue_dma source(%arg14 : memref<8x128xf32, #tpu.memory_space<vmem>>) target(%dma_start3A_62 : memref<8x128xf32, #tpu.memory_space<vmem_shared>>) target_semaphore(%run_scoped3A : memref<!tpu.dma_semaphore, #tpu.memory_space<semaphore_mem>>)
        %dma_wait3A = arith.constant 0 : i32
        %dma_wait3A_63 = tpu.memref_slice %arg15[%add3A_59, %dma_wait3A] : memref<10000x128xf32, #tpu.memory_space<vmem_shared>> -> memref<8x128xf32, #tpu.memory_space<vmem_shared>>
        %dma_wait3A_64 = arith.constant 0 : i32
        %dma_wait3A_65 = tpu.memref_slice %arg15[%add3A_59, %dma_wait3A_64] : memref<10000x128xf32, #tpu.memory_space<vmem_shared>> -> memref<8x128xf32, #tpu.memory_space<vmem_shared>>
        tpu.wait_dma2 semaphore(%run_scoped3A : memref<!tpu.dma_semaphore, #tpu.memory_space<semaphore_mem>>) src(%arg14 : memref<8x128xf32, #tpu.memory_space<vmem>>) dst(%dma_wait3A_65 : memref<8x128xf32, #tpu.memory_space<vmem_shared>>)
        tpu.yield
      }) : () -> ()
    }
    %barrier3A = arith.constant 0 : index
    tpu.barrier barrier_id(%barrier3A)
    %scan3A_29 = arith.constant 0 : i32
    %scan3A_30 = arith.constant 125 : i32
    %scan3A_31 = arith.addi %scan3A_29, %scan3A_30 : i32
    %scan3A_32 = arith.constant 1 : i32
    scf.for %scan3A_54 = %scan3A_29 to %scan3A_31 step %scan3A_32  : i32 {
      %mul3A_55 = arith.constant 1 : i32
      %mul3A_56 = arith.muli %scan3A_54, %mul3A_55 : i32
      %add3A_57 = arith.constant 0 : i32
      %add3A_58 = arith.addi %add3A_57, %mul3A_56 : i32
      %mul3A_59 = arith.constant 80 : i32
      %mul3A_60 = arith.muli %add3A_58, %mul3A_59 : i32
      %add3A_61 = arith.addi %mul3A_2, %mul3A_60 : i32
      %multiple_of3A = tpu.assume_multiple %add3A_61, 8 : i32
      %dma_start3A = tpu.memref_slice %arg3[%multiple_of3A] : memref<320000xi32, #tpu.memory_space<hbm>> -> memref<80xi32, #tpu.memory_space<hbm>>
      %dma_start3A_62 = tpu.memref_slice %arg3[%multiple_of3A] : memref<320000xi32, #tpu.memory_space<hbm>> -> memref<80xi32, #tpu.memory_space<hbm>>
      tpu.enqueue_dma source(%dma_start3A_62 : memref<80xi32, #tpu.memory_space<hbm>>) target(%arg10 : memref<80xi32, #tpu.memory_space<vmem>>) target_semaphore(%arg16 : memref<!tpu.dma_semaphore, #tpu.memory_space<semaphore_mem>>)
      %dma_start3A_63 = tpu.memref_slice %arg4[%multiple_of3A] : memref<320000xi32, #tpu.memory_space<hbm>> -> memref<80xi32, #tpu.memory_space<hbm>>
      %dma_start3A_64 = tpu.memref_slice %arg4[%multiple_of3A] : memref<320000xi32, #tpu.memory_space<hbm>> -> memref<80xi32, #tpu.memory_space<hbm>>
      tpu.enqueue_dma source(%dma_start3A_64 : memref<80xi32, #tpu.memory_space<hbm>>) target(%arg11 : memref<80xi32, #tpu.memory_space<vmem>>) target_semaphore(%arg17 : memref<!tpu.dma_semaphore, #tpu.memory_space<semaphore_mem>>)
      %dma_start3A_65 = arith.constant 0 : i32
      %dma_start3A_66 = tpu.memref_slice %arg5[%multiple_of3A, %dma_start3A_65] : memref<320000x16xf32, #tpu.memory_space<hbm>> -> memref<80x16xf32, #tpu.memory_space<hbm>>
      %dma_start3A_67 = arith.constant 0 : i32
      %dma_start3A_68 = tpu.memref_slice %arg5[%multiple_of3A, %dma_start3A_67] : memref<320000x16xf32, #tpu.memory_space<hbm>> -> memref<80x16xf32, #tpu.memory_space<hbm>>
      tpu.enqueue_dma source(%dma_start3A_68 : memref<80x16xf32, #tpu.memory_space<hbm>>) target(%arg12 : memref<80x16xf32, #tpu.memory_space<vmem>>) target_semaphore(%arg18 : memref<!tpu.dma_semaphore, #tpu.memory_space<semaphore_mem>>)
      %dma_wait3A = tpu.memref_slice %arg3[%multiple_of3A] : memref<320000xi32, #tpu.memory_space<hbm>> -> memref<80xi32, #tpu.memory_space<hbm>>
      %dma_wait3A_69 = tpu.memref_slice %arg3[%multiple_of3A] : memref<320000xi32, #tpu.memory_space<hbm>> -> memref<80xi32, #tpu.memory_space<hbm>>
      tpu.wait_dma2 semaphore(%arg16 : memref<!tpu.dma_semaphore, #tpu.memory_space<semaphore_mem>>) src(%dma_wait3A_69 : memref<80xi32, #tpu.memory_space<hbm>>) dst(%arg10 : memref<80xi32, #tpu.memory_space<vmem>>)
      %dma_wait3A_70 = tpu.memref_slice %arg4[%multiple_of3A] : memref<320000xi32, #tpu.memory_space<hbm>> -> memref<80xi32, #tpu.memory_space<hbm>>
      %dma_wait3A_71 = tpu.memref_slice %arg4[%multiple_of3A] : memref<320000xi32, #tpu.memory_space<hbm>> -> memref<80xi32, #tpu.memory_space<hbm>>
      tpu.wait_dma2 semaphore(%arg17 : memref<!tpu.dma_semaphore, #tpu.memory_space<semaphore_mem>>) src(%dma_wait3A_71 : memref<80xi32, #tpu.memory_space<hbm>>) dst(%arg11 : memref<80xi32, #tpu.memory_space<vmem>>)
      %dma_wait3A_72 = arith.constant 0 : i32
      %dma_wait3A_73 = tpu.memref_slice %arg5[%multiple_of3A, %dma_wait3A_72] : memref<320000x16xf32, #tpu.memory_space<hbm>> -> memref<80x16xf32, #tpu.memory_space<hbm>>
      %dma_wait3A_74 = arith.constant 0 : i32
      %dma_wait3A_75 = tpu.memref_slice %arg5[%multiple_of3A, %dma_wait3A_74] : memref<320000x16xf32, #tpu.memory_space<hbm>> -> memref<80x16xf32, #tpu.memory_space<hbm>>
      tpu.wait_dma2 semaphore(%arg18 : memref<!tpu.dma_semaphore, #tpu.memory_space<semaphore_mem>>) src(%dma_wait3A_75 : memref<80x16xf32, #tpu.memory_space<hbm>>) dst(%arg12 : memref<80x16xf32, #tpu.memory_space<vmem>>)
      %dma_start3A_76 = arith.constant 0 : i32
      %dma_start3A_77 = arith.constant 0 : i32
      %dma_start3A_78 = tpu.memref_slice %arg2[%dma_start3A_76, %dma_start3A_77] : memref<10000x128xf32, #tpu.memory_space<hbm>> -> memref<10000x128xf32, #tpu.memory_space<hbm>>
      tpu.enqueue_indirect_dma source(%dma_start3A_78 : memref<10000x128xf32, #tpu.memory_space<hbm>>) target(%arg9 : memref<80x128xf32, #tpu.memory_space<vmem>>) offsets(%arg10 : memref<80xi32, #tpu.memory_space<vmem>>) semaphore(%arg16 : memref<!tpu.dma_semaphore, #tpu.memory_space<semaphore_mem>>)
      %dma_start3A_79 = arith.constant 0 : i32
      %dma_start3A_80 = tpu.memref_slice %arg11[%dma_start3A_79] : memref<80xi32, #tpu.memory_space<vmem>> -> memref<40xi32, #tpu.memory_space<vmem>>
      %dma_start3A_81 = arith.constant 0 : i32
      %dma_start3A_82 = arith.constant 0 : i32
      %dma_start3A_83 = tpu.memref_slice %arg6[%dma_start3A_81, %dma_start3A_82] : memref<10000x128xf32, #tpu.memory_space<hbm>> -> memref<10000x128xf32, #tpu.memory_space<hbm>>
      tpu.enqueue_indirect_dma source(%dma_start3A_83 : memref<10000x128xf32, #tpu.memory_space<hbm>>) target(%arg13 : memref<40x128xf32, #tpu.memory_space<vmem>>) offsets(%dma_start3A_80 : memref<40xi32, #tpu.memory_space<vmem>>) semaphore(%arg17 : memref<!tpu.dma_semaphore, #tpu.memory_space<semaphore_mem>>)
      %dma_wait3A_84 = arith.constant 0 : i32
      %dma_wait3A_85 = tpu.memref_slice %arg11[%dma_wait3A_84] : memref<80xi32, #tpu.memory_space<vmem>> -> memref<40xi32, #tpu.memory_space<vmem>>
      %dma_wait3A_86 = arith.constant 0 : i32
      %dma_wait3A_87 = arith.constant 0 : i32
      %dma_wait3A_88 = tpu.memref_slice %arg6[%dma_wait3A_86, %dma_wait3A_87] : memref<10000x128xf32, #tpu.memory_space<hbm>> -> memref<10000x128xf32, #tpu.memory_space<hbm>>
      tpu.wait_indirect_dma semaphore(%arg17 : memref<!tpu.dma_semaphore, #tpu.memory_space<semaphore_mem>>) src(%dma_wait3A_88 : memref<10000x128xf32, #tpu.memory_space<hbm>>) dst(%arg13 : memref<40x128xf32, #tpu.memory_space<vmem>>)
      %scan3A_89 = arith.constant 0 : i32
      %scan3A_90 = arith.constant 40 : i32
      %scan3A_91 = arith.addi %scan3A_89, %scan3A_90 : i32
      %scan3A_92 = arith.constant 1 : i32
      scf.for %scan3A_117 = %scan3A_89 to %scan3A_91 step %scan3A_92  : i32 {
        %mul3A_118 = arith.constant 1 : i32
        %mul3A_119 = arith.muli %scan3A_117, %mul3A_118 : i32
        %add3A_120 = arith.constant 0 : i32
        %add3A_121 = arith.addi %add3A_120, %mul3A_119 : i32
        %get3A = arith.index_cast %add3A_121 : i32 to index
        %get3A_122 = arith.constant 0 : index
        %get3A_123 = tpu.vector_load %arg12[%get3A, %get3A_122] {strides = array<i32>} : memref<80x16xf32, #tpu.memory_space<vmem>>, vector<1x16xf32>,
        %get3A_124 = vector.shape_cast %get3A_123 : vector<1x16xf32> to vector<16xf32>
        %get3A_125 = arith.index_cast %add3A_121 : i32 to index
        %get3A_126 = arith.constant 0 : index
        %get3A_127 = tpu.vector_load %arg13[%get3A_125, %get3A_126] {strides = array<i32>} : memref<40x128xf32, #tpu.memory_space<vmem>>, vector<1x16xf32>,
        %get3A_128 = vector.shape_cast %get3A_127 : vector<1x16xf32> to vector<16xf32>
        %mul3A_129 = arith.mulf %get3A_124, %get3A_128 : vector<16xf32>
        %swap3A = arith.index_cast %add3A_121 : i32 to index
        %swap3A_130 = arith.constant 0 : index
        %swap3A_131 = tpu.vector_load %arg12[%swap3A, %swap3A_130] {strides = array<i32>} : memref<80x16xf32, #tpu.memory_space<vmem>>, vector<1x16xf32>,
        %swap3A_132 = vector.shape_cast %swap3A_131 : vector<1x16xf32> to vector<16xf32>
        %swap3A_133 = vector.shape_cast %mul3A_129 : vector<16xf32> to vector<1x16xf32>
        tpu.vector_store %arg12[%swap3A, %swap3A_130], %swap3A_133 {strides = array<i32>} : memref<80x16xf32, #tpu.memory_space<vmem>>, vector<1x16xf32>,
      }
      %scan3A_93 = arith.constant 40 : i32
      %dma_start3A_94 = arith.constant 40 : i32
      %dma_start3A_95 = tpu.memref_slice %arg11[%dma_start3A_94] : memref<80xi32, #tpu.memory_space<vmem>> -> memref<40xi32, #tpu.memory_space<vmem>>
      %dma_start3A_96 = arith.constant 0 : i32
      %dma_start3A_97 = arith.constant 0 : i32
      %dma_start3A_98 = tpu.memref_slice %arg6[%dma_start3A_96, %dma_start3A_97] : memref<10000x128xf32, #tpu.memory_space<hbm>> -> memref<10000x128xf32, #tpu.memory_space<hbm>>
      tpu.enqueue_indirect_dma source(%dma_start3A_98 : memref<10000x128xf32, #tpu.memory_space<hbm>>) target(%arg13 : memref<40x128xf32, #tpu.memory_space<vmem>>) offsets(%dma_start3A_95 : memref<40xi32, #tpu.memory_space<vmem>>) semaphore(%arg18 : memref<!tpu.dma_semaphore, #tpu.memory_space<semaphore_mem>>)
      %dma_wait3A_99 = arith.constant 40 : i32
      %dma_wait3A_100 = tpu.memref_slice %arg11[%dma_wait3A_99] : memref<80xi32, #tpu.memory_space<vmem>> -> memref<40xi32, #tpu.memory_space<vmem>>
      %dma_wait3A_101 = arith.constant 0 : i32
      %dma_wait3A_102 = arith.constant 0 : i32
      %dma_wait3A_103 = tpu.memref_slice %arg6[%dma_wait3A_101, %dma_wait3A_102] : memref<10000x128xf32, #tpu.memory_space<hbm>> -> memref<10000x128xf32, #tpu.memory_space<hbm>>
      tpu.wait_indirect_dma semaphore(%arg18 : memref<!tpu.dma_semaphore, #tpu.memory_space<semaphore_mem>>) src(%dma_wait3A_103 : memref<10000x128xf32, #tpu.memory_space<hbm>>) dst(%arg13 : memref<40x128xf32, #tpu.memory_space<vmem>>)
      %scan3A_104 = arith.constant 0 : i32
      %scan3A_105 = arith.constant 40 : i32
      %scan3A_106 = arith.addi %scan3A_104, %scan3A_105 : i32
      %scan3A_107 = arith.constant 1 : i32
      scf.for %scan3A_117 = %scan3A_104 to %scan3A_106 step %scan3A_107  : i32 {
        %mul3A_118 = arith.constant 1 : i32
        %mul3A_119 = arith.muli %scan3A_117, %mul3A_118 : i32
        %add3A_120 = arith.constant 0 : i32
        %add3A_121 = arith.addi %add3A_120, %mul3A_119 : i32
        %add3A_122 = arith.constant 40 : i32
        %add3A_123 = arith.addi %add3A_122, %add3A_121 : i32
        %get3A = arith.index_cast %add3A_123 : i32 to index
        %get3A_124 = arith.constant 0 : index
        %get3A_125 = tpu.vector_load %arg12[%get3A, %get3A_124] {strides = array<i32>} : memref<80x16xf32, #tpu.memory_space<vmem>>, vector<1x16xf32>,
        %get3A_126 = vector.shape_cast %get3A_125 : vector<1x16xf32> to vector<16xf32>
        %get3A_127 = arith.index_cast %add3A_121 : i32 to index
        %get3A_128 = arith.constant 0 : index
        %get3A_129 = tpu.vector_load %arg13[%get3A_127, %get3A_128] {strides = array<i32>} : memref<40x128xf32, #tpu.memory_space<vmem>>, vector<1x16xf32>,
        %get3A_130 = vector.shape_cast %get3A_129 : vector<1x16xf32> to vector<16xf32>
        %mul3A_131 = arith.mulf %get3A_126, %get3A_130 : vector<16xf32>
        %add3A_132 = arith.constant 40 : i32
        %add3A_133 = arith.addi %add3A_132, %add3A_121 : i32
        %swap3A = arith.index_cast %add3A_133 : i32 to index
        %swap3A_134 = arith.constant 0 : index
        %swap3A_135 = tpu.vector_load %arg12[%swap3A, %swap3A_134] {strides = array<i32>} : memref<80x16xf32, #tpu.memory_space<vmem>>, vector<1x16xf32>,
        %swap3A_136 = vector.shape_cast %swap3A_135 : vector<1x16xf32> to vector<16xf32>
        %swap3A_137 = vector.shape_cast %mul3A_131 : vector<16xf32> to vector<1x16xf32>
        tpu.vector_store %arg12[%swap3A, %swap3A_134], %swap3A_137 {strides = array<i32>} : memref<80x16xf32, #tpu.memory_space<vmem>>, vector<1x16xf32>,
      }
      %scan3A_108 = arith.constant 40 : i32
      %dma_wait3A_109 = arith.constant 0 : i32
      %dma_wait3A_110 = arith.constant 0 : i32
      %dma_wait3A_111 = tpu.memref_slice %arg2[%dma_wait3A_109, %dma_wait3A_110] : memref<10000x128xf32, #tpu.memory_space<hbm>> -> memref<10000x128xf32, #tpu.memory_space<hbm>>
      tpu.wait_indirect_dma semaphore(%arg16 : memref<!tpu.dma_semaphore, #tpu.memory_space<semaphore_mem>>) src(%dma_wait3A_111 : memref<10000x128xf32, #tpu.memory_space<hbm>>) dst(%arg9 : memref<80x128xf32, #tpu.memory_space<vmem>>)
      %scan3A_112 = arith.constant 0 : i32
      %scan3A_113 = arith.constant 80 : i32
      %scan3A_114 = arith.addi %scan3A_112, %scan3A_113 : i32
      %scan3A_115 = arith.constant 1 : i32
      scf.for %scan3A_117 = %scan3A_112 to %scan3A_114 step %scan3A_115  : i32 {
        %mul3A_118 = arith.constant 1 : i32
        %mul3A_119 = arith.muli %scan3A_117, %mul3A_118 : i32
        %add3A_120 = arith.constant 0 : i32
        %add3A_121 = arith.addi %add3A_120, %mul3A_119 : i32
        %get3A = arith.index_cast %add3A_121 : i32 to index
        %get3A_122 = arith.constant 0 : index
        %get3A_123 = tpu.vector_load %arg12[%get3A, %get3A_122] {strides = array<i32>} : memref<80x16xf32, #tpu.memory_space<vmem>>, vector<1x16xf32>,
        %get3A_124 = vector.shape_cast %get3A_123 : vector<1x16xf32> to vector<16xf32>
        %get3A_125 = arith.index_cast %add3A_121 : i32 to index
        %get3A_126 = arith.constant 0 : index
        %get3A_127 = tpu.vector_load %arg9[%get3A_125, %get3A_126] {strides = array<i32>} : memref<80x128xf32, #tpu.memory_space<vmem>>, vector<1x16xf32>,
        %get3A_128 = vector.shape_cast %get3A_127 : vector<1x16xf32> to vector<16xf32>
        %mul3A_129 = arith.mulf %get3A_128, %get3A_124 : vector<16xf32>
        %swap3A = arith.index_cast %add3A_121 : i32 to index
        %swap3A_130 = arith.constant 0 : index
        %swap3A_131 = tpu.vector_load %arg9[%swap3A, %swap3A_130] {strides = array<i32>} : memref<80x128xf32, #tpu.memory_space<vmem>>, vector<1x16xf32>,
        %swap3A_132 = vector.shape_cast %swap3A_131 : vector<1x16xf32> to vector<16xf32>
        %swap3A_133 = vector.shape_cast %mul3A_129 : vector<16xf32> to vector<1x16xf32>
        tpu.vector_store %arg9[%swap3A, %swap3A_130], %swap3A_133 {strides = array<i32>} : memref<80x128xf32, #tpu.memory_space<vmem>>, vector<1x16xf32>,
        %get3A_134 = arith.index_cast %add3A_121 : i32 to index
        %get3A_135 = arith.constant 16 : index
        %get3A_136 = tpu.vector_load %arg9[%get3A_134, %get3A_135] {strides = array<i32>} : memref<80x128xf32, #tpu.memory_space<vmem>>, vector<1x16xf32>,
        %get3A_137 = vector.shape_cast %get3A_136 : vector<1x16xf32> to vector<16xf32>
        %mul3A_138 = arith.mulf %get3A_137, %get3A_124 : vector<16xf32>
        %swap3A_139 = arith.index_cast %add3A_121 : i32 to index
        %swap3A_140 = arith.constant 16 : index
        %swap3A_141 = tpu.vector_load %arg9[%swap3A_139, %swap3A_140] {strides = array<i32>} : memref<80x128xf32, #tpu.memory_space<vmem>>, vector<1x16xf32>,
        %swap3A_142 = vector.shape_cast %swap3A_141 : vector<1x16xf32> to vector<16xf32>
        %swap3A_143 = vector.shape_cast %mul3A_138 : vector<16xf32> to vector<1x16xf32>
        tpu.vector_store %arg9[%swap3A_139, %swap3A_140], %swap3A_143 {strides = array<i32>} : memref<80x128xf32, #tpu.memory_space<vmem>>, vector<1x16xf32>,
        %get3A_144 = arith.index_cast %add3A_121 : i32 to index
        %get3A_145 = arith.constant 32 : index
        %get3A_146 = tpu.vector_load %arg9[%get3A_144, %get3A_145] {strides = array<i32>} : memref<80x128xf32, #tpu.memory_space<vmem>>, vector<1x16xf32>,
        %get3A_147 = vector.shape_cast %get3A_146 : vector<1x16xf32> to vector<16xf32>
        %mul3A_148 = arith.mulf %get3A_147, %get3A_124 : vector<16xf32>
        %swap3A_149 = arith.index_cast %add3A_121 : i32 to index
        %swap3A_150 = arith.constant 32 : index
        %swap3A_151 = tpu.vector_load %arg9[%swap3A_149, %swap3A_150] {strides = array<i32>} : memref<80x128xf32, #tpu.memory_space<vmem>>, vector<1x16xf32>,
        %swap3A_152 = vector.shape_cast %swap3A_151 : vector<1x16xf32> to vector<16xf32>
        %swap3A_153 = vector.shape_cast %mul3A_148 : vector<16xf32> to vector<1x16xf32>
        tpu.vector_store %arg9[%swap3A_149, %swap3A_150], %swap3A_153 {strides = array<i32>} : memref<80x128xf32, #tpu.memory_space<vmem>>, vector<1x16xf32>,
        %get3A_154 = arith.index_cast %add3A_121 : i32 to index
        %get3A_155 = arith.constant 48 : index
        %get3A_156 = tpu.vector_load %arg9[%get3A_154, %get3A_155] {strides = array<i32>} : memref<80x128xf32, #tpu.memory_space<vmem>>, vector<1x16xf32>,
        %get3A_157 = vector.shape_cast %get3A_156 : vector<1x16xf32> to vector<16xf32>
        %mul3A_158 = arith.mulf %get3A_157, %get3A_124 : vector<16xf32>
        %swap3A_159 = arith.index_cast %add3A_121 : i32 to index
        %swap3A_160 = arith.constant 48 : index
        %swap3A_161 = tpu.vector_load %arg9[%swap3A_159, %swap3A_160] {strides = array<i32>} : memref<80x128xf32, #tpu.memory_space<vmem>>, vector<1x16xf32>,
        %swap3A_162 = vector.shape_cast %swap3A_161 : vector<1x16xf32> to vector<16xf32>
        %swap3A_163 = vector.shape_cast %mul3A_158 : vector<16xf32> to vector<1x16xf32>
        tpu.vector_store %arg9[%swap3A_159, %swap3A_160], %swap3A_163 {strides = array<i32>} : memref<80x128xf32, #tpu.memory_space<vmem>>, vector<1x16xf32>,
        %get3A_164 = arith.index_cast %add3A_121 : i32 to index
        %get3A_165 = arith.constant 64 : index
        %get3A_166 = tpu.vector_load %arg9[%get3A_164, %get3A_165] {strides = array<i32>} : memref<80x128xf32, #tpu.memory_space<vmem>>, vector<1x16xf32>,
        %get3A_167 = vector.shape_cast %get3A_166 : vector<1x16xf32> to vector<16xf32>
        %mul3A_168 = arith.mulf %get3A_167, %get3A_124 : vector<16xf32>
        %swap3A_169 = arith.index_cast %add3A_121 : i32 to index
        %swap3A_170 = arith.constant 64 : index
        %swap3A_171 = tpu.vector_load %arg9[%swap3A_169, %swap3A_170] {strides = array<i32>} : memref<80x128xf32, #tpu.memory_space<vmem>>, vector<1x16xf32>,
        %swap3A_172 = vector.shape_cast %swap3A_171 : vector<1x16xf32> to vector<16xf32>
        %swap3A_173 = vector.shape_cast %mul3A_168 : vector<16xf32> to vector<1x16xf32>
        tpu.vector_store %arg9[%swap3A_169, %swap3A_170], %swap3A_173 {strides = array<i32>} : memref<80x128xf32, #tpu.memory_space<vmem>>, vector<1x16xf32>,
        %get3A_174 = arith.index_cast %add3A_121 : i32 to index
        %get3A_175 = arith.constant 80 : index
        %get3A_176 = tpu.vector_load %arg9[%get3A_174, %get3A_175] {strides = array<i32>} : memref<80x128xf32, #tpu.memory_space<vmem>>, vector<1x16xf32>,
        %get3A_177 = vector.shape_cast %get3A_176 : vector<1x16xf32> to vector<16xf32>
        %mul3A_178 = arith.mulf %get3A_177, %get3A_124 : vector<16xf32>
        %swap3A_179 = arith.index_cast %add3A_121 : i32 to index
        %swap3A_180 = arith.constant 80 : index
        %swap3A_181 = tpu.vector_load %arg9[%swap3A_179, %swap3A_180] {strides = array<i32>} : memref<80x128xf32, #tpu.memory_space<vmem>>, vector<1x16xf32>,
        %swap3A_182 = vector.shape_cast %swap3A_181 : vector<1x16xf32> to vector<16xf32>
        %swap3A_183 = vector.shape_cast %mul3A_178 : vector<16xf32> to vector<1x16xf32>
        tpu.vector_store %arg9[%swap3A_179, %swap3A_180], %swap3A_183 {strides = array<i32>} : memref<80x128xf32, #tpu.memory_space<vmem>>, vector<1x16xf32>,
        %get3A_184 = arith.index_cast %add3A_121 : i32 to index
        %get3A_185 = arith.constant 96 : index
        %get3A_186 = tpu.vector_load %arg9[%get3A_184, %get3A_185] {strides = array<i32>} : memref<80x128xf32, #tpu.memory_space<vmem>>, vector<1x16xf32>,
        %get3A_187 = vector.shape_cast %get3A_186 : vector<1x16xf32> to vector<16xf32>
        %mul3A_188 = arith.mulf %get3A_187, %get3A_124 : vector<16xf32>
        %swap3A_189 = arith.index_cast %add3A_121 : i32 to index
        %swap3A_190 = arith.constant 96 : index
        %swap3A_191 = tpu.vector_load %arg9[%swap3A_189, %swap3A_190] {strides = array<i32>} : memref<80x128xf32, #tpu.memory_space<vmem>>, vector<1x16xf32>,
        %swap3A_192 = vector.shape_cast %swap3A_191 : vector<1x16xf32> to vector<16xf32>
        %swap3A_193 = vector.shape_cast %mul3A_188 : vector<16xf32> to vector<1x16xf32>
        tpu.vector_store %arg9[%swap3A_189, %swap3A_190], %swap3A_193 {strides = array<i32>} : memref<80x128xf32, #tpu.memory_space<vmem>>, vector<1x16xf32>,
        %get3A_194 = arith.index_cast %add3A_121 : i32 to index
        %get3A_195 = arith.constant 112 : index
        %get3A_196 = tpu.vector_load %arg9[%get3A_194, %get3A_195] {strides = array<i32>} : memref<80x128xf32, #tpu.memory_space<vmem>>, vector<1x16xf32>,
        %get3A_197 = vector.shape_cast %get3A_196 : vector<1x16xf32> to vector<16xf32>
        %mul3A_198 = arith.mulf %get3A_197, %get3A_124 : vector<16xf32>
        %swap3A_199 = arith.index_cast %add3A_121 : i32 to index
        %swap3A_200 = arith.constant 112 : index
        %swap3A_201 = tpu.vector_load %arg9[%swap3A_199, %swap3A_200] {strides = array<i32>} : memref<80x128xf32, #tpu.memory_space<vmem>>, vector<1x16xf32>,
        %swap3A_202 = vector.shape_cast %swap3A_201 : vector<1x16xf32> to vector<16xf32>
        %swap3A_203 = vector.shape_cast %mul3A_198 : vector<16xf32> to vector<1x16xf32>
        tpu.vector_store %arg9[%swap3A_199, %swap3A_200], %swap3A_203 {strides = array<i32>} : memref<80x128xf32, #tpu.memory_space<vmem>>, vector<1x16xf32>,
      }
      %scan3A_116 = arith.constant 80 : i32
      "tpu.region"() ({
        %run_scoped3A = tpu.sem_alloc : memref<!tpu.dma_semaphore, #tpu.memory_space<semaphore_mem>>
        %dma_start3A_117 = arith.constant 0 : i32
        %dma_start3A_118 = tpu.memref_slice %arg8[%multiple_of3A, %dma_start3A_117] : memref<320000x16xf32, #tpu.memory_space<hbm>> -> memref<80x16xf32, #tpu.memory_space<hbm>>
        %dma_start3A_119 = arith.constant 0 : i32
        %dma_start3A_120 = tpu.memref_slice %arg8[%multiple_of3A, %dma_start3A_119] : memref<320000x16xf32, #tpu.memory_space<hbm>> -> memref<80x16xf32, #tpu.memory_space<hbm>>
        tpu.enqueue_dma source(%arg12 : memref<80x16xf32, #tpu.memory_space<vmem>>) target(%dma_start3A_120 : memref<80x16xf32, #tpu.memory_space<hbm>>) target_semaphore(%run_scoped3A : memref<!tpu.dma_semaphore, #tpu.memory_space<semaphore_mem>>)
        %dma_wait3A_121 = arith.constant 0 : i32
        %dma_wait3A_122 = tpu.memref_slice %arg8[%multiple_of3A, %dma_wait3A_121] : memref<320000x16xf32, #tpu.memory_space<hbm>> -> memref<80x16xf32, #tpu.memory_space<hbm>>
        %dma_wait3A_123 = arith.constant 0 : i32
        %dma_wait3A_124 = tpu.memref_slice %arg8[%multiple_of3A, %dma_wait3A_123] : memref<320000x16xf32, #tpu.memory_space<hbm>> -> memref<80x16xf32, #tpu.memory_space<hbm>>
        tpu.wait_dma2 semaphore(%run_scoped3A : memref<!tpu.dma_semaphore, #tpu.memory_space<semaphore_mem>>) src(%arg12 : memref<80x16xf32, #tpu.memory_space<vmem>>) dst(%dma_wait3A_124 : memref<80x16xf32, #tpu.memory_space<hbm>>)
        tpu.yield
      }) : () -> ()
      "tpu.region"() ({
        %run_scoped3A = tpu.sem_alloc : memref<!tpu.dma_semaphore, #tpu.memory_space<semaphore_mem>>
        %dma_start3A_117 = arith.constant 0 : i32
        %dma_start3A_118 = arith.constant 0 : i32
        %dma_start3A_119 = tpu.memref_slice %arg15[%dma_start3A_117, %dma_start3A_118] : memref<10000x128xf32, #tpu.memory_space<vmem_shared>> -> memref<10000x128xf32, #tpu.memory_space<vmem_shared>>
        tpu.enqueue_indirect_dma source(%arg9 : memref<80x128xf32, #tpu.memory_space<vmem>>) target(%dma_start3A_119 : memref<10000x128xf32, #tpu.memory_space<vmem_shared>>) offsets(%arg11 : memref<80xi32, #tpu.memory_space<vmem>>) semaphore(%run_scoped3A : memref<!tpu.dma_semaphore, #tpu.memory_space<semaphore_mem>>) {add = true}
        %dma_wait3A_120 = arith.constant 0 : i32
        %dma_wait3A_121 = arith.constant 0 : i32
        %dma_wait3A_122 = tpu.memref_slice %arg15[%dma_wait3A_120, %dma_wait3A_121] : memref<10000x128xf32, #tpu.memory_space<vmem_shared>> -> memref<10000x128xf32, #tpu.memory_space<vmem_shared>>
        tpu.wait_indirect_dma semaphore(%run_scoped3A : memref<!tpu.dma_semaphore, #tpu.memory_space<semaphore_mem>>) src(%arg9 : memref<80x128xf32, #tpu.memory_space<vmem>>) dst(%dma_wait3A_122 : memref<10000x128xf32, #tpu.memory_space<vmem_shared>>)
        tpu.yield
      }) : () -> ()
    }
    %scan3A_33 = arith.constant 125 : i32
    %barrier3A_34 = arith.constant 0 : index
    tpu.barrier barrier_id(%barrier3A_34)
    %sub3A_35 = arith.constant 0 : i32
    %sub3A_36 = arith.subi %select_n3A, %sub3A_35 : i32
    %sub3A_37 = arith.constant 1 : i32
    %sub3A_38 = arith.constant 1 : i32
    %sub3A_39 = arith.subi %sub3A_37, %sub3A_38 : i32
    %add3A_40 = arith.addi %sub3A_36, %sub3A_39 : i32
    %div3A_41 = arith.constant 1 : i32
    %div3A_42 = arith.divsi %add3A_40, %div3A_41 : i32
    %while3A_43 = arith.constant 1 : i32
    %while3A_44 = arith.constant 0 : i32
    %while3A_45 = arith.constant 0 : i32
    %while3A_46 = arith.subi %div3A_42, %while3A_45 : i32
    %while3A_47 = arith.addi %while3A_45, %while3A_46 : i32
    %while3A_48 = arith.constant 1 : i32
    %while3A_49 = arith.divsi %while3A_46, %while3A_48 : i32
    %while3A_50 = arith.muli %while3A_49, %while3A_48 : i32
    %while3A_51 = arith.addi %while3A_45, %while3A_50 : i32
    %while3A_52 = arith.constant 1 : i32
    scf.for %while3A_54 = %while3A_45 to %while3A_51 step %while3A_52  : i32 {
      %mul3A_55 = arith.muli %while3A_54, %while3A_43 : i32
      %add3A_56 = arith.addi %while3A_44, %mul3A_55 : i32
      %mul3A_57 = arith.constant 80 : i32
      %mul3A_58 = arith.muli %add3A_56, %mul3A_57 : i32
      %add3A_59 = arith.addi %mul3A_6, %mul3A_58 : i32
      "tpu.region"() ({
        %run_scoped3A = tpu.sem_alloc : memref<!tpu.dma_semaphore, #tpu.memory_space<semaphore_mem>>
        %dma_start3A = arith.constant 0 : i32
        %dma_start3A_60 = tpu.memref_slice %arg7[%arg0, %add3A_59, %dma_start3A] : memref<2x10000x128xf32, #tpu.memory_space<hbm>> -> memref<1x80x128xf32, #tpu.memory_space<hbm>>
        %dma_start3A_61 = tpu.memref_squeeze %dma_start3A_60 : memref<1x80x128xf32, #tpu.memory_space<hbm>> -> memref<80x128xf32, #tpu.memory_space<hbm>>
        %dma_start3A_62 = arith.constant 0 : i32
        %dma_start3A_63 = tpu.memref_slice %arg15[%add3A_59, %dma_start3A_62] : memref<10000x128xf32, #tpu.memory_space<vmem_shared>> -> memref<80x128xf32, #tpu.memory_space<vmem_shared>>
        tpu.enqueue_dma source(%dma_start3A_63 : memref<80x128xf32, #tpu.memory_space<vmem_shared>>) target(%dma_start3A_61 : memref<80x128xf32, #tpu.memory_space<hbm>>) target_semaphore(%run_scoped3A : memref<!tpu.dma_semaphore, #tpu.memory_space<semaphore_mem>>)
        %dma_wait3A = arith.constant 0 : i32
        %dma_wait3A_64 = tpu.memref_slice %arg7[%arg0, %add3A_59, %dma_wait3A] : memref<2x10000x128xf32, #tpu.memory_space<hbm>> -> memref<1x80x128xf32, #tpu.memory_space<hbm>>
        %dma_wait3A_65 = tpu.memref_squeeze %dma_wait3A_64 : memref<1x80x128xf32, #tpu.memory_space<hbm>> -> memref<80x128xf32, #tpu.memory_space<hbm>>
        %dma_wait3A_66 = arith.constant 0 : i32
        %dma_wait3A_67 = tpu.memref_slice %arg15[%add3A_59, %dma_wait3A_66] : memref<10000x128xf32, #tpu.memory_space<vmem_shared>> -> memref<80x128xf32, #tpu.memory_space<vmem_shared>>
        tpu.wait_dma2 semaphore(%run_scoped3A : memref<!tpu.dma_semaphore, #tpu.memory_space<semaphore_mem>>) src(%dma_wait3A_67 : memref<80x128xf32, #tpu.memory_space<vmem_shared>>) dst(%dma_wait3A_65 : memref<80x128xf32, #tpu.memory_space<hbm>>)
        tpu.yield
      }) : () -> ()
    }
    %while3A_53 = arith.constant 1 : i32
    scf.for %while3A_54 = %while3A_51 to %while3A_47 step %while3A_53  : i32 {
      %mul3A_55 = arith.muli %while3A_54, %while3A_43 : i32
      %add3A_56 = arith.addi %while3A_44, %mul3A_55 : i32
      %mul3A_57 = arith.constant 80 : i32
      %mul3A_58 = arith.muli %add3A_56, %mul3A_57 : i32
      %add3A_59 = arith.addi %mul3A_6, %mul3A_58 : i32
      "tpu.region"() ({
        %run_scoped3A = tpu.sem_alloc : memref<!tpu.dma_semaphore, #tpu.memory_space<semaphore_mem>>
        %dma_start3A = arith.constant 0 : i32
        %dma_start3A_60 = tpu.memref_slice %arg7[%arg0, %add3A_59, %dma_start3A] : memref<2x10000x128xf32, #tpu.memory_space<hbm>> -> memref<1x80x128xf32, #tpu.memory_space<hbm>>
        %dma_start3A_61 = tpu.memref_squeeze %dma_start3A_60 : memref<1x80x128xf32, #tpu.memory_space<hbm>> -> memref<80x128xf32, #tpu.memory_space<hbm>>
        %dma_start3A_62 = arith.constant 0 : i32
        %dma_start3A_63 = tpu.memref_slice %arg15[%add3A_59, %dma_start3A_62] : memref<10000x128xf32, #tpu.memory_space<vmem_shared>> -> memref<80x128xf32, #tpu.memory_space<vmem_shared>>
        tpu.enqueue_dma source(%dma_start3A_63 : memref<80x128xf32, #tpu.memory_space<vmem_shared>>) target(%dma_start3A_61 : memref<80x128xf32, #tpu.memory_space<hbm>>) target_semaphore(%run_scoped3A : memref<!tpu.dma_semaphore, #tpu.memory_space<semaphore_mem>>)
        %dma_wait3A = arith.constant 0 : i32
        %dma_wait3A_64 = tpu.memref_slice %arg7[%arg0, %add3A_59, %dma_wait3A] : memref<2x10000x128xf32, #tpu.memory_space<hbm>> -> memref<1x80x128xf32, #tpu.memory_space<hbm>>
        %dma_wait3A_65 = tpu.memref_squeeze %dma_wait3A_64 : memref<1x80x128xf32, #tpu.memory_space<hbm>> -> memref<80x128xf32, #tpu.memory_space<hbm>>
        %dma_wait3A_66 = arith.constant 0 : i32
        %dma_wait3A_67 = tpu.memref_slice %arg15[%add3A_59, %dma_wait3A_66] : memref<10000x128xf32, #tpu.memory_space<vmem_shared>> -> memref<80x128xf32, #tpu.memory_space<vmem_shared>>
        tpu.wait_dma2 semaphore(%run_scoped3A : memref<!tpu.dma_semaphore, #tpu.memory_space<semaphore_mem>>) src(%dma_wait3A_67 : memref<80x128xf32, #tpu.memory_space<vmem_shared>>) dst(%dma_wait3A_65 : memref<80x128xf32, #tpu.memory_space<hbm>>)
        tpu.yield
      }) : () -> ()
    }
    return
  }
}

#map = affine_map<(d0, d1) -> (0, 0)>
#map1 = affine_map<(d0, d1) -> (0)>
#map2 = affine_map<(d0, d1) -> (0, 0, 0)>
module attributes {stable_mosaic.version = 14 : i64} {
  func.func @_sc_gat(%arg0: i32, %arg1: i32, %arg2: memref<10000x128xf32, #tpu.memory_space<hbm>>, %arg3: memref<320000xi32, #tpu.memory_space<hbm>>, %arg4: memref<320000xi32, #tpu.memory_space<hbm>>, %arg5: memref<320000x16xf32, #tpu.memory_space<hbm>>, %arg6: memref<2x10000x128xf32, #tpu.memory_space<hbm>>, %arg7: memref<80x128xf32, #tpu.memory_space<vmem>>, %arg8: memref<80xi32, #tpu.memory_space<vmem>>, %arg9: memref<80xi32, #tpu.memory_space<vmem>>, %arg10: memref<80x16xf32, #tpu.memory_space<vmem>>, %arg11: memref<8x128xf32, #tpu.memory_space<vmem>>, %arg12: memref<10000x128xf32, #tpu.memory_space<vmem_shared>>, %arg13: memref<!tpu.dma_semaphore, #tpu.memory_space<semaphore_mem>>, %arg14: memref<!tpu.dma_semaphore, #tpu.memory_space<semaphore_mem>>, %arg15: memref<!tpu.dma_semaphore, #tpu.memory_space<semaphore_mem>>) attributes {dimension_semantics = [#tpu.dimension_semantics<core_parallel>, #tpu.dimension_semantics<subcore_parallel>], iteration_bounds = array<i64: 2, 16>, scalar_prefetch = 0 : i64, scratch_operands = 9 : i64, tpu.core_type = #tpu.core_type<sc_vector_subcore>, window_params = [{transform_indices = #map}, {transform_indices = #map1}, {transform_indices = #map1}, {transform_indices = #map}, {transform_indices = #map2}]} {
    %mul3A = arith.constant 2 : i32
    %mul3A_0 = arith.muli %arg1, %mul3A : i32
    %add3A = arith.addi %mul3A_0, %arg0 : i32
    %mul3A_1 = arith.constant 10000 : i32
    %mul3A_2 = arith.muli %add3A, %mul3A_1 : i32
    %eq3A = arith.constant 15 : i32
    %eq3A_3 = arith.cmpi eq, %arg1, %eq3A : i32
    %jit3A = arith.constant 5 : i32
    %jit3A_4 = arith.constant 8 : i32
    %select_n3A = arith.select %eq3A_3, %jit3A, %jit3A_4 : i32
    %mul3A_5 = arith.constant 640 : i32
    %mul3A_6 = arith.muli %arg1, %mul3A_5 : i32
    %scan3A = arith.constant 0 : i32
    %scan3A_7 = arith.constant 8 : i32
    %scan3A_8 = arith.addi %scan3A, %scan3A_7 : i32
    %scan3A_9 = arith.constant 1 : i32
    scf.for %scan3A_54 = %scan3A to %scan3A_8 step %scan3A_9  : i32 {
      %mul3A_55 = arith.constant 1 : i32
      %mul3A_56 = arith.muli %scan3A_54, %mul3A_55 : i32
      %add3A_57 = arith.constant 0 : i32
      %add3A_58 = arith.addi %add3A_57, %mul3A_56 : i32
      %broadcast_in_dim3A = arith.constant 0.000000e+00 : f32
      %broadcast_in_dim3A_59 = vector.broadcast %broadcast_in_dim3A : f32 to vector<16xf32>
      %swap3A = arith.index_cast %add3A_58 : i32 to index
      %swap3A_60 = arith.constant 0 : index
      %swap3A_61 = tpu.vector_load %arg11[%swap3A, %swap3A_60] {strides = array<i32>} : memref<8x128xf32, #tpu.memory_space<vmem>>, vector<1x16xf32>,
      %swap3A_62 = vector.shape_cast %swap3A_61 : vector<1x16xf32> to vector<16xf32>
      %swap3A_63 = vector.shape_cast %broadcast_in_dim3A_59 : vector<16xf32> to vector<1x16xf32>
      tpu.vector_store %arg11[%swap3A, %swap3A_60], %swap3A_63 {strides = array<i32>} : memref<8x128xf32, #tpu.memory_space<vmem>>, vector<1x16xf32>,
      %broadcast_in_dim3A_64 = arith.constant 0.000000e+00 : f32
      %broadcast_in_dim3A_65 = vector.broadcast %broadcast_in_dim3A_64 : f32 to vector<16xf32>
      %swap3A_66 = arith.index_cast %add3A_58 : i32 to index
      %swap3A_67 = arith.constant 16 : index
      %swap3A_68 = tpu.vector_load %arg11[%swap3A_66, %swap3A_67] {strides = array<i32>} : memref<8x128xf32, #tpu.memory_space<vmem>>, vector<1x16xf32>,
      %swap3A_69 = vector.shape_cast %swap3A_68 : vector<1x16xf32> to vector<16xf32>
      %swap3A_70 = vector.shape_cast %broadcast_in_dim3A_65 : vector<16xf32> to vector<1x16xf32>
      tpu.vector_store %arg11[%swap3A_66, %swap3A_67], %swap3A_70 {strides = array<i32>} : memref<8x128xf32, #tpu.memory_space<vmem>>, vector<1x16xf32>,
      %broadcast_in_dim3A_71 = arith.constant 0.000000e+00 : f32
      %broadcast_in_dim3A_72 = vector.broadcast %broadcast_in_dim3A_71 : f32 to vector<16xf32>
      %swap3A_73 = arith.index_cast %add3A_58 : i32 to index
      %swap3A_74 = arith.constant 32 : index
      %swap3A_75 = tpu.vector_load %arg11[%swap3A_73, %swap3A_74] {strides = array<i32>} : memref<8x128xf32, #tpu.memory_space<vmem>>, vector<1x16xf32>,
      %swap3A_76 = vector.shape_cast %swap3A_75 : vector<1x16xf32> to vector<16xf32>
      %swap3A_77 = vector.shape_cast %broadcast_in_dim3A_72 : vector<16xf32> to vector<1x16xf32>
      tpu.vector_store %arg11[%swap3A_73, %swap3A_74], %swap3A_77 {strides = array<i32>} : memref<8x128xf32, #tpu.memory_space<vmem>>, vector<1x16xf32>,
      %broadcast_in_dim3A_78 = arith.constant 0.000000e+00 : f32
      %broadcast_in_dim3A_79 = vector.broadcast %broadcast_in_dim3A_78 : f32 to vector<16xf32>
      %swap3A_80 = arith.index_cast %add3A_58 : i32 to index
      %swap3A_81 = arith.constant 48 : index
      %swap3A_82 = tpu.vector_load %arg11[%swap3A_80, %swap3A_81] {strides = array<i32>} : memref<8x128xf32, #tpu.memory_space<vmem>>, vector<1x16xf32>,
      %swap3A_83 = vector.shape_cast %swap3A_82 : vector<1x16xf32> to vector<16xf32>
      %swap3A_84 = vector.shape_cast %broadcast_in_dim3A_79 : vector<16xf32> to vector<1x16xf32>
      tpu.vector_store %arg11[%swap3A_80, %swap3A_81], %swap3A_84 {strides = array<i32>} : memref<8x128xf32, #tpu.memory_space<vmem>>, vector<1x16xf32>,
      %broadcast_in_dim3A_85 = arith.constant 0.000000e+00 : f32
      %broadcast_in_dim3A_86 = vector.broadcast %broadcast_in_dim3A_85 : f32 to vector<16xf32>
      %swap3A_87 = arith.index_cast %add3A_58 : i32 to index
      %swap3A_88 = arith.constant 64 : index
      %swap3A_89 = tpu.vector_load %arg11[%swap3A_87, %swap3A_88] {strides = array<i32>} : memref<8x128xf32, #tpu.memory_space<vmem>>, vector<1x16xf32>,
      %swap3A_90 = vector.shape_cast %swap3A_89 : vector<1x16xf32> to vector<16xf32>
      %swap3A_91 = vector.shape_cast %broadcast_in_dim3A_86 : vector<16xf32> to vector<1x16xf32>
      tpu.vector_store %arg11[%swap3A_87, %swap3A_88], %swap3A_91 {strides = array<i32>} : memref<8x128xf32, #tpu.memory_space<vmem>>, vector<1x16xf32>,
      %broadcast_in_dim3A_92 = arith.constant 0.000000e+00 : f32
      %broadcast_in_dim3A_93 = vector.broadcast %broadcast_in_dim3A_92 : f32 to vector<16xf32>
      %swap3A_94 = arith.index_cast %add3A_58 : i32 to index
      %swap3A_95 = arith.constant 80 : index
      %swap3A_96 = tpu.vector_load %arg11[%swap3A_94, %swap3A_95] {strides = array<i32>} : memref<8x128xf32, #tpu.memory_space<vmem>>, vector<1x16xf32>,
      %swap3A_97 = vector.shape_cast %swap3A_96 : vector<1x16xf32> to vector<16xf32>
      %swap3A_98 = vector.shape_cast %broadcast_in_dim3A_93 : vector<16xf32> to vector<1x16xf32>
      tpu.vector_store %arg11[%swap3A_94, %swap3A_95], %swap3A_98 {strides = array<i32>} : memref<8x128xf32, #tpu.memory_space<vmem>>, vector<1x16xf32>,
      %broadcast_in_dim3A_99 = arith.constant 0.000000e+00 : f32
      %broadcast_in_dim3A_100 = vector.broadcast %broadcast_in_dim3A_99 : f32 to vector<16xf32>
      %swap3A_101 = arith.index_cast %add3A_58 : i32 to index
      %swap3A_102 = arith.constant 96 : index
      %swap3A_103 = tpu.vector_load %arg11[%swap3A_101, %swap3A_102] {strides = array<i32>} : memref<8x128xf32, #tpu.memory_space<vmem>>, vector<1x16xf32>,
      %swap3A_104 = vector.shape_cast %swap3A_103 : vector<1x16xf32> to vector<16xf32>
      %swap3A_105 = vector.shape_cast %broadcast_in_dim3A_100 : vector<16xf32> to vector<1x16xf32>
      tpu.vector_store %arg11[%swap3A_101, %swap3A_102], %swap3A_105 {strides = array<i32>} : memref<8x128xf32, #tpu.memory_space<vmem>>, vector<1x16xf32>,
      %broadcast_in_dim3A_106 = arith.constant 0.000000e+00 : f32
      %broadcast_in_dim3A_107 = vector.broadcast %broadcast_in_dim3A_106 : f32 to vector<16xf32>
      %swap3A_108 = arith.index_cast %add3A_58 : i32 to index
      %swap3A_109 = arith.constant 112 : index
      %swap3A_110 = tpu.vector_load %arg11[%swap3A_108, %swap3A_109] {strides = array<i32>} : memref<8x128xf32, #tpu.memory_space<vmem>>, vector<1x16xf32>,
      %swap3A_111 = vector.shape_cast %swap3A_110 : vector<1x16xf32> to vector<16xf32>
      %swap3A_112 = vector.shape_cast %broadcast_in_dim3A_107 : vector<16xf32> to vector<1x16xf32>
      tpu.vector_store %arg11[%swap3A_108, %swap3A_109], %swap3A_112 {strides = array<i32>} : memref<8x128xf32, #tpu.memory_space<vmem>>, vector<1x16xf32>,
    }
    %scan3A_10 = arith.constant 8 : i32
    %mul3A_11 = arith.constant 10 : i32
    %mul3A_12 = arith.muli %select_n3A, %mul3A_11 : i32
    %sub3A = arith.constant 0 : i32
    %sub3A_13 = arith.subi %mul3A_12, %sub3A : i32
    %sub3A_14 = arith.constant 1 : i32
    %sub3A_15 = arith.constant 1 : i32
    %sub3A_16 = arith.subi %sub3A_14, %sub3A_15 : i32
    %add3A_17 = arith.addi %sub3A_13, %sub3A_16 : i32
    %div3A = arith.constant 1 : i32
    %div3A_18 = arith.divsi %add3A_17, %div3A : i32
    %while3A = arith.constant 1 : i32
    %while3A_19 = arith.constant 0 : i32
    %while3A_20 = arith.constant 0 : i32
    %while3A_21 = arith.subi %div3A_18, %while3A_20 : i32
    %while3A_22 = arith.addi %while3A_20, %while3A_21 : i32
    %while3A_23 = arith.constant 1 : i32
    %while3A_24 = arith.divsi %while3A_21, %while3A_23 : i32
    %while3A_25 = arith.muli %while3A_24, %while3A_23 : i32
    %while3A_26 = arith.addi %while3A_20, %while3A_25 : i32
    %while3A_27 = arith.constant 1 : i32
    scf.for %while3A_54 = %while3A_20 to %while3A_26 step %while3A_27  : i32 {
      %mul3A_55 = arith.muli %while3A_54, %while3A : i32
      %add3A_56 = arith.addi %while3A_19, %mul3A_55 : i32
      %mul3A_57 = arith.constant 8 : i32
      %mul3A_58 = arith.muli %add3A_56, %mul3A_57 : i32
      %add3A_59 = arith.addi %mul3A_6, %mul3A_58 : i32
      "tpu.region"() ({
        %run_scoped3A = tpu.sem_alloc : memref<!tpu.dma_semaphore, #tpu.memory_space<semaphore_mem>>
        %dma_start3A = arith.constant 0 : i32
        %dma_start3A_60 = tpu.memref_slice %arg12[%add3A_59, %dma_start3A] : memref<10000x128xf32, #tpu.memory_space<vmem_shared>> -> memref<8x128xf32, #tpu.memory_space<vmem_shared>>
        %dma_start3A_61 = arith.constant 0 : i32
        %dma_start3A_62 = tpu.memref_slice %arg12[%add3A_59, %dma_start3A_61] : memref<10000x128xf32, #tpu.memory_space<vmem_shared>> -> memref<8x128xf32, #tpu.memory_space<vmem_shared>>
        tpu.enqueue_dma source(%arg11 : memref<8x128xf32, #tpu.memory_space<vmem>>) target(%dma_start3A_62 : memref<8x128xf32, #tpu.memory_space<vmem_shared>>) target_semaphore(%run_scoped3A : memref<!tpu.dma_semaphore, #tpu.memory_space<semaphore_mem>>)
        %dma_wait3A = arith.constant 0 : i32
        %dma_wait3A_63 = tpu.memref_slice %arg12[%add3A_59, %dma_wait3A] : memref<10000x128xf32, #tpu.memory_space<vmem_shared>> -> memref<8x128xf32, #tpu.memory_space<vmem_shared>>
        %dma_wait3A_64 = arith.constant 0 : i32
        %dma_wait3A_65 = tpu.memref_slice %arg12[%add3A_59, %dma_wait3A_64] : memref<10000x128xf32, #tpu.memory_space<vmem_shared>> -> memref<8x128xf32, #tpu.memory_space<vmem_shared>>
        tpu.wait_dma2 semaphore(%run_scoped3A : memref<!tpu.dma_semaphore, #tpu.memory_space<semaphore_mem>>) src(%arg11 : memref<8x128xf32, #tpu.memory_space<vmem>>) dst(%dma_wait3A_65 : memref<8x128xf32, #tpu.memory_space<vmem_shared>>)
        tpu.yield
      }) : () -> ()
    }
    %while3A_28 = arith.constant 1 : i32
    scf.for %while3A_54 = %while3A_26 to %while3A_22 step %while3A_28  : i32 {
      %mul3A_55 = arith.muli %while3A_54, %while3A : i32
      %add3A_56 = arith.addi %while3A_19, %mul3A_55 : i32
      %mul3A_57 = arith.constant 8 : i32
      %mul3A_58 = arith.muli %add3A_56, %mul3A_57 : i32
      %add3A_59 = arith.addi %mul3A_6, %mul3A_58 : i32
      "tpu.region"() ({
        %run_scoped3A = tpu.sem_alloc : memref<!tpu.dma_semaphore, #tpu.memory_space<semaphore_mem>>
        %dma_start3A = arith.constant 0 : i32
        %dma_start3A_60 = tpu.memref_slice %arg12[%add3A_59, %dma_start3A] : memref<10000x128xf32, #tpu.memory_space<vmem_shared>> -> memref<8x128xf32, #tpu.memory_space<vmem_shared>>
        %dma_start3A_61 = arith.constant 0 : i32
        %dma_start3A_62 = tpu.memref_slice %arg12[%add3A_59, %dma_start3A_61] : memref<10000x128xf32, #tpu.memory_space<vmem_shared>> -> memref<8x128xf32, #tpu.memory_space<vmem_shared>>
        tpu.enqueue_dma source(%arg11 : memref<8x128xf32, #tpu.memory_space<vmem>>) target(%dma_start3A_62 : memref<8x128xf32, #tpu.memory_space<vmem_shared>>) target_semaphore(%run_scoped3A : memref<!tpu.dma_semaphore, #tpu.memory_space<semaphore_mem>>)
        %dma_wait3A = arith.constant 0 : i32
        %dma_wait3A_63 = tpu.memref_slice %arg12[%add3A_59, %dma_wait3A] : memref<10000x128xf32, #tpu.memory_space<vmem_shared>> -> memref<8x128xf32, #tpu.memory_space<vmem_shared>>
        %dma_wait3A_64 = arith.constant 0 : i32
        %dma_wait3A_65 = tpu.memref_slice %arg12[%add3A_59, %dma_wait3A_64] : memref<10000x128xf32, #tpu.memory_space<vmem_shared>> -> memref<8x128xf32, #tpu.memory_space<vmem_shared>>
        tpu.wait_dma2 semaphore(%run_scoped3A : memref<!tpu.dma_semaphore, #tpu.memory_space<semaphore_mem>>) src(%arg11 : memref<8x128xf32, #tpu.memory_space<vmem>>) dst(%dma_wait3A_65 : memref<8x128xf32, #tpu.memory_space<vmem_shared>>)
        tpu.yield
      }) : () -> ()
    }
    %barrier3A = arith.constant 0 : index
    tpu.barrier barrier_id(%barrier3A)
    %scan3A_29 = arith.constant 0 : i32
    %scan3A_30 = arith.constant 125 : i32
    %scan3A_31 = arith.addi %scan3A_29, %scan3A_30 : i32
    %scan3A_32 = arith.constant 1 : i32
    scf.for %scan3A_54 = %scan3A_29 to %scan3A_31 step %scan3A_32  : i32 {
      %mul3A_55 = arith.constant 1 : i32
      %mul3A_56 = arith.muli %scan3A_54, %mul3A_55 : i32
      %add3A_57 = arith.constant 0 : i32
      %add3A_58 = arith.addi %add3A_57, %mul3A_56 : i32
      %mul3A_59 = arith.constant 80 : i32
      %mul3A_60 = arith.muli %add3A_58, %mul3A_59 : i32
      %add3A_61 = arith.addi %mul3A_2, %mul3A_60 : i32
      %multiple_of3A = tpu.assume_multiple %add3A_61, 8 : i32
      %dma_start3A = tpu.memref_slice %arg3[%multiple_of3A] : memref<320000xi32, #tpu.memory_space<hbm>> -> memref<80xi32, #tpu.memory_space<hbm>>
      %dma_start3A_62 = tpu.memref_slice %arg3[%multiple_of3A] : memref<320000xi32, #tpu.memory_space<hbm>> -> memref<80xi32, #tpu.memory_space<hbm>>
      tpu.enqueue_dma source(%dma_start3A_62 : memref<80xi32, #tpu.memory_space<hbm>>) target(%arg8 : memref<80xi32, #tpu.memory_space<vmem>>) target_semaphore(%arg13 : memref<!tpu.dma_semaphore, #tpu.memory_space<semaphore_mem>>)
      %dma_start3A_63 = tpu.memref_slice %arg4[%multiple_of3A] : memref<320000xi32, #tpu.memory_space<hbm>> -> memref<80xi32, #tpu.memory_space<hbm>>
      %dma_start3A_64 = tpu.memref_slice %arg4[%multiple_of3A] : memref<320000xi32, #tpu.memory_space<hbm>> -> memref<80xi32, #tpu.memory_space<hbm>>
      tpu.enqueue_dma source(%dma_start3A_64 : memref<80xi32, #tpu.memory_space<hbm>>) target(%arg9 : memref<80xi32, #tpu.memory_space<vmem>>) target_semaphore(%arg14 : memref<!tpu.dma_semaphore, #tpu.memory_space<semaphore_mem>>)
      %dma_start3A_65 = arith.constant 0 : i32
      %dma_start3A_66 = tpu.memref_slice %arg5[%multiple_of3A, %dma_start3A_65] : memref<320000x16xf32, #tpu.memory_space<hbm>> -> memref<80x16xf32, #tpu.memory_space<hbm>>
      %dma_start3A_67 = arith.constant 0 : i32
      %dma_start3A_68 = tpu.memref_slice %arg5[%multiple_of3A, %dma_start3A_67] : memref<320000x16xf32, #tpu.memory_space<hbm>> -> memref<80x16xf32, #tpu.memory_space<hbm>>
      tpu.enqueue_dma source(%dma_start3A_68 : memref<80x16xf32, #tpu.memory_space<hbm>>) target(%arg10 : memref<80x16xf32, #tpu.memory_space<vmem>>) target_semaphore(%arg15 : memref<!tpu.dma_semaphore, #tpu.memory_space<semaphore_mem>>)
      %dma_wait3A = tpu.memref_slice %arg3[%multiple_of3A] : memref<320000xi32, #tpu.memory_space<hbm>> -> memref<80xi32, #tpu.memory_space<hbm>>
      %dma_wait3A_69 = tpu.memref_slice %arg3[%multiple_of3A] : memref<320000xi32, #tpu.memory_space<hbm>> -> memref<80xi32, #tpu.memory_space<hbm>>
      tpu.wait_dma2 semaphore(%arg13 : memref<!tpu.dma_semaphore, #tpu.memory_space<semaphore_mem>>) src(%dma_wait3A_69 : memref<80xi32, #tpu.memory_space<hbm>>) dst(%arg8 : memref<80xi32, #tpu.memory_space<vmem>>)
      %dma_wait3A_70 = tpu.memref_slice %arg4[%multiple_of3A] : memref<320000xi32, #tpu.memory_space<hbm>> -> memref<80xi32, #tpu.memory_space<hbm>>
      %dma_wait3A_71 = tpu.memref_slice %arg4[%multiple_of3A] : memref<320000xi32, #tpu.memory_space<hbm>> -> memref<80xi32, #tpu.memory_space<hbm>>
      tpu.wait_dma2 semaphore(%arg14 : memref<!tpu.dma_semaphore, #tpu.memory_space<semaphore_mem>>) src(%dma_wait3A_71 : memref<80xi32, #tpu.memory_space<hbm>>) dst(%arg9 : memref<80xi32, #tpu.memory_space<vmem>>)
      %dma_wait3A_72 = arith.constant 0 : i32
      %dma_wait3A_73 = tpu.memref_slice %arg5[%multiple_of3A, %dma_wait3A_72] : memref<320000x16xf32, #tpu.memory_space<hbm>> -> memref<80x16xf32, #tpu.memory_space<hbm>>
      %dma_wait3A_74 = arith.constant 0 : i32
      %dma_wait3A_75 = tpu.memref_slice %arg5[%multiple_of3A, %dma_wait3A_74] : memref<320000x16xf32, #tpu.memory_space<hbm>> -> memref<80x16xf32, #tpu.memory_space<hbm>>
      tpu.wait_dma2 semaphore(%arg15 : memref<!tpu.dma_semaphore, #tpu.memory_space<semaphore_mem>>) src(%dma_wait3A_75 : memref<80x16xf32, #tpu.memory_space<hbm>>) dst(%arg10 : memref<80x16xf32, #tpu.memory_space<vmem>>)
      %dma_start3A_76 = arith.constant 0 : i32
      %dma_start3A_77 = arith.constant 0 : i32
      %dma_start3A_78 = tpu.memref_slice %arg7[%dma_start3A_76, %dma_start3A_77] : memref<80x128xf32, #tpu.memory_space<vmem>> -> memref<40x128xf32, #tpu.memory_space<vmem>>
      %dma_start3A_79 = arith.constant 0 : i32
      %dma_start3A_80 = tpu.memref_slice %arg8[%dma_start3A_79] : memref<80xi32, #tpu.memory_space<vmem>> -> memref<40xi32, #tpu.memory_space<vmem>>
      %dma_start3A_81 = arith.constant 0 : i32
      %dma_start3A_82 = arith.constant 0 : i32
      %dma_start3A_83 = tpu.memref_slice %arg2[%dma_start3A_81, %dma_start3A_82] : memref<10000x128xf32, #tpu.memory_space<hbm>> -> memref<10000x128xf32, #tpu.memory_space<hbm>>
      tpu.enqueue_indirect_dma source(%dma_start3A_83 : memref<10000x128xf32, #tpu.memory_space<hbm>>) target(%dma_start3A_78 : memref<40x128xf32, #tpu.memory_space<vmem>>) offsets(%dma_start3A_80 : memref<40xi32, #tpu.memory_space<vmem>>) semaphore(%arg13 : memref<!tpu.dma_semaphore, #tpu.memory_space<semaphore_mem>>)
      %dma_start3A_84 = arith.constant 40 : i32
      %dma_start3A_85 = arith.constant 0 : i32
      %dma_start3A_86 = tpu.memref_slice %arg7[%dma_start3A_84, %dma_start3A_85] : memref<80x128xf32, #tpu.memory_space<vmem>> -> memref<40x128xf32, #tpu.memory_space<vmem>>
      %dma_start3A_87 = arith.constant 40 : i32
      %dma_start3A_88 = tpu.memref_slice %arg8[%dma_start3A_87] : memref<80xi32, #tpu.memory_space<vmem>> -> memref<40xi32, #tpu.memory_space<vmem>>
      %dma_start3A_89 = arith.constant 0 : i32
      %dma_start3A_90 = arith.constant 0 : i32
      %dma_start3A_91 = tpu.memref_slice %arg2[%dma_start3A_89, %dma_start3A_90] : memref<10000x128xf32, #tpu.memory_space<hbm>> -> memref<10000x128xf32, #tpu.memory_space<hbm>>
      tpu.enqueue_indirect_dma source(%dma_start3A_91 : memref<10000x128xf32, #tpu.memory_space<hbm>>) target(%dma_start3A_86 : memref<40x128xf32, #tpu.memory_space<vmem>>) offsets(%dma_start3A_88 : memref<40xi32, #tpu.memory_space<vmem>>) semaphore(%arg14 : memref<!tpu.dma_semaphore, #tpu.memory_space<semaphore_mem>>)
      %dma_wait3A_92 = arith.constant 0 : i32
      %dma_wait3A_93 = arith.constant 0 : i32
      %dma_wait3A_94 = tpu.memref_slice %arg7[%dma_wait3A_92, %dma_wait3A_93] : memref<80x128xf32, #tpu.memory_space<vmem>> -> memref<40x128xf32, #tpu.memory_space<vmem>>
      %dma_wait3A_95 = arith.constant 0 : i32
      %dma_wait3A_96 = tpu.memref_slice %arg8[%dma_wait3A_95] : memref<80xi32, #tpu.memory_space<vmem>> -> memref<40xi32, #tpu.memory_space<vmem>>
      %dma_wait3A_97 = arith.constant 0 : i32
      %dma_wait3A_98 = arith.constant 0 : i32
      %dma_wait3A_99 = tpu.memref_slice %arg2[%dma_wait3A_97, %dma_wait3A_98] : memref<10000x128xf32, #tpu.memory_space<hbm>> -> memref<10000x128xf32, #tpu.memory_space<hbm>>
      tpu.wait_indirect_dma semaphore(%arg13 : memref<!tpu.dma_semaphore, #tpu.memory_space<semaphore_mem>>) src(%dma_wait3A_99 : memref<10000x128xf32, #tpu.memory_space<hbm>>) dst(%dma_wait3A_94 : memref<40x128xf32, #tpu.memory_space<vmem>>)
      %scan3A_100 = arith.constant 0 : i32
      %scan3A_101 = arith.constant 40 : i32
      %scan3A_102 = arith.addi %scan3A_100, %scan3A_101 : i32
      %scan3A_103 = arith.constant 1 : i32
      scf.for %scan3A_118 = %scan3A_100 to %scan3A_102 step %scan3A_103  : i32 {
        %mul3A_119 = arith.constant 1 : i32
        %mul3A_120 = arith.muli %scan3A_118, %mul3A_119 : i32
        %add3A_121 = arith.constant 0 : i32
        %add3A_122 = arith.addi %add3A_121, %mul3A_120 : i32
        %get3A = arith.index_cast %add3A_122 : i32 to index
        %get3A_123 = arith.constant 0 : index
        %get3A_124 = tpu.vector_load %arg10[%get3A, %get3A_123] {strides = array<i32>} : memref<80x16xf32, #tpu.memory_space<vmem>>, vector<1x16xf32>,
        %get3A_125 = vector.shape_cast %get3A_124 : vector<1x16xf32> to vector<16xf32>
        %get3A_126 = arith.index_cast %add3A_122 : i32 to index
        %get3A_127 = arith.constant 0 : index
        %get3A_128 = tpu.vector_load %arg7[%get3A_126, %get3A_127] {strides = array<i32>} : memref<80x128xf32, #tpu.memory_space<vmem>>, vector<1x16xf32>,
        %get3A_129 = vector.shape_cast %get3A_128 : vector<1x16xf32> to vector<16xf32>
        %mul3A_130 = arith.mulf %get3A_129, %get3A_125 : vector<16xf32>
        %swap3A = arith.index_cast %add3A_122 : i32 to index
        %swap3A_131 = arith.constant 0 : index
        %swap3A_132 = tpu.vector_load %arg7[%swap3A, %swap3A_131] {strides = array<i32>} : memref<80x128xf32, #tpu.memory_space<vmem>>, vector<1x16xf32>,
        %swap3A_133 = vector.shape_cast %swap3A_132 : vector<1x16xf32> to vector<16xf32>
        %swap3A_134 = vector.shape_cast %mul3A_130 : vector<16xf32> to vector<1x16xf32>
        tpu.vector_store %arg7[%swap3A, %swap3A_131], %swap3A_134 {strides = array<i32>} : memref<80x128xf32, #tpu.memory_space<vmem>>, vector<1x16xf32>,
        %get3A_135 = arith.index_cast %add3A_122 : i32 to index
        %get3A_136 = arith.constant 16 : index
        %get3A_137 = tpu.vector_load %arg7[%get3A_135, %get3A_136] {strides = array<i32>} : memref<80x128xf32, #tpu.memory_space<vmem>>, vector<1x16xf32>,
        %get3A_138 = vector.shape_cast %get3A_137 : vector<1x16xf32> to vector<16xf32>
        %mul3A_139 = arith.mulf %get3A_138, %get3A_125 : vector<16xf32>
        %swap3A_140 = arith.index_cast %add3A_122 : i32 to index
        %swap3A_141 = arith.constant 16 : index
        %swap3A_142 = tpu.vector_load %arg7[%swap3A_140, %swap3A_141] {strides = array<i32>} : memref<80x128xf32, #tpu.memory_space<vmem>>, vector<1x16xf32>,
        %swap3A_143 = vector.shape_cast %swap3A_142 : vector<1x16xf32> to vector<16xf32>
        %swap3A_144 = vector.shape_cast %mul3A_139 : vector<16xf32> to vector<1x16xf32>
        tpu.vector_store %arg7[%swap3A_140, %swap3A_141], %swap3A_144 {strides = array<i32>} : memref<80x128xf32, #tpu.memory_space<vmem>>, vector<1x16xf32>,
        %get3A_145 = arith.index_cast %add3A_122 : i32 to index
        %get3A_146 = arith.constant 32 : index
        %get3A_147 = tpu.vector_load %arg7[%get3A_145, %get3A_146] {strides = array<i32>} : memref<80x128xf32, #tpu.memory_space<vmem>>, vector<1x16xf32>,
        %get3A_148 = vector.shape_cast %get3A_147 : vector<1x16xf32> to vector<16xf32>
        %mul3A_149 = arith.mulf %get3A_148, %get3A_125 : vector<16xf32>
        %swap3A_150 = arith.index_cast %add3A_122 : i32 to index
        %swap3A_151 = arith.constant 32 : index
        %swap3A_152 = tpu.vector_load %arg7[%swap3A_150, %swap3A_151] {strides = array<i32>} : memref<80x128xf32, #tpu.memory_space<vmem>>, vector<1x16xf32>,
        %swap3A_153 = vector.shape_cast %swap3A_152 : vector<1x16xf32> to vector<16xf32>
        %swap3A_154 = vector.shape_cast %mul3A_149 : vector<16xf32> to vector<1x16xf32>
        tpu.vector_store %arg7[%swap3A_150, %swap3A_151], %swap3A_154 {strides = array<i32>} : memref<80x128xf32, #tpu.memory_space<vmem>>, vector<1x16xf32>,
        %get3A_155 = arith.index_cast %add3A_122 : i32 to index
        %get3A_156 = arith.constant 48 : index
        %get3A_157 = tpu.vector_load %arg7[%get3A_155, %get3A_156] {strides = array<i32>} : memref<80x128xf32, #tpu.memory_space<vmem>>, vector<1x16xf32>,
        %get3A_158 = vector.shape_cast %get3A_157 : vector<1x16xf32> to vector<16xf32>
        %mul3A_159 = arith.mulf %get3A_158, %get3A_125 : vector<16xf32>
        %swap3A_160 = arith.index_cast %add3A_122 : i32 to index
        %swap3A_161 = arith.constant 48 : index
        %swap3A_162 = tpu.vector_load %arg7[%swap3A_160, %swap3A_161] {strides = array<i32>} : memref<80x128xf32, #tpu.memory_space<vmem>>, vector<1x16xf32>,
        %swap3A_163 = vector.shape_cast %swap3A_162 : vector<1x16xf32> to vector<16xf32>
        %swap3A_164 = vector.shape_cast %mul3A_159 : vector<16xf32> to vector<1x16xf32>
        tpu.vector_store %arg7[%swap3A_160, %swap3A_161], %swap3A_164 {strides = array<i32>} : memref<80x128xf32, #tpu.memory_space<vmem>>, vector<1x16xf32>,
        %get3A_165 = arith.index_cast %add3A_122 : i32 to index
        %get3A_166 = arith.constant 64 : index
        %get3A_167 = tpu.vector_load %arg7[%get3A_165, %get3A_166] {strides = array<i32>} : memref<80x128xf32, #tpu.memory_space<vmem>>, vector<1x16xf32>,
        %get3A_168 = vector.shape_cast %get3A_167 : vector<1x16xf32> to vector<16xf32>
        %mul3A_169 = arith.mulf %get3A_168, %get3A_125 : vector<16xf32>
        %swap3A_170 = arith.index_cast %add3A_122 : i32 to index
        %swap3A_171 = arith.constant 64 : index
        %swap3A_172 = tpu.vector_load %arg7[%swap3A_170, %swap3A_171] {strides = array<i32>} : memref<80x128xf32, #tpu.memory_space<vmem>>, vector<1x16xf32>,
        %swap3A_173 = vector.shape_cast %swap3A_172 : vector<1x16xf32> to vector<16xf32>
        %swap3A_174 = vector.shape_cast %mul3A_169 : vector<16xf32> to vector<1x16xf32>
        tpu.vector_store %arg7[%swap3A_170, %swap3A_171], %swap3A_174 {strides = array<i32>} : memref<80x128xf32, #tpu.memory_space<vmem>>, vector<1x16xf32>,
        %get3A_175 = arith.index_cast %add3A_122 : i32 to index
        %get3A_176 = arith.constant 80 : index
        %get3A_177 = tpu.vector_load %arg7[%get3A_175, %get3A_176] {strides = array<i32>} : memref<80x128xf32, #tpu.memory_space<vmem>>, vector<1x16xf32>,
        %get3A_178 = vector.shape_cast %get3A_177 : vector<1x16xf32> to vector<16xf32>
        %mul3A_179 = arith.mulf %get3A_178, %get3A_125 : vector<16xf32>
        %swap3A_180 = arith.index_cast %add3A_122 : i32 to index
        %swap3A_181 = arith.constant 80 : index
        %swap3A_182 = tpu.vector_load %arg7[%swap3A_180, %swap3A_181] {strides = array<i32>} : memref<80x128xf32, #tpu.memory_space<vmem>>, vector<1x16xf32>,
        %swap3A_183 = vector.shape_cast %swap3A_182 : vector<1x16xf32> to vector<16xf32>
        %swap3A_184 = vector.shape_cast %mul3A_179 : vector<16xf32> to vector<1x16xf32>
        tpu.vector_store %arg7[%swap3A_180, %swap3A_181], %swap3A_184 {strides = array<i32>} : memref<80x128xf32, #tpu.memory_space<vmem>>, vector<1x16xf32>,
        %get3A_185 = arith.index_cast %add3A_122 : i32 to index
        %get3A_186 = arith.constant 96 : index
        %get3A_187 = tpu.vector_load %arg7[%get3A_185, %get3A_186] {strides = array<i32>} : memref<80x128xf32, #tpu.memory_space<vmem>>, vector<1x16xf32>,
        %get3A_188 = vector.shape_cast %get3A_187 : vector<1x16xf32> to vector<16xf32>
        %mul3A_189 = arith.mulf %get3A_188, %get3A_125 : vector<16xf32>
        %swap3A_190 = arith.index_cast %add3A_122 : i32 to index
        %swap3A_191 = arith.constant 96 : index
        %swap3A_192 = tpu.vector_load %arg7[%swap3A_190, %swap3A_191] {strides = array<i32>} : memref<80x128xf32, #tpu.memory_space<vmem>>, vector<1x16xf32>,
        %swap3A_193 = vector.shape_cast %swap3A_192 : vector<1x16xf32> to vector<16xf32>
        %swap3A_194 = vector.shape_cast %mul3A_189 : vector<16xf32> to vector<1x16xf32>
        tpu.vector_store %arg7[%swap3A_190, %swap3A_191], %swap3A_194 {strides = array<i32>} : memref<80x128xf32, #tpu.memory_space<vmem>>, vector<1x16xf32>,
        %get3A_195 = arith.index_cast %add3A_122 : i32 to index
        %get3A_196 = arith.constant 112 : index
        %get3A_197 = tpu.vector_load %arg7[%get3A_195, %get3A_196] {strides = array<i32>} : memref<80x128xf32, #tpu.memory_space<vmem>>, vector<1x16xf32>,
        %get3A_198 = vector.shape_cast %get3A_197 : vector<1x16xf32> to vector<16xf32>
        %mul3A_199 = arith.mulf %get3A_198, %get3A_125 : vector<16xf32>
        %swap3A_200 = arith.index_cast %add3A_122 : i32 to index
        %swap3A_201 = arith.constant 112 : index
        %swap3A_202 = tpu.vector_load %arg7[%swap3A_200, %swap3A_201] {strides = array<i32>} : memref<80x128xf32, #tpu.memory_space<vmem>>, vector<1x16xf32>,
        %swap3A_203 = vector.shape_cast %swap3A_202 : vector<1x16xf32> to vector<16xf32>
        %swap3A_204 = vector.shape_cast %mul3A_199 : vector<16xf32> to vector<1x16xf32>
        tpu.vector_store %arg7[%swap3A_200, %swap3A_201], %swap3A_204 {strides = array<i32>} : memref<80x128xf32, #tpu.memory_space<vmem>>, vector<1x16xf32>,
      }
      %scan3A_104 = arith.constant 40 : i32
      %dma_wait3A_105 = arith.constant 40 : i32
      %dma_wait3A_106 = arith.constant 0 : i32
      %dma_wait3A_107 = tpu.memref_slice %arg7[%dma_wait3A_105, %dma_wait3A_106] : memref<80x128xf32, #tpu.memory_space<vmem>> -> memref<40x128xf32, #tpu.memory_space<vmem>>
      %dma_wait3A_108 = arith.constant 40 : i32
      %dma_wait3A_109 = tpu.memref_slice %arg8[%dma_wait3A_108] : memref<80xi32, #tpu.memory_space<vmem>> -> memref<40xi32, #tpu.memory_space<vmem>>
      %dma_wait3A_110 = arith.constant 0 : i32
      %dma_wait3A_111 = arith.constant 0 : i32
      %dma_wait3A_112 = tpu.memref_slice %arg2[%dma_wait3A_110, %dma_wait3A_111] : memref<10000x128xf32, #tpu.memory_space<hbm>> -> memref<10000x128xf32, #tpu.memory_space<hbm>>
      tpu.wait_indirect_dma semaphore(%arg14 : memref<!tpu.dma_semaphore, #tpu.memory_space<semaphore_mem>>) src(%dma_wait3A_112 : memref<10000x128xf32, #tpu.memory_space<hbm>>) dst(%dma_wait3A_107 : memref<40x128xf32, #tpu.memory_space<vmem>>)
      %scan3A_113 = arith.constant 0 : i32
      %scan3A_114 = arith.constant 40 : i32
      %scan3A_115 = arith.addi %scan3A_113, %scan3A_114 : i32
      %scan3A_116 = arith.constant 1 : i32
      scf.for %scan3A_118 = %scan3A_113 to %scan3A_115 step %scan3A_116  : i32 {
        %mul3A_119 = arith.constant 1 : i32
        %mul3A_120 = arith.muli %scan3A_118, %mul3A_119 : i32
        %add3A_121 = arith.constant 0 : i32
        %add3A_122 = arith.addi %add3A_121, %mul3A_120 : i32
        %add3A_123 = arith.constant 40 : i32
        %add3A_124 = arith.addi %add3A_123, %add3A_122 : i32
        %get3A = arith.index_cast %add3A_124 : i32 to index
        %get3A_125 = arith.constant 0 : index
        %get3A_126 = tpu.vector_load %arg10[%get3A, %get3A_125] {strides = array<i32>} : memref<80x16xf32, #tpu.memory_space<vmem>>, vector<1x16xf32>,
        %get3A_127 = vector.shape_cast %get3A_126 : vector<1x16xf32> to vector<16xf32>
        %add3A_128 = arith.constant 40 : i32
        %add3A_129 = arith.addi %add3A_128, %add3A_122 : i32
        %get3A_130 = arith.index_cast %add3A_129 : i32 to index
        %get3A_131 = arith.constant 0 : index
        %get3A_132 = tpu.vector_load %arg7[%get3A_130, %get3A_131] {strides = array<i32>} : memref<80x128xf32, #tpu.memory_space<vmem>>, vector<1x16xf32>,
        %get3A_133 = vector.shape_cast %get3A_132 : vector<1x16xf32> to vector<16xf32>
        %mul3A_134 = arith.mulf %get3A_133, %get3A_127 : vector<16xf32>
        %add3A_135 = arith.constant 40 : i32
        %add3A_136 = arith.addi %add3A_135, %add3A_122 : i32
        %swap3A = arith.index_cast %add3A_136 : i32 to index
        %swap3A_137 = arith.constant 0 : index
        %swap3A_138 = tpu.vector_load %arg7[%swap3A, %swap3A_137] {strides = array<i32>} : memref<80x128xf32, #tpu.memory_space<vmem>>, vector<1x16xf32>,
        %swap3A_139 = vector.shape_cast %swap3A_138 : vector<1x16xf32> to vector<16xf32>
        %swap3A_140 = vector.shape_cast %mul3A_134 : vector<16xf32> to vector<1x16xf32>
        tpu.vector_store %arg7[%swap3A, %swap3A_137], %swap3A_140 {strides = array<i32>} : memref<80x128xf32, #tpu.memory_space<vmem>>, vector<1x16xf32>,
        %add3A_141 = arith.constant 40 : i32
        %add3A_142 = arith.addi %add3A_141, %add3A_122 : i32
        %get3A_143 = arith.index_cast %add3A_142 : i32 to index
        %get3A_144 = arith.constant 16 : index
        %get3A_145 = tpu.vector_load %arg7[%get3A_143, %get3A_144] {strides = array<i32>} : memref<80x128xf32, #tpu.memory_space<vmem>>, vector<1x16xf32>,
        %get3A_146 = vector.shape_cast %get3A_145 : vector<1x16xf32> to vector<16xf32>
        %mul3A_147 = arith.mulf %get3A_146, %get3A_127 : vector<16xf32>
        %add3A_148 = arith.constant 40 : i32
        %add3A_149 = arith.addi %add3A_148, %add3A_122 : i32
        %swap3A_150 = arith.index_cast %add3A_149 : i32 to index
        %swap3A_151 = arith.constant 16 : index
        %swap3A_152 = tpu.vector_load %arg7[%swap3A_150, %swap3A_151] {strides = array<i32>} : memref<80x128xf32, #tpu.memory_space<vmem>>, vector<1x16xf32>,
        %swap3A_153 = vector.shape_cast %swap3A_152 : vector<1x16xf32> to vector<16xf32>
        %swap3A_154 = vector.shape_cast %mul3A_147 : vector<16xf32> to vector<1x16xf32>
        tpu.vector_store %arg7[%swap3A_150, %swap3A_151], %swap3A_154 {strides = array<i32>} : memref<80x128xf32, #tpu.memory_space<vmem>>, vector<1x16xf32>,
        %add3A_155 = arith.constant 40 : i32
        %add3A_156 = arith.addi %add3A_155, %add3A_122 : i32
        %get3A_157 = arith.index_cast %add3A_156 : i32 to index
        %get3A_158 = arith.constant 32 : index
        %get3A_159 = tpu.vector_load %arg7[%get3A_157, %get3A_158] {strides = array<i32>} : memref<80x128xf32, #tpu.memory_space<vmem>>, vector<1x16xf32>,
        %get3A_160 = vector.shape_cast %get3A_159 : vector<1x16xf32> to vector<16xf32>
        %mul3A_161 = arith.mulf %get3A_160, %get3A_127 : vector<16xf32>
        %add3A_162 = arith.constant 40 : i32
        %add3A_163 = arith.addi %add3A_162, %add3A_122 : i32
        %swap3A_164 = arith.index_cast %add3A_163 : i32 to index
        %swap3A_165 = arith.constant 32 : index
        %swap3A_166 = tpu.vector_load %arg7[%swap3A_164, %swap3A_165] {strides = array<i32>} : memref<80x128xf32, #tpu.memory_space<vmem>>, vector<1x16xf32>,
        %swap3A_167 = vector.shape_cast %swap3A_166 : vector<1x16xf32> to vector<16xf32>
        %swap3A_168 = vector.shape_cast %mul3A_161 : vector<16xf32> to vector<1x16xf32>
        tpu.vector_store %arg7[%swap3A_164, %swap3A_165], %swap3A_168 {strides = array<i32>} : memref<80x128xf32, #tpu.memory_space<vmem>>, vector<1x16xf32>,
        %add3A_169 = arith.constant 40 : i32
        %add3A_170 = arith.addi %add3A_169, %add3A_122 : i32
        %get3A_171 = arith.index_cast %add3A_170 : i32 to index
        %get3A_172 = arith.constant 48 : index
        %get3A_173 = tpu.vector_load %arg7[%get3A_171, %get3A_172] {strides = array<i32>} : memref<80x128xf32, #tpu.memory_space<vmem>>, vector<1x16xf32>,
        %get3A_174 = vector.shape_cast %get3A_173 : vector<1x16xf32> to vector<16xf32>
        %mul3A_175 = arith.mulf %get3A_174, %get3A_127 : vector<16xf32>
        %add3A_176 = arith.constant 40 : i32
        %add3A_177 = arith.addi %add3A_176, %add3A_122 : i32
        %swap3A_178 = arith.index_cast %add3A_177 : i32 to index
        %swap3A_179 = arith.constant 48 : index
        %swap3A_180 = tpu.vector_load %arg7[%swap3A_178, %swap3A_179] {strides = array<i32>} : memref<80x128xf32, #tpu.memory_space<vmem>>, vector<1x16xf32>,
        %swap3A_181 = vector.shape_cast %swap3A_180 : vector<1x16xf32> to vector<16xf32>
        %swap3A_182 = vector.shape_cast %mul3A_175 : vector<16xf32> to vector<1x16xf32>
        tpu.vector_store %arg7[%swap3A_178, %swap3A_179], %swap3A_182 {strides = array<i32>} : memref<80x128xf32, #tpu.memory_space<vmem>>, vector<1x16xf32>,
        %add3A_183 = arith.constant 40 : i32
        %add3A_184 = arith.addi %add3A_183, %add3A_122 : i32
        %get3A_185 = arith.index_cast %add3A_184 : i32 to index
        %get3A_186 = arith.constant 64 : index
        %get3A_187 = tpu.vector_load %arg7[%get3A_185, %get3A_186] {strides = array<i32>} : memref<80x128xf32, #tpu.memory_space<vmem>>, vector<1x16xf32>,
        %get3A_188 = vector.shape_cast %get3A_187 : vector<1x16xf32> to vector<16xf32>
        %mul3A_189 = arith.mulf %get3A_188, %get3A_127 : vector<16xf32>
        %add3A_190 = arith.constant 40 : i32
        %add3A_191 = arith.addi %add3A_190, %add3A_122 : i32
        %swap3A_192 = arith.index_cast %add3A_191 : i32 to index
        %swap3A_193 = arith.constant 64 : index
        %swap3A_194 = tpu.vector_load %arg7[%swap3A_192, %swap3A_193] {strides = array<i32>} : memref<80x128xf32, #tpu.memory_space<vmem>>, vector<1x16xf32>,
        %swap3A_195 = vector.shape_cast %swap3A_194 : vector<1x16xf32> to vector<16xf32>
        %swap3A_196 = vector.shape_cast %mul3A_189 : vector<16xf32> to vector<1x16xf32>
        tpu.vector_store %arg7[%swap3A_192, %swap3A_193], %swap3A_196 {strides = array<i32>} : memref<80x128xf32, #tpu.memory_space<vmem>>, vector<1x16xf32>,
        %add3A_197 = arith.constant 40 : i32
        %add3A_198 = arith.addi %add3A_197, %add3A_122 : i32
        %get3A_199 = arith.index_cast %add3A_198 : i32 to index
        %get3A_200 = arith.constant 80 : index
        %get3A_201 = tpu.vector_load %arg7[%get3A_199, %get3A_200] {strides = array<i32>} : memref<80x128xf32, #tpu.memory_space<vmem>>, vector<1x16xf32>,
        %get3A_202 = vector.shape_cast %get3A_201 : vector<1x16xf32> to vector<16xf32>
        %mul3A_203 = arith.mulf %get3A_202, %get3A_127 : vector<16xf32>
        %add3A_204 = arith.constant 40 : i32
        %add3A_205 = arith.addi %add3A_204, %add3A_122 : i32
        %swap3A_206 = arith.index_cast %add3A_205 : i32 to index
        %swap3A_207 = arith.constant 80 : index
        %swap3A_208 = tpu.vector_load %arg7[%swap3A_206, %swap3A_207] {strides = array<i32>} : memref<80x128xf32, #tpu.memory_space<vmem>>, vector<1x16xf32>,
        %swap3A_209 = vector.shape_cast %swap3A_208 : vector<1x16xf32> to vector<16xf32>
        %swap3A_210 = vector.shape_cast %mul3A_203 : vector<16xf32> to vector<1x16xf32>
        tpu.vector_store %arg7[%swap3A_206, %swap3A_207], %swap3A_210 {strides = array<i32>} : memref<80x128xf32, #tpu.memory_space<vmem>>, vector<1x16xf32>,
        %add3A_211 = arith.constant 40 : i32
        %add3A_212 = arith.addi %add3A_211, %add3A_122 : i32
        %get3A_213 = arith.index_cast %add3A_212 : i32 to index
        %get3A_214 = arith.constant 96 : index
        %get3A_215 = tpu.vector_load %arg7[%get3A_213, %get3A_214] {strides = array<i32>} : memref<80x128xf32, #tpu.memory_space<vmem>>, vector<1x16xf32>,
        %get3A_216 = vector.shape_cast %get3A_215 : vector<1x16xf32> to vector<16xf32>
        %mul3A_217 = arith.mulf %get3A_216, %get3A_127 : vector<16xf32>
        %add3A_218 = arith.constant 40 : i32
        %add3A_219 = arith.addi %add3A_218, %add3A_122 : i32
        %swap3A_220 = arith.index_cast %add3A_219 : i32 to index
        %swap3A_221 = arith.constant 96 : index
        %swap3A_222 = tpu.vector_load %arg7[%swap3A_220, %swap3A_221] {strides = array<i32>} : memref<80x128xf32, #tpu.memory_space<vmem>>, vector<1x16xf32>,
        %swap3A_223 = vector.shape_cast %swap3A_222 : vector<1x16xf32> to vector<16xf32>
        %swap3A_224 = vector.shape_cast %mul3A_217 : vector<16xf32> to vector<1x16xf32>
        tpu.vector_store %arg7[%swap3A_220, %swap3A_221], %swap3A_224 {strides = array<i32>} : memref<80x128xf32, #tpu.memory_space<vmem>>, vector<1x16xf32>,
        %add3A_225 = arith.constant 40 : i32
        %add3A_226 = arith.addi %add3A_225, %add3A_122 : i32
        %get3A_227 = arith.index_cast %add3A_226 : i32 to index
        %get3A_228 = arith.constant 112 : index
        %get3A_229 = tpu.vector_load %arg7[%get3A_227, %get3A_228] {strides = array<i32>} : memref<80x128xf32, #tpu.memory_space<vmem>>, vector<1x16xf32>,
        %get3A_230 = vector.shape_cast %get3A_229 : vector<1x16xf32> to vector<16xf32>
        %mul3A_231 = arith.mulf %get3A_230, %get3A_127 : vector<16xf32>
        %add3A_232 = arith.constant 40 : i32
        %add3A_233 = arith.addi %add3A_232, %add3A_122 : i32
        %swap3A_234 = arith.index_cast %add3A_233 : i32 to index
        %swap3A_235 = arith.constant 112 : index
        %swap3A_236 = tpu.vector_load %arg7[%swap3A_234, %swap3A_235] {strides = array<i32>} : memref<80x128xf32, #tpu.memory_space<vmem>>, vector<1x16xf32>,
        %swap3A_237 = vector.shape_cast %swap3A_236 : vector<1x16xf32> to vector<16xf32>
        %swap3A_238 = vector.shape_cast %mul3A_231 : vector<16xf32> to vector<1x16xf32>
        tpu.vector_store %arg7[%swap3A_234, %swap3A_235], %swap3A_238 {strides = array<i32>} : memref<80x128xf32, #tpu.memory_space<vmem>>, vector<1x16xf32>,
      }
      %scan3A_117 = arith.constant 40 : i32
      "tpu.region"() ({
        %run_scoped3A = tpu.sem_alloc : memref<!tpu.dma_semaphore, #tpu.memory_space<semaphore_mem>>
        %dma_start3A_118 = arith.constant 0 : i32
        %dma_start3A_119 = arith.constant 0 : i32
        %dma_start3A_120 = tpu.memref_slice %arg12[%dma_start3A_118, %dma_start3A_119] : memref<10000x128xf32, #tpu.memory_space<vmem_shared>> -> memref<10000x128xf32, #tpu.memory_space<vmem_shared>>
        tpu.enqueue_indirect_dma source(%arg7 : memref<80x128xf32, #tpu.memory_space<vmem>>) target(%dma_start3A_120 : memref<10000x128xf32, #tpu.memory_space<vmem_shared>>) offsets(%arg9 : memref<80xi32, #tpu.memory_space<vmem>>) semaphore(%run_scoped3A : memref<!tpu.dma_semaphore, #tpu.memory_space<semaphore_mem>>) {add = true}
        %dma_wait3A_121 = arith.constant 0 : i32
        %dma_wait3A_122 = arith.constant 0 : i32
        %dma_wait3A_123 = tpu.memref_slice %arg12[%dma_wait3A_121, %dma_wait3A_122] : memref<10000x128xf32, #tpu.memory_space<vmem_shared>> -> memref<10000x128xf32, #tpu.memory_space<vmem_shared>>
        tpu.wait_indirect_dma semaphore(%run_scoped3A : memref<!tpu.dma_semaphore, #tpu.memory_space<semaphore_mem>>) src(%arg7 : memref<80x128xf32, #tpu.memory_space<vmem>>) dst(%dma_wait3A_123 : memref<10000x128xf32, #tpu.memory_space<vmem_shared>>)
        tpu.yield
      }) : () -> ()
    }
    %scan3A_33 = arith.constant 125 : i32
    %barrier3A_34 = arith.constant 0 : index
    tpu.barrier barrier_id(%barrier3A_34)
    %sub3A_35 = arith.constant 0 : i32
    %sub3A_36 = arith.subi %select_n3A, %sub3A_35 : i32
    %sub3A_37 = arith.constant 1 : i32
    %sub3A_38 = arith.constant 1 : i32
    %sub3A_39 = arith.subi %sub3A_37, %sub3A_38 : i32
    %add3A_40 = arith.addi %sub3A_36, %sub3A_39 : i32
    %div3A_41 = arith.constant 1 : i32
    %div3A_42 = arith.divsi %add3A_40, %div3A_41 : i32
    %while3A_43 = arith.constant 1 : i32
    %while3A_44 = arith.constant 0 : i32
    %while3A_45 = arith.constant 0 : i32
    %while3A_46 = arith.subi %div3A_42, %while3A_45 : i32
    %while3A_47 = arith.addi %while3A_45, %while3A_46 : i32
    %while3A_48 = arith.constant 1 : i32
    %while3A_49 = arith.divsi %while3A_46, %while3A_48 : i32
    %while3A_50 = arith.muli %while3A_49, %while3A_48 : i32
    %while3A_51 = arith.addi %while3A_45, %while3A_50 : i32
    %while3A_52 = arith.constant 1 : i32
    scf.for %while3A_54 = %while3A_45 to %while3A_51 step %while3A_52  : i32 {
      %mul3A_55 = arith.muli %while3A_54, %while3A_43 : i32
      %add3A_56 = arith.addi %while3A_44, %mul3A_55 : i32
      %mul3A_57 = arith.constant 80 : i32
      %mul3A_58 = arith.muli %add3A_56, %mul3A_57 : i32
      %add3A_59 = arith.addi %mul3A_6, %mul3A_58 : i32
      "tpu.region"() ({
        %run_scoped3A = tpu.sem_alloc : memref<!tpu.dma_semaphore, #tpu.memory_space<semaphore_mem>>
        %dma_start3A = arith.constant 0 : i32
        %dma_start3A_60 = tpu.memref_slice %arg6[%arg0, %add3A_59, %dma_start3A] : memref<2x10000x128xf32, #tpu.memory_space<hbm>> -> memref<1x80x128xf32, #tpu.memory_space<hbm>>
        %dma_start3A_61 = tpu.memref_squeeze %dma_start3A_60 : memref<1x80x128xf32, #tpu.memory_space<hbm>> -> memref<80x128xf32, #tpu.memory_space<hbm>>
        %dma_start3A_62 = arith.constant 0 : i32
        %dma_start3A_63 = tpu.memref_slice %arg12[%add3A_59, %dma_start3A_62] : memref<10000x128xf32, #tpu.memory_space<vmem_shared>> -> memref<80x128xf32, #tpu.memory_space<vmem_shared>>
        tpu.enqueue_dma source(%dma_start3A_63 : memref<80x128xf32, #tpu.memory_space<vmem_shared>>) target(%dma_start3A_61 : memref<80x128xf32, #tpu.memory_space<hbm>>) target_semaphore(%run_scoped3A : memref<!tpu.dma_semaphore, #tpu.memory_space<semaphore_mem>>)
        %dma_wait3A = arith.constant 0 : i32
        %dma_wait3A_64 = tpu.memref_slice %arg6[%arg0, %add3A_59, %dma_wait3A] : memref<2x10000x128xf32, #tpu.memory_space<hbm>> -> memref<1x80x128xf32, #tpu.memory_space<hbm>>
        %dma_wait3A_65 = tpu.memref_squeeze %dma_wait3A_64 : memref<1x80x128xf32, #tpu.memory_space<hbm>> -> memref<80x128xf32, #tpu.memory_space<hbm>>
        %dma_wait3A_66 = arith.constant 0 : i32
        %dma_wait3A_67 = tpu.memref_slice %arg12[%add3A_59, %dma_wait3A_66] : memref<10000x128xf32, #tpu.memory_space<vmem_shared>> -> memref<80x128xf32, #tpu.memory_space<vmem_shared>>
        tpu.wait_dma2 semaphore(%run_scoped3A : memref<!tpu.dma_semaphore, #tpu.memory_space<semaphore_mem>>) src(%dma_wait3A_67 : memref<80x128xf32, #tpu.memory_space<vmem_shared>>) dst(%dma_wait3A_65 : memref<80x128xf32, #tpu.memory_space<hbm>>)
        tpu.yield
      }) : () -> ()
    }
    %while3A_53 = arith.constant 1 : i32
    scf.for %while3A_54 = %while3A_51 to %while3A_47 step %while3A_53  : i32 {
      %mul3A_55 = arith.muli %while3A_54, %while3A_43 : i32
      %add3A_56 = arith.addi %while3A_44, %mul3A_55 : i32
      %mul3A_57 = arith.constant 80 : i32
      %mul3A_58 = arith.muli %add3A_56, %mul3A_57 : i32
      %add3A_59 = arith.addi %mul3A_6, %mul3A_58 : i32
      "tpu.region"() ({
        %run_scoped3A = tpu.sem_alloc : memref<!tpu.dma_semaphore, #tpu.memory_space<semaphore_mem>>
        %dma_start3A = arith.constant 0 : i32
        %dma_start3A_60 = tpu.memref_slice %arg6[%arg0, %add3A_59, %dma_start3A] : memref<2x10000x128xf32, #tpu.memory_space<hbm>> -> memref<1x80x128xf32, #tpu.memory_space<hbm>>
        %dma_start3A_61 = tpu.memref_squeeze %dma_start3A_60 : memref<1x80x128xf32, #tpu.memory_space<hbm>> -> memref<80x128xf32, #tpu.memory_space<hbm>>
        %dma_start3A_62 = arith.constant 0 : i32
        %dma_start3A_63 = tpu.memref_slice %arg12[%add3A_59, %dma_start3A_62] : memref<10000x128xf32, #tpu.memory_space<vmem_shared>> -> memref<80x128xf32, #tpu.memory_space<vmem_shared>>
        tpu.enqueue_dma source(%dma_start3A_63 : memref<80x128xf32, #tpu.memory_space<vmem_shared>>) target(%dma_start3A_61 : memref<80x128xf32, #tpu.memory_space<hbm>>) target_semaphore(%run_scoped3A : memref<!tpu.dma_semaphore, #tpu.memory_space<semaphore_mem>>)
        %dma_wait3A = arith.constant 0 : i32
        %dma_wait3A_64 = tpu.memref_slice %arg6[%arg0, %add3A_59, %dma_wait3A] : memref<2x10000x128xf32, #tpu.memory_space<hbm>> -> memref<1x80x128xf32, #tpu.memory_space<hbm>>
        %dma_wait3A_65 = tpu.memref_squeeze %dma_wait3A_64 : memref<1x80x128xf32, #tpu.memory_space<hbm>> -> memref<80x128xf32, #tpu.memory_space<hbm>>
        %dma_wait3A_66 = arith.constant 0 : i32
        %dma_wait3A_67 = tpu.memref_slice %arg12[%add3A_59, %dma_wait3A_66] : memref<10000x128xf32, #tpu.memory_space<vmem_shared>> -> memref<80x128xf32, #tpu.memory_space<vmem_shared>>
        tpu.wait_dma2 semaphore(%run_scoped3A : memref<!tpu.dma_semaphore, #tpu.memory_space<semaphore_mem>>) src(%dma_wait3A_67 : memref<80x128xf32, #tpu.memory_space<vmem_shared>>) dst(%dma_wait3A_65 : memref<80x128xf32, #tpu.memory_space<hbm>>)
        tpu.yield
      }) : () -> ()
    }
    return
  }
}

module attributes {stable_mosaic.version = 14 : i64} {
  func.func @_proj_body(%arg0: i32, %arg1: memref<2000x128xf32, #tpu.memory_space<vmem>>, %arg2: memref<128x128xf32, #tpu.memory_space<vmem>>, %arg3: memref<1x128xf32, #tpu.memory_space<vmem>>, %arg4: memref<128x128xf32, #tpu.memory_space<vmem>>, %arg5: memref<1x128xf32, #tpu.memory_space<vmem>>, %arg6: memref<2000x128xf32, #tpu.memory_space<vmem>>, %arg7: memref<2000x128xf32, #tpu.memory_space<vmem>>) attributes {dimension_semantics = [#tpu.dimension_semantics<arbitrary>], iteration_bounds = array<i64: 5>, scalar_prefetch = 0 : i64, scratch_operands = 0 : i64, tpu.core_type = #tpu.core_type<tc>, window_params = [{transform_indices = @transform_0, window_bounds = array<i64: 2000, 128>}, {pipeline_mode = #tpu.pipeline_mode<synchronous>, transform_indices = @transform_1, window_bounds = array<i64: 128, 128>}, {pipeline_mode = #tpu.pipeline_mode<synchronous>, transform_indices = @transform_2, window_bounds = array<i64: 1, 128>}, {pipeline_mode = #tpu.pipeline_mode<synchronous>, transform_indices = @transform_3, window_bounds = array<i64: 128, 128>}, {pipeline_mode = #tpu.pipeline_mode<synchronous>, transform_indices = @transform_4, window_bounds = array<i64: 1, 128>}, {transform_indices = @transform_5, window_bounds = array<i64: 2000, 128>}, {transform_indices = @transform_6, window_bounds = array<i64: 2000, 128>}]} {
    %get3A = arith.constant 0 : index
    %get3A_0 = arith.constant 0 : index
    %get3A_1 = vector.load %arg1[%get3A, %get3A_0] : memref<2000x128xf32, #tpu.memory_space<vmem>>, vector<2000x128xf32>
    %get3A_2 = arith.constant 0 : index
    %get3A_3 = arith.constant 0 : index
    %get3A_4 = vector.load %arg2[%get3A_2, %get3A_3] : memref<128x128xf32, #tpu.memory_space<vmem>>, vector<128x128xf32>
    %dot_general3A = arith.constant dense<0.000000e+00> : vector<2000x128xf32>
    %dot_general3A_5 = tpu.matmul %get3A_1, %get3A_4, %dot_general3A {dimension_numbers = #tpu.dot_dimension_numbers<[1], [0], [0], [1], [0, 0, 1, 1], [], []>, transpose_lhs_hint = false} : vector<2000x128xf32>, vector<128x128xf32>, vector<2000x128xf32> -> vector<2000x128xf32>
    %get3A_6 = arith.constant 0 : index
    %get3A_7 = arith.constant 0 : index
    %get3A_8 = vector.load %arg3[%get3A_6, %get3A_7] : memref<1x128xf32, #tpu.memory_space<vmem>>, vector<1x128xf32>
    %add3A = vector.broadcast %get3A_8 : vector<1x128xf32> to vector<2000x128xf32>
    %add3A_9 = arith.addf %dot_general3A_5, %add3A : vector<2000x128xf32>
    %swap3A = arith.constant 0 : index
    %swap3A_10 = arith.constant 0 : index
    %swap3A_11 = vector.load %arg6[%swap3A, %swap3A_10] : memref<2000x128xf32, #tpu.memory_space<vmem>>, vector<2000x128xf32>
    tpu.vector_store %arg6[%swap3A, %swap3A_10], %add3A_9 {strides = array<i32>} : memref<2000x128xf32, #tpu.memory_space<vmem>>, vector<2000x128xf32>,
    %get3A_12 = arith.constant 0 : index
    %get3A_13 = arith.constant 0 : index
    %get3A_14 = vector.load %arg4[%get3A_12, %get3A_13] : memref<128x128xf32, #tpu.memory_space<vmem>>, vector<128x128xf32>
    %dot_general3A_15 = arith.constant dense<0.000000e+00> : vector<2000x128xf32>
    %dot_general3A_16 = tpu.matmul %get3A_1, %get3A_14, %dot_general3A_15 {dimension_numbers = #tpu.dot_dimension_numbers<[1], [0], [0], [1], [0, 0, 1, 1], [], []>, transpose_lhs_hint = false} : vector<2000x128xf32>, vector<128x128xf32>, vector<2000x128xf32> -> vector<2000x128xf32>
    %get3A_17 = arith.constant 0 : index
    %get3A_18 = arith.constant 0 : index
    %get3A_19 = vector.load %arg5[%get3A_17, %get3A_18] : memref<1x128xf32, #tpu.memory_space<vmem>>, vector<1x128xf32>
    %add3A_20 = vector.broadcast %get3A_19 : vector<1x128xf32> to vector<2000x128xf32>
    %add3A_21 = arith.addf %dot_general3A_16, %add3A_20 : vector<2000x128xf32>
    %swap3A_22 = arith.constant 0 : index
    %swap3A_23 = arith.constant 0 : index
    %swap3A_24 = vector.load %arg7[%swap3A_22, %swap3A_23] : memref<2000x128xf32, #tpu.memory_space<vmem>>, vector<2000x128xf32>
    tpu.vector_store %arg7[%swap3A_22, %swap3A_23], %add3A_21 {strides = array<i32>} : memref<2000x128xf32, #tpu.memory_space<vmem>>, vector<2000x128xf32>,
    return
  }
  func.func @transform_0(%arg0: i32) -> (i32, i32) {
    %c0_i32 = arith.constant 0 : i32
    %c0_i32_0 = arith.constant 0 : i32
    return %arg0, %c0_i32 : i32, i32
  }
  func.func @transform_1(%arg0: i32) -> (i32, i32) {
    %c0_i32 = arith.constant 0 : i32
    %c0_i32_0 = arith.constant 0 : i32
    %c0_i32_1 = arith.constant 0 : i32
    return %c0_i32, %c0_i32_0 : i32, i32
  }
  func.func @transform_2(%arg0: i32) -> (i32, i32) {
    %c0_i32 = arith.constant 0 : i32
    %c0_i32_0 = arith.constant 0 : i32
    %c0_i32_1 = arith.constant 0 : i32
    return %c0_i32, %c0_i32_0 : i32, i32
  }
  func.func @transform_3(%arg0: i32) -> (i32, i32) {
    %c0_i32 = arith.constant 0 : i32
    %c0_i32_0 = arith.constant 0 : i32
    %c0_i32_1 = arith.constant 0 : i32
    return %c0_i32, %c0_i32_0 : i32, i32
  }
  func.func @transform_4(%arg0: i32) -> (i32, i32) {
    %c0_i32 = arith.constant 0 : i32
    %c0_i32_0 = arith.constant 0 : i32
    %c0_i32_1 = arith.constant 0 : i32
    return %c0_i32, %c0_i32_0 : i32, i32
  }
  func.func @transform_5(%arg0: i32) -> (i32, i32) {
    %c0_i32 = arith.constant 0 : i32
    %c0_i32_0 = arith.constant 0 : i32
    return %arg0, %c0_i32 : i32, i32
  }
  func.func @transform_6(%arg0: i32) -> (i32, i32) {
    %c0_i32 = arith.constant 0 : i32
    %c0_i32_0 = arith.constant 0 : i32
    return %arg0, %c0_i32 : i32, i32
  }
}

module attributes {stable_mosaic.version = 14 : i64} {
  func.func @_ea_body(%arg0: i32, %arg1: memref<8000x4xf32, #tpu.memory_space<vmem>>, %arg2: memref<4x128xf32, #tpu.memory_space<vmem>>, %arg3: memref<8000x128xf32, #tpu.memory_space<vmem>>) attributes {dimension_semantics = [#tpu.dimension_semantics<arbitrary>], iteration_bounds = array<i64: 40>, scalar_prefetch = 0 : i64, scratch_operands = 0 : i64, tpu.core_type = #tpu.core_type<tc>, window_params = [{transform_indices = @transform_0, window_bounds = array<i64: 8000, 4>}, {pipeline_mode = #tpu.pipeline_mode<synchronous>, transform_indices = @transform_1, window_bounds = array<i64: 4, 128>}, {transform_indices = @transform_2, window_bounds = array<i64: 8000, 128>}]} {
    %get3A = arith.constant 0 : index
    %get3A_0 = arith.constant 0 : index
    %get3A_1 = vector.load %arg1[%get3A, %get3A_0] : memref<8000x4xf32, #tpu.memory_space<vmem>>, vector<8000x4xf32>
    %get3A_2 = arith.constant 0 : index
    %get3A_3 = arith.constant 0 : index
    %get3A_4 = vector.load %arg2[%get3A_2, %get3A_3] : memref<4x128xf32, #tpu.memory_space<vmem>>, vector<4x128xf32>
    %slice3A = vector.extract_strided_slice %get3A_1 {offsets = [0, 0], sizes = [8000, 1], strides = [1, 1]} : vector<8000x4xf32> to vector<8000x1xf32>
    %slice3A_5 = vector.extract_strided_slice %get3A_4 {offsets = [0, 0], sizes = [1, 128], strides = [1, 1]} : vector<4x128xf32> to vector<1x128xf32>
    %mul3A = vector.broadcast %slice3A : vector<8000x1xf32> to vector<8000x128xf32>
    %mul3A_6 = vector.broadcast %slice3A_5 : vector<1x128xf32> to vector<8000x128xf32>
    %mul3A_7 = arith.mulf %mul3A, %mul3A_6 : vector<8000x128xf32>
    %slice3A_8 = vector.extract_strided_slice %get3A_1 {offsets = [0, 1], sizes = [8000, 1], strides = [1, 1]} : vector<8000x4xf32> to vector<8000x1xf32>
    %slice3A_9 = vector.extract_strided_slice %get3A_4 {offsets = [1, 0], sizes = [1, 128], strides = [1, 1]} : vector<4x128xf32> to vector<1x128xf32>
    %mul3A_10 = vector.broadcast %slice3A_8 : vector<8000x1xf32> to vector<8000x128xf32>
    %mul3A_11 = vector.broadcast %slice3A_9 : vector<1x128xf32> to vector<8000x128xf32>
    %mul3A_12 = arith.mulf %mul3A_10, %mul3A_11 : vector<8000x128xf32>
    %add3A = arith.addf %mul3A_7, %mul3A_12 : vector<8000x128xf32>
    %slice3A_13 = vector.extract_strided_slice %get3A_1 {offsets = [0, 2], sizes = [8000, 1], strides = [1, 1]} : vector<8000x4xf32> to vector<8000x1xf32>
    %slice3A_14 = vector.extract_strided_slice %get3A_4 {offsets = [2, 0], sizes = [1, 128], strides = [1, 1]} : vector<4x128xf32> to vector<1x128xf32>
    %mul3A_15 = vector.broadcast %slice3A_13 : vector<8000x1xf32> to vector<8000x128xf32>
    %mul3A_16 = vector.broadcast %slice3A_14 : vector<1x128xf32> to vector<8000x128xf32>
    %mul3A_17 = arith.mulf %mul3A_15, %mul3A_16 : vector<8000x128xf32>
    %add3A_18 = arith.addf %add3A, %mul3A_17 : vector<8000x128xf32>
    %slice3A_19 = vector.extract_strided_slice %get3A_1 {offsets = [0, 3], sizes = [8000, 1], strides = [1, 1]} : vector<8000x4xf32> to vector<8000x1xf32>
    %slice3A_20 = vector.extract_strided_slice %get3A_4 {offsets = [3, 0], sizes = [1, 128], strides = [1, 1]} : vector<4x128xf32> to vector<1x128xf32>
    %mul3A_21 = vector.broadcast %slice3A_19 : vector<8000x1xf32> to vector<8000x128xf32>
    %mul3A_22 = vector.broadcast %slice3A_20 : vector<1x128xf32> to vector<8000x128xf32>
    %mul3A_23 = arith.mulf %mul3A_21, %mul3A_22 : vector<8000x128xf32>
    %add3A_24 = arith.addf %add3A_18, %mul3A_23 : vector<8000x128xf32>
    %swap3A = arith.constant 0 : index
    %swap3A_25 = arith.constant 0 : index
    %swap3A_26 = vector.load %arg3[%swap3A, %swap3A_25] : memref<8000x128xf32, #tpu.memory_space<vmem>>, vector<8000x128xf32>
    tpu.vector_store %arg3[%swap3A, %swap3A_25], %add3A_24 {strides = array<i32>} : memref<8000x128xf32, #tpu.memory_space<vmem>>, vector<8000x128xf32>,
    return
  }
  func.func @transform_0(%arg0: i32) -> (i32, i32) {
    %c0_i32 = arith.constant 0 : i32
    %c0_i32_0 = arith.constant 0 : i32
    return %arg0, %c0_i32 : i32, i32
  }
  func.func @transform_1(%arg0: i32) -> (i32, i32) {
    %c0_i32 = arith.constant 0 : i32
    %c0_i32_0 = arith.constant 0 : i32
    %c0_i32_1 = arith.constant 0 : i32
    return %c0_i32, %c0_i32_0 : i32, i32
  }
  func.func @transform_2(%arg0: i32) -> (i32, i32) {
    %c0_i32 = arith.constant 0 : i32
    %c0_i32_0 = arith.constant 0 : i32
    return %arg0, %c0_i32 : i32, i32
  }
}

module attributes {stable_mosaic.version = 14 : i64} {
  func.func @_alpha_body(%arg0: i32, %arg1: memref<4000x128xf32, #tpu.memory_space<vmem>>, %arg2: memref<1x128xf32, #tpu.memory_space<vmem>>, %arg3: memref<4000x16xf32, #tpu.memory_space<vmem>>) attributes {dimension_semantics = [#tpu.dimension_semantics<arbitrary>], iteration_bounds = array<i64: 80>, scalar_prefetch = 0 : i64, scratch_operands = 0 : i64, tpu.core_type = #tpu.core_type<tc>, window_params = [{transform_indices = @transform_0, window_bounds = array<i64: 4000, 128>}, {pipeline_mode = #tpu.pipeline_mode<synchronous>, transform_indices = @transform_1, window_bounds = array<i64: 1, 128>}, {transform_indices = @transform_2, window_bounds = array<i64: 4000, 16>}]} {
    %get3A = arith.constant 0 : index
    %get3A_0 = arith.constant 0 : index
    %get3A_1 = vector.load %arg1[%get3A, %get3A_0] : memref<4000x128xf32, #tpu.memory_space<vmem>>, vector<4000x128xf32>
    %mul3A = arith.constant 2.000000e-01 : f32
    %mul3A_2 = vector.broadcast %mul3A : f32 to vector<4000x128xf32>
    %mul3A_3 = arith.mulf %mul3A_2, %get3A_1 : vector<4000x128xf32>
    %max3A = arith.maximumf %get3A_1, %mul3A_3 : vector<4000x128xf32>
    %get3A_4 = arith.constant 0 : index
    %get3A_5 = arith.constant 0 : index
    %get3A_6 = vector.load %arg2[%get3A_4, %get3A_5] : memref<1x128xf32, #tpu.memory_space<vmem>>, vector<1x128xf32>
    %mul3A_7 = vector.broadcast %get3A_6 : vector<1x128xf32> to vector<4000x128xf32>
    %mul3A_8 = arith.mulf %max3A, %mul3A_7 : vector<4000x128xf32>
    %reduce_sum3A = arith.constant dense<0.000000e+00> : vector<4000xf32>
    %reduce_sum3A_9 = vector.multi_reduction <add>, %mul3A_8, %reduce_sum3A [1] : vector<4000x128xf32> to vector<4000xf32>
    %broadcast_in_dim3A = vector.shape_cast %reduce_sum3A_9 : vector<4000xf32> to vector<4000x1xf32>
    %exp3A = math.exp %broadcast_in_dim3A : vector<4000x1xf32>
    %broadcast_in_dim3A_10 = vector.shape_cast %exp3A : vector<4000x1xf32> to vector<4000x1xf32>
    %broadcast_in_dim3A_11 = vector.broadcast %broadcast_in_dim3A_10 : vector<4000x1xf32> to vector<4000x16xf32>
    %swap3A = arith.constant 0 : index
    %swap3A_12 = arith.constant 0 : index
    %swap3A_13 = vector.load %arg3[%swap3A, %swap3A_12] : memref<4000x16xf32, #tpu.memory_space<vmem>>, vector<4000x16xf32>
    tpu.vector_store %arg3[%swap3A, %swap3A_12], %broadcast_in_dim3A_11 {strides = array<i32>} : memref<4000x16xf32, #tpu.memory_space<vmem>>, vector<4000x16xf32>,
    return
  }
  func.func @transform_0(%arg0: i32) -> (i32, i32) {
    %c0_i32 = arith.constant 0 : i32
    %c0_i32_0 = arith.constant 0 : i32
    return %arg0, %c0_i32 : i32, i32
  }
  func.func @transform_1(%arg0: i32) -> (i32, i32) {
    %c0_i32 = arith.constant 0 : i32
    %c0_i32_0 = arith.constant 0 : i32
    %c0_i32_1 = arith.constant 0 : i32
    return %c0_i32, %c0_i32_0 : i32, i32
  }
  func.func @transform_2(%arg0: i32) -> (i32, i32) {
    %c0_i32 = arith.constant 0 : i32
    %c0_i32_0 = arith.constant 0 : i32
    return %arg0, %c0_i32 : i32, i32
  }
}

module attributes {stable_mosaic.version = 14 : i64} {
  func.func @_node_body(%arg0: i32, %arg1: memref<2x2000x128xf32, #tpu.memory_space<vmem>>, %arg2: memref<2x2000x128xf32, #tpu.memory_space<vmem>>, %arg3: memref<1x128xf32, #tpu.memory_space<vmem>>, %arg4: memref<2000x128xf32, #tpu.memory_space<vmem>>, %arg5: memref<2000x1xf32, #tpu.memory_space<vmem>>, %arg6: memref<2000x128xf32, #tpu.memory_space<vmem>>) attributes {dimension_semantics = [#tpu.dimension_semantics<arbitrary>], iteration_bounds = array<i64: 5>, scalar_prefetch = 0 : i64, scratch_operands = 0 : i64, tpu.core_type = #tpu.core_type<tc>, window_params = [{transform_indices = @transform_0, window_bounds = array<i64: 2, 2000, 128>}, {transform_indices = @transform_1, window_bounds = array<i64: 2, 2000, 128>}, {pipeline_mode = #tpu.pipeline_mode<synchronous>, transform_indices = @transform_2, window_bounds = array<i64: 1, 128>}, {transform_indices = @transform_3, window_bounds = array<i64: 2000, 128>}, {transform_indices = @transform_4, window_bounds = array<i64: 2000, 1>}, {transform_indices = @transform_5, window_bounds = array<i64: 2000, 128>}]} {
    %get3A = arith.constant 0 : index
    %get3A_0 = arith.constant 0 : index
    %get3A_1 = arith.constant 0 : index
    %get3A_2 = vector.load %arg1[%get3A, %get3A_0, %get3A_1] : memref<2x2000x128xf32, #tpu.memory_space<vmem>>, vector<1x2000x128xf32>
    %get3A_3 = vector.shape_cast %get3A_2 : vector<1x2000x128xf32> to vector<2000x128xf32>
    %slice3A = vector.extract_strided_slice %get3A_3 {offsets = [0, 0], sizes = [2000, 1], strides = [1, 1]} : vector<2000x128xf32> to vector<2000x1xf32>
    %get3A_4 = arith.constant 1 : index
    %get3A_5 = arith.constant 0 : index
    %get3A_6 = arith.constant 0 : index
    %get3A_7 = vector.load %arg1[%get3A_4, %get3A_5, %get3A_6] : memref<2x2000x128xf32, #tpu.memory_space<vmem>>, vector<1x2000x128xf32>
    %get3A_8 = vector.shape_cast %get3A_7 : vector<1x2000x128xf32> to vector<2000x128xf32>
    %slice3A_9 = vector.extract_strided_slice %get3A_8 {offsets = [0, 0], sizes = [2000, 1], strides = [1, 1]} : vector<2000x128xf32> to vector<2000x1xf32>
    %add3A = arith.addf %slice3A, %slice3A_9 : vector<2000x1xf32>
    %add3A_10 = arith.constant 1.000000e-16 : f32
    %add3A_11 = vector.broadcast %add3A_10 : f32 to vector<2000x1xf32>
    %add3A_12 = arith.addf %add3A, %add3A_11 : vector<2000x1xf32>
    %div3A = arith.constant 1.000000e+00 : f32
    %div3A_13 = vector.broadcast %div3A : f32 to vector<2000x1xf32>
    %div3A_14 = arith.divf %div3A_13, %add3A_12 : vector<2000x1xf32>
    %mul3A = arith.mulf %add3A, %div3A_14 : vector<2000x1xf32>
    %gt3A = arith.constant 0.000000e+00 : f32
    %gt3A_15 = vector.broadcast %gt3A : f32 to vector<2000x1xf32>
    %gt3A_16 = arith.cmpf ogt, %add3A, %gt3A_15 : vector<2000x1xf32>
    %jit3A = arith.constant 1.000000e+00 : f32
    %broadcast_in_dim3A = vector.broadcast %jit3A : f32 to vector<2000x1xf32>
    %select_n3A = arith.select %gt3A_16, %mul3A, %broadcast_in_dim3A : vector<2000x1xi1>, vector<2000x1xf32>
    %gt3A_17 = arith.constant 0.000000e+00 : f32
    %gt3A_18 = vector.broadcast %gt3A_17 : f32 to vector<2000x1xf32>
    %gt3A_19 = arith.cmpf ogt, %add3A, %gt3A_18 : vector<2000x1xf32>
    %sqrt3A = math.sqrt %select_n3A : vector<2000x1xf32>
    %div3A_20 = arith.constant 1.000000e+00 : f32
    %div3A_21 = vector.broadcast %div3A_20 : f32 to vector<2000x1xf32>
    %div3A_22 = arith.divf %div3A_21, %sqrt3A : vector<2000x1xf32>
    %jit3A_23 = arith.constant 0.000000e+00 : f32
    %broadcast_in_dim3A_24 = vector.broadcast %jit3A_23 : f32 to vector<2000x1xf32>
    %select_n3A_25 = arith.select %gt3A_19, %div3A_22, %broadcast_in_dim3A_24 : vector<2000x1xi1>, vector<2000x1xf32>
    %broadcast_in_dim3A_26 = vector.shape_cast %div3A_14 : vector<2000x1xf32> to vector<2000x1xf32>
    %broadcast_in_dim3A_27 = vector.broadcast %broadcast_in_dim3A_26 : vector<2000x1xf32> to vector<2000x128xf32>
    %swap3A = arith.constant 0 : index
    %swap3A_28 = arith.constant 0 : index
    %swap3A_29 = vector.load %arg4[%swap3A, %swap3A_28] : memref<2000x128xf32, #tpu.memory_space<vmem>>, vector<2000x128xf32>
    tpu.vector_store %arg4[%swap3A, %swap3A_28], %broadcast_in_dim3A_27 {strides = array<i32>} : memref<2000x128xf32, #tpu.memory_space<vmem>>, vector<2000x128xf32>,
    %swap3A_30 = arith.constant 0 : index
    %swap3A_31 = arith.constant 0 : index
    %swap3A_32 = vector.load %arg5[%swap3A_30, %swap3A_31] : memref<2000x1xf32, #tpu.memory_space<vmem>>, vector<2000x1xf32>
    tpu.vector_store %arg5[%swap3A_30, %swap3A_31], %select_n3A_25 {strides = array<i32>} : memref<2000x1xf32, #tpu.memory_space<vmem>>, vector<2000x1xf32>,
    %get3A_33 = arith.constant 0 : index
    %get3A_34 = arith.constant 0 : index
    %get3A_35 = arith.constant 0 : index
    %get3A_36 = vector.load %arg2[%get3A_33, %get3A_34, %get3A_35] : memref<2x2000x128xf32, #tpu.memory_space<vmem>>, vector<1x2000x128xf32>
    %get3A_37 = vector.shape_cast %get3A_36 : vector<1x2000x128xf32> to vector<2000x128xf32>
    %get3A_38 = arith.constant 1 : index
    %get3A_39 = arith.constant 0 : index
    %get3A_40 = arith.constant 0 : index
    %get3A_41 = vector.load %arg2[%get3A_38, %get3A_39, %get3A_40] : memref<2x2000x128xf32, #tpu.memory_space<vmem>>, vector<1x2000x128xf32>
    %get3A_42 = vector.shape_cast %get3A_41 : vector<1x2000x128xf32> to vector<2000x128xf32>
    %add3A_43 = arith.addf %get3A_37, %get3A_42 : vector<2000x128xf32>
    %mul3A_44 = vector.broadcast %div3A_14 : vector<2000x1xf32> to vector<2000x128xf32>
    %mul3A_45 = arith.mulf %add3A_43, %mul3A_44 : vector<2000x128xf32>
    %get3A_46 = arith.constant 0 : index
    %get3A_47 = arith.constant 0 : index
    %get3A_48 = vector.load %arg3[%get3A_46, %get3A_47] : memref<1x128xf32, #tpu.memory_space<vmem>>, vector<1x128xf32>
    %add3A_49 = vector.broadcast %get3A_48 : vector<1x128xf32> to vector<2000x128xf32>
    %add3A_50 = arith.addf %mul3A_45, %add3A_49 : vector<2000x128xf32>
    %max3A = arith.constant 0.000000e+00 : f32
    %max3A_51 = vector.broadcast %max3A : f32 to vector<2000x128xf32>
    %max3A_52 = arith.maximumf %add3A_50, %max3A_51 : vector<2000x128xf32>
    %mul3A_53 = vector.broadcast %select_n3A_25 : vector<2000x1xf32> to vector<2000x128xf32>
    %mul3A_54 = arith.mulf %max3A_52, %mul3A_53 : vector<2000x128xf32>
    %swap3A_55 = arith.constant 0 : index
    %swap3A_56 = arith.constant 0 : index
    %swap3A_57 = vector.load %arg6[%swap3A_55, %swap3A_56] : memref<2000x128xf32, #tpu.memory_space<vmem>>, vector<2000x128xf32>
    tpu.vector_store %arg6[%swap3A_55, %swap3A_56], %mul3A_54 {strides = array<i32>} : memref<2000x128xf32, #tpu.memory_space<vmem>>, vector<2000x128xf32>,
    return
  }
  func.func @transform_0(%arg0: i32) -> (i32, i32, i32) {
    %c0_i32 = arith.constant 0 : i32
    %c0_i32_0 = arith.constant 0 : i32
    %c0_i32_1 = arith.constant 0 : i32
    return %c0_i32, %arg0, %c0_i32_0 : i32, i32, i32
  }
  func.func @transform_1(%arg0: i32) -> (i32, i32, i32) {
    %c0_i32 = arith.constant 0 : i32
    %c0_i32_0 = arith.constant 0 : i32
    %c0_i32_1 = arith.constant 0 : i32
    return %c0_i32, %arg0, %c0_i32_0 : i32, i32, i32
  }
  func.func @transform_2(%arg0: i32) -> (i32, i32) {
    %c0_i32 = arith.constant 0 : i32
    %c0_i32_0 = arith.constant 0 : i32
    %c0_i32_1 = arith.constant 0 : i32
    return %c0_i32, %c0_i32_0 : i32, i32
  }
  func.func @transform_3(%arg0: i32) -> (i32, i32) {
    %c0_i32 = arith.constant 0 : i32
    %c0_i32_0 = arith.constant 0 : i32
    return %arg0, %c0_i32 : i32, i32
  }
  func.func @transform_4(%arg0: i32) -> (i32, i32) {
    %c0_i32 = arith.constant 0 : i32
    %c0_i32_0 = arith.constant 0 : i32
    return %arg0, %c0_i32 : i32, i32
  }
  func.func @transform_5(%arg0: i32) -> (i32, i32) {
    %c0_i32 = arith.constant 0 : i32
    %c0_i32_0 = arith.constant 0 : i32
    return %arg0, %c0_i32 : i32, i32
  }
}

module attributes {stable_mosaic.version = 14 : i64} {
  func.func @_out_body(%arg0: i32, %arg1: memref<2x2000x128xf32, #tpu.memory_space<vmem>>, %arg2: memref<2000x1xf32, #tpu.memory_space<vmem>>, %arg3: memref<128x128xf32, #tpu.memory_space<vmem>>, %arg4: memref<1x128xf32, #tpu.memory_space<vmem>>, %arg5: memref<128x128xf32, #tpu.memory_space<vmem>>, %arg6: memref<1x128xf32, #tpu.memory_space<vmem>>, %arg7: memref<2000x128xf32, #tpu.memory_space<vmem>>) attributes {dimension_semantics = [#tpu.dimension_semantics<arbitrary>], iteration_bounds = array<i64: 5>, scalar_prefetch = 0 : i64, scratch_operands = 0 : i64, tpu.core_type = #tpu.core_type<tc>, window_params = [{transform_indices = @transform_0, window_bounds = array<i64: 2, 2000, 128>}, {transform_indices = @transform_1, window_bounds = array<i64: 2000, 1>}, {pipeline_mode = #tpu.pipeline_mode<synchronous>, transform_indices = @transform_2, window_bounds = array<i64: 128, 128>}, {pipeline_mode = #tpu.pipeline_mode<synchronous>, transform_indices = @transform_3, window_bounds = array<i64: 1, 128>}, {pipeline_mode = #tpu.pipeline_mode<synchronous>, transform_indices = @transform_4, window_bounds = array<i64: 128, 128>}, {pipeline_mode = #tpu.pipeline_mode<synchronous>, transform_indices = @transform_5, window_bounds = array<i64: 1, 128>}, {transform_indices = @transform_6, window_bounds = array<i64: 2000, 128>}]} {
    %get3A = arith.constant 0 : index
    %get3A_0 = arith.constant 0 : index
    %get3A_1 = arith.constant 0 : index
    %get3A_2 = vector.load %arg1[%get3A, %get3A_0, %get3A_1] : memref<2x2000x128xf32, #tpu.memory_space<vmem>>, vector<1x2000x128xf32>
    %get3A_3 = vector.shape_cast %get3A_2 : vector<1x2000x128xf32> to vector<2000x128xf32>
    %get3A_4 = arith.constant 1 : index
    %get3A_5 = arith.constant 0 : index
    %get3A_6 = arith.constant 0 : index
    %get3A_7 = vector.load %arg1[%get3A_4, %get3A_5, %get3A_6] : memref<2x2000x128xf32, #tpu.memory_space<vmem>>, vector<1x2000x128xf32>
    %get3A_8 = vector.shape_cast %get3A_7 : vector<1x2000x128xf32> to vector<2000x128xf32>
    %add3A = arith.addf %get3A_3, %get3A_8 : vector<2000x128xf32>
    %get3A_9 = arith.constant 0 : index
    %get3A_10 = arith.constant 0 : index
    %get3A_11 = vector.load %arg3[%get3A_9, %get3A_10] : memref<128x128xf32, #tpu.memory_space<vmem>>, vector<128x128xf32>
    %dot_general3A = arith.constant dense<0.000000e+00> : vector<2000x128xf32>
    %dot_general3A_12 = tpu.matmul %add3A, %get3A_11, %dot_general3A {dimension_numbers = #tpu.dot_dimension_numbers<[1], [0], [0], [1], [0, 0, 1, 1], [], []>, transpose_lhs_hint = false} : vector<2000x128xf32>, vector<128x128xf32>, vector<2000x128xf32> -> vector<2000x128xf32>
    %get3A_13 = arith.constant 0 : index
    %get3A_14 = arith.constant 0 : index
    %get3A_15 = vector.load %arg2[%get3A_13, %get3A_14] : memref<2000x1xf32, #tpu.memory_space<vmem>>, vector<2000x1xf32>
    %mul3A = vector.broadcast %get3A_15 : vector<2000x1xf32> to vector<2000x128xf32>
    %mul3A_16 = arith.mulf %dot_general3A_12, %mul3A : vector<2000x128xf32>
    %get3A_17 = arith.constant 0 : index
    %get3A_18 = arith.constant 0 : index
    %get3A_19 = vector.load %arg4[%get3A_17, %get3A_18] : memref<1x128xf32, #tpu.memory_space<vmem>>, vector<1x128xf32>
    %add3A_20 = vector.broadcast %get3A_19 : vector<1x128xf32> to vector<2000x128xf32>
    %add3A_21 = arith.addf %mul3A_16, %add3A_20 : vector<2000x128xf32>
    %max3A = arith.constant 0.000000e+00 : f32
    %max3A_22 = vector.broadcast %max3A : f32 to vector<2000x128xf32>
    %max3A_23 = arith.maximumf %add3A_21, %max3A_22 : vector<2000x128xf32>
    %get3A_24 = arith.constant 0 : index
    %get3A_25 = arith.constant 0 : index
    %get3A_26 = vector.load %arg5[%get3A_24, %get3A_25] : memref<128x128xf32, #tpu.memory_space<vmem>>, vector<128x128xf32>
    %dot_general3A_27 = arith.constant dense<0.000000e+00> : vector<2000x128xf32>
    %dot_general3A_28 = tpu.matmul %max3A_23, %get3A_26, %dot_general3A_27 {dimension_numbers = #tpu.dot_dimension_numbers<[1], [0], [0], [1], [0, 0, 1, 1], [], []>, transpose_lhs_hint = false} : vector<2000x128xf32>, vector<128x128xf32>, vector<2000x128xf32> -> vector<2000x128xf32>
    %get3A_29 = arith.constant 0 : index
    %get3A_30 = arith.constant 0 : index
    %get3A_31 = vector.load %arg6[%get3A_29, %get3A_30] : memref<1x128xf32, #tpu.memory_space<vmem>>, vector<1x128xf32>
    %add3A_32 = vector.broadcast %get3A_31 : vector<1x128xf32> to vector<2000x128xf32>
    %add3A_33 = arith.addf %dot_general3A_28, %add3A_32 : vector<2000x128xf32>
    %swap3A = arith.constant 0 : index
    %swap3A_34 = arith.constant 0 : index
    %swap3A_35 = vector.load %arg7[%swap3A, %swap3A_34] : memref<2000x128xf32, #tpu.memory_space<vmem>>, vector<2000x128xf32>
    tpu.vector_store %arg7[%swap3A, %swap3A_34], %add3A_33 {strides = array<i32>} : memref<2000x128xf32, #tpu.memory_space<vmem>>, vector<2000x128xf32>,
    return
  }
  func.func @transform_0(%arg0: i32) -> (i32, i32, i32) {
    %c0_i32 = arith.constant 0 : i32
    %c0_i32_0 = arith.constant 0 : i32
    %c0_i32_1 = arith.constant 0 : i32
    return %c0_i32, %arg0, %c0_i32_0 : i32, i32, i32
  }
  func.func @transform_1(%arg0: i32) -> (i32, i32) {
    %c0_i32 = arith.constant 0 : i32
    %c0_i32_0 = arith.constant 0 : i32
    return %arg0, %c0_i32 : i32, i32
  }
  func.func @transform_2(%arg0: i32) -> (i32, i32) {
    %c0_i32 = arith.constant 0 : i32
    %c0_i32_0 = arith.constant 0 : i32
    %c0_i32_1 = arith.constant 0 : i32
    return %c0_i32, %c0_i32_0 : i32, i32
  }
  func.func @transform_3(%arg0: i32) -> (i32, i32) {
    %c0_i32 = arith.constant 0 : i32
    %c0_i32_0 = arith.constant 0 : i32
    %c0_i32_1 = arith.constant 0 : i32
    return %c0_i32, %c0_i32_0 : i32, i32
  }
  func.func @transform_4(%arg0: i32) -> (i32, i32) {
    %c0_i32 = arith.constant 0 : i32
    %c0_i32_0 = arith.constant 0 : i32
    %c0_i32_1 = arith.constant 0 : i32
    return %c0_i32, %c0_i32_0 : i32, i32
  }
  func.func @transform_5(%arg0: i32) -> (i32, i32) {
    %c0_i32 = arith.constant 0 : i32
    %c0_i32_0 = arith.constant 0 : i32
    %c0_i32_1 = arith.constant 0 : i32
    return %c0_i32, %c0_i32_0 : i32, i32
  }
  func.func @transform_6(%arg0: i32) -> (i32, i32) {
    %c0_i32 = arith.constant 0 : i32
    %c0_i32_0 = arith.constant 0 : i32
    return %arg0, %c0_i32 : i32, i32
  }
}

</mosaic_0001>

<sc_bundles>
// kernel: kernel.11.cloned.1.call-start
scs
__scs_entry_jumppad:
0x0: {  	(pc) =	sbr.rel $0x88, $3  }
0x1: {  	(tag) =	ssettag $0x0;
	lr =	simm.s32 $0x1  }
0x2: {  	[smem:$0x3F93] =	sst lr;
	_ =	strace $0xD0000000  }
0x3: {  	_ = 	snop  }
0x4: {  	_ = 	snop  }
0x5: {  	_ = 	snop  }
0x6: {  	_ = 	snop  }
0x7: {  	_ = 	snop  }
__scs_overlays_trampoline_lowered:
0x8: {  	[smem:$0x3FA2] =	sst s0  }
0x9: {  	[smem:$0x3FA3] =	sst s1  }
0xa: {  	[smem:$0x3FA4] =	sst s2  }
0xb: {  	[smem:$0x3FA5] =	sst s3  }
0xc: {  	[smem:$0x3FA6] =	sst s4  }
0xd: {  	[smem:$0x3FA7] =	sst s5  }
0xe: {  	[smem:$0x3FA8] =	sst s6  }
0xf: {  	[smem:$0x3FA9] =	sst s7  }
0x10: {  	[smem:$0x3FAA] =	sst s8  }
0x11: {  	[smem:$0x3FAB] =	sst s9;
	s0 =	simm.s32 @!p0 $0x0  }
0x12: {  	s1 =	sld [smem:$0x3F91];
	s0 =	simm.s32 @p0 $0x1  }
0x13: {  	[smem:$0x3FAC] =	sst s0;
	s0 =	simm.s32 @!p1 $0x0  }
0x14: {  	s2 =	sld [smem:$0x3F90];
	s0 =	simm.s32 @p1 $0x1  }
0x15: {  	[smem:$0x3FAD] =	sst s0;
	s0 =	simm.s32 @!p2 $0x0  }
0x16: {  	s3 =	sld [smem:$0x3FDB];
	s0 =	simm.s32 @p2 $0x1  }
0x17: {  	s4 =	simm.s32 $0x1BF5;
	[smem:$0x3FAF] =	sst s0  }
0x18: {  	s0 =	sld [smem:$0x3F92];
	_ =	swait.ge [sflag:s4], $0x0  }
0x19: {  	s7 =	sld [smem:$0x3F93]  }
0x1a: {  	s8 =	sadd.s32 $0xFFFFE003, lr  }
0x1b: {  	s9 =	sadd.s32 $0xFFFFFEF7, lr;
	s5 =	simm.s32 $0xFFFFFFFF;
	p2 =	slt.u32 s8, $0xFFFFF086  }
0x1c: {  	p1 =	slt.u32 s9, $0xF7A;
	s5 =	simm.s32 @!p2 $0x0  }
0x1d: {  	s5 =	simm.s32 @p1 $0x1;
	p0 =	seq.s32 s7, s2  }
0x1e: {  	s7 =	smul.u32 @!p0 $0xF7A, s2;
	p2 =	seq.s32 @!p0 s5, $0x0  }
0x1f: {  	s9 =	smul.u32 $0xF7A, s1;
	s8 =	simm.s32 @!p0 $0x1BF5;
	p2 =	por !p2, p0  }
0x20: {  	[sflag:s8] =	ssyncset.s32 @!p0 $0xFFFFF086;
	s6 =	sadd.s32 @!p0 s3, s7;
	s7 =	simm.s32 @!p0 $0x108  }
0x21: {  	s3 =	sadd.s32 s3, s9;
	s6 =	sadd.s32 @!p0 $0x88, s6;
	s7 =	simm.s32 @p2 $0x1082  }
0x22: {  	[simem:s7], [sflag:s8] =	dma.local @!p0 [hbm:s6], $0xF7A  }
0x23: {  	s9 =	sor.u32 $0xD0000000, s2;
	s6 =	simm.s32 $0x108;
	_ =	swait.ge @!p0 [sflag:s8], $0x0  }
0x24: {  	s3 =	sadd.s32 $0x88, s3;
	s6 =	simm.s32 @!p1 $0x1082;
	[sflag:s4] =	ssyncset.s32 $0xFFFFF086  }
0x25: {  	[simem:s6], [sflag:s4] =	dma.local [hbm:s3], $0xF7A  }
0x26: {  	[smem:$0x3F93] =	sst s1;
	(tag) =	ssettag s2;
	_ =	strace s9  }
0x27: {  	s1 =	sld [smem:$0x3FA3]  }
0x28: {  	s2 =	sld [smem:$0x3FA4]  }
0x29: {  	s4 =	sld [smem:$0x3FA6]  }
0x2a: {  	p0 =	seq.s32 s5, $0x0;
	s5 =	sld [smem:$0x3FA7]  }
0x2b: {  	s6 =	sld [smem:$0x3FA8]  }
0x2c: {  	s7 =	sld [smem:$0x3FA9]  }
0x2d: {  	s3 =	simm.s32 $0x108;
	s8 =	sld [smem:$0x3FAA]  }
0x2e: {  	s3 =	simm.s32 @!p0 $0x1082;
	s9 =	sld [smem:$0x3FAB]  }
0x2f: {  	lr =	sadd.s32 s0, s3;
	s0 =	sld [smem:$0x3FA2]  }
0x30: {  	s3 =	sld [smem:$0x3FA5]  }
0x31: {  	[smem:$0x3FAE] =	sst s10  }
0x32: {  	s10 =	sld [smem:$0x3FAC];
	_ =	sdelay $0x3  }
0x33: {  	p0 =	seq.s32 s10, $0x1;
	s10 =	sld [smem:$0x3FAE];
	_ =	sdelay $0x3  }
0x34: {  	[smem:$0x3FAE] =	sst s10  }
0x35: {  	s10 =	sld [smem:$0x3FAD];
	_ =	sdelay $0x3  }
0x36: {  	p1 =	seq.s32 s10, $0x1;
	s10 =	sld [smem:$0x3FAE];
	_ =	sdelay $0x3  }
0x37: {  	[smem:$0x3FAE] =	sst s10  }
0x38: {  	s10 =	sld [smem:$0x3FAF]  }
0x39: {  	_ = 	snop;
	(pc) =	sbr.ind lr, $3  }
0x3a: {  	_ = 	snop  }
0x3b: {  	_ = 	snop  }
0x3c: {  	p2 =	seq.s32 s10, $0x1;
	s10 =	sld [smem:$0x3FAE]  }
0x3d: {  	_ =	shalt  }
0x3e: {  	_ =	shalt  }
0x3f: {  	_ =	shalt  }
0x40: {  	_ =	shalt  }
0x41: {  	_ =	shalt  }
0x42: {  	_ =	shalt  }
0x43: {  	_ =	shalt  }
0x44: {  	_ =	shalt  }
0x45: {  	_ =	shalt  }
0x46: {  	_ =	shalt  }
0x47: {  	_ =	shalt  }
0x48: {  	_ =	shalt  }
0x49: {  	_ =	shalt  }
0x4a: {  	_ =	shalt  }
0x4b: {  	_ =	shalt  }
0x4c: {  	_ =	shalt  }
0x4d: {  	_ =	shalt  }
0x4e: {  	_ =	shalt  }
0x4f: {  	_ =	shalt  }
0x50: {  	_ =	shalt  }
0x51: {  	_ =	shalt  }
0x52: {  	_ =	shalt  }
0x53: {  	_ =	shalt  }
0x54: {  	_ =	shalt  }
0x55: {  	_ =	shalt  }
0x56: {  	_ =	shalt  }
0x57: {  	_ =	shalt  }
0x58: {  	_ =	shalt  }
0x59: {  	_ =	shalt  }
0x5a: {  	_ =	shalt  }
0x5b: {  	_ =	shalt  }
0x5c: {  	_ =	shalt  }
0x5d: {  	_ =	shalt  }
0x5e: {  	_ =	shalt  }
0x5f: {  	_ =	shalt  }
0x60: {  	_ =	shalt  }
0x61: {  	_ =	shalt  }
0x62: {  	_ =	shalt  }
0x63: {  	_ =	shalt  }
0x64: {  	_ =	shalt  }
0x65: {  	_ =	shalt  }
0x66: {  	_ =	shalt  }
0x67: {  	_ =	shalt  }
0x68: {  	_ =	shalt  }
0x69: {  	_ =	shalt  }
0x6a: {  	_ =	shalt  }
0x6b: {  	_ =	shalt  }
0x6c: {  	_ =	shalt  }
0x6d: {  	_ =	shalt  }
0x6e: {  	_ =	shalt  }
0x6f: {  	_ =	shalt  }
0x70: {  	_ =	shalt  }
0x71: {  	_ =	shalt  }
0x72: {  	_ =	shalt  }
0x73: {  	_ =	shalt  }
0x74: {  	_ =	shalt  }
0x75: {  	_ =	shalt  }
0x76: {  	_ =	shalt  }
0x77: {  	_ =	shalt  }
0x78: {  	_ =	shalt  }
0x79: {  	_ =	shalt  }
0x7a: {  	_ =	shalt  }
0x7b: {  	_ =	shalt  }
0x7c: {  	_ =	shalt  }
0x7d: {  	_ =	shalt  }
0x7e: {  	_ =	shalt  }
0x7f: {  	_ =	shalt  }
0x80: {  	_ =	shalt  }
0x81: {  	_ =	shalt  }
0x82: {  	_ =	shalt  }
0x83: {  	_ =	shalt  }
0x84: {  	_ =	shalt  }
0x85: {  	_ =	shalt  }
0x86: {  	_ =	shalt  }
0x87: {  	_ =	shalt  }
.Lfunc_end0:
.L_simem_size_0:
called_computation_lowered:
.L_overlay_start_0:
0x88: {  	s2 =	sld [smem:$0x3FD9]  }
0x89: {  	s3 =	sld [smem:$0x3FFE];
	_ =	sdelay $0x1  }
0x8a: {  	s1 =	srdreg.scid  }
0x8b: {  	s0 =	sand.u32 $0x1, s1  }
0x8c: {  	s14 =	sshll.u32 s0, $0xA;
	s2 =	sadd.s32 s3, s2  }
0x8d: {  	s2 =	sadd.s32 s2, s14  }
0x8e: {  	[smem:$0x3FBA] =	sst s2  }
0x8f: {  	_ = 	snop  }
0x90: {  	s2 =	sld [smem:$0x3FD0];
	_ =	sdelay $0x2  }
0x91: {  	s15 =	simm.s32 $0xB;
	s4 =	simm.s32 $0x10  }
0x92: {  	[smem:s4], [sflag:s15] =	dma.local [hbm:s2], $0x1  }
0x93: {  	_ =	swait.eq [sflag:s15], $0x1  }
0x94: {  	[sflag:s15] =	ssyncset.done $0x0  }
0x95: {  	[sflag:s15] =	ssyncadd.s32 $0xFFFFFFFF  }
0x96: {  	s16 =	sld [smem:$0x11];
	(tm) =	ssettm $0x1  }
0x97: {  	s17 =	sld [smem:$0x3FFB];
	_ =	sdelay $0x3  }
0x98: {  	_ =	strace s17  }
0x99: {  	s3 =	sld [smem:$0x3FFC];
	_ =	sdelay $0x3  }
0x9a: {  	_ =	strace s3  }
0x9b: {  	s3 =	sld [smem:$0x3FFD];
	_ =	sdelay $0x3  }
0x9c: {  	_ =	strace s3  }
0x9d: {  	_ =	strace $0x8FFFFFFF  }
0x9e: {  	s18 =	sld [smem:$0x3FDB];
	_ =	sdelay $0x1  }
0x9f: {  	s19 =	simm.s32 $_scs_section_size  }
0xa0: {  	s5 =	simm.s32 $_size__tile_overlayer_lowered;
	s6 =	simm.s32 $_tile_overlayer_lowered  }
0xa1: {  	s22 =	simm.s32 $0x1BFF;
	s21 =	sshll.u32 s6, $0x1;
	s3 =	sadd.s32 s19, s18  }
0xa2: {  	s7 =	simm.s32 $0x0;
	s20 =	sshll.u32 s5, $0x1;
	s5 =	sadd.s32 s21, s3  }
0xa3: {  	[timem:s7], [sflag:s22] =	dma.local [hbm:s5], s20  }
0xa4: {  	_ =	swait.ge [sflag:s22], s20  }
0xa5: {  	s4 =	ssub.s32 $0x0, s20;
	[sflag:s22] =	ssyncset.done $0x0  }
0xa6: {  	[sflag:s22] =	ssyncadd.s32 s4;
	_ =	sdelay $0x1  }
0xa7: {  	s23 =	simm.s32 $0x1B8B  }
0xa8: {  	_ =	swait.ge [sflag:s23], $0x1  }
0xa9: {  	[sflag:s23] =	ssyncset.done $0x0  }
0xaa: {  	s25 =	simm.s32 $0x1B8E;
	s24 =	sld [smem:$0x3FFE];
	[sflag:s23] =	ssyncadd.s32 $0xFFFFFFFF  }
0xab: {  	s26 =	simm.s32 $execute0_lowered;
	[smem:$0x3FD2] =	sst s25  }
0xac: {  	s5 =	sshll.u32 s26, $0x1;
	_ =	strace $0x80000046;
	[dreg:$0x1] =	wrdreg $0xFFFFFFFF  }
0xad: {  	s28 =	simm.s32 $_size_execute0_lowered;
	s3 =	sadd.s32 s3, s5;
	[dreg:$0x0] =	wrdreg $0x0  }
0xae: {  	s5 =	sshll.u32 s28, $0x1;
	[dreg:$0x2] =	wrdreg s3  }
0xaf: {  	[dreg:$0x3] =	wrdreg s5  }
0xb0: {  	[dreg:$0x4] =	wrdreg $0xC0  }
0xb1: {  	_ =	task [dreg:s7], $0x5FFFF  }
0xb2: {  	[dreg:$0x1] =	wrdreg $0xFFFFFFFF  }
0xb3: {  	[dreg:$0x0] =	wrdreg $0x60  }
0xb4: {  	[dreg:$0x2] =	wrdreg s24  }
0xb5: {  	[dreg:$0x3] =	wrdreg s16  }
0xb6: {  	[dreg:$0x4] =	wrdreg $0x9  }
0xb7: {  	_ =	task.clear_ibuf [dreg:s7], $0x5FFFF;
	_ =	strace $0x90000046  }
0xb8: {  	s29 =	simm.s32 $0x9;
	_ =	strace $0x80000048  }
0xb9: {  	_ =	swait.ge [sflag:s29], $0x1  }
0xba: {  	[sflag:s29] =	ssyncadd.s32 $0xFFFFFFFF  }
0xbb: {  	_ =	strace $0x90000048  }
0xbc: {  	_ =	sfence  }
0xbd: {  	s30 =	sld [smem:$0x0];
	_ =	sdelay $0x2  }
0xbe: {  	s31 =	sshll.u32 s1, $0xD;
	s1 =	sshrl.u32 s1, $0x2  }
0xbf: {  	s3 =	sand.u32 $0x4000, s31;
	s1 =	sadd.s32 s1, s30  }
0xc0: {  	s0 =	sor.u32 s3, s0;
	s1 =	sshll.u32 s1, $0x11  }
0xc1: {  	s0 =	sor.u32 s1, s0  }
0xc2: {  	s0 =	sadd.s32 $0x8F2B, s0  }
0xc3: {  	[sflag:s0] =	ssyncadd.remote.s32 $0x1  }
0xc4: {  	_ =	sfence.sel $0xFFFF  }
0xc5: {  	[dreg:$0x0] =	wrdreg $0xFFFFFFFF;
	(pc) =	sbr.abs _section_cstart, $3  }
0xc6: {  	[dreg:$0x1] =	wrdreg $0xFFFFFFFF  }
0xc7: {  	_ =	task.clear_ibuf [dreg:s7], $0x2FFFF;
	_ =	strace $0x9FFFFFFF  }
0xc8: {  	(tm) =	ssettm $0x7FFFFFFF  }
0xc9: {  	_ =	shalt  }
tec
execute0_lowered:
.L_overlay_start_1:
0x0: {  	(tag) =	ssettag $0x1  }
0x1: {  	s0 =	rddreg [dreg:$0x0]  }
0x2: {  	s1 =	rddreg [dreg:$0x1];
	s3 =	simm.s32 $0x0;
	s15 =	stileid.u32  }
0x3: {  	s2 =	srdreg.scid;
	s16 =	simm.s32 $0x1;
	s17 =	simm.s32 $0x78  }
0x4: {  	s18 =	simm.s32 $0x50;
	s25 =	simm.s32 $0xC978;
	s26 =	simm.s32 $0xCB78  }
0x5: {  	s28 =	simm.s32 $0xA000;
	s29 =	simm.s32 $0x5;
	s30 =	simm.s32 $0x4  }
0x6: {  	s31 =	simm.s32 $0x0;
	[smem:$0x7FF] =	sst s3;
	s4 =	sadd.s32 $0xD400, s0  }
0x7: {  	s2 =	sand.u32 $0x1, s2;
	s6 =	sshll.u32 s15, $0x1;
	s8 =	smul.u32 $0x4E200, s15  }
0x8: {  	s5 =	sadd.s32 $0x34600, s0;
	s7 =	sadd.s32 $0x3600, s0;
	s20 =	smul.u32 $0x4E20, s15  }
0x9: {  	s15 =	simm.s32 $0xCA00;
	_ =	strace $0x80000047;
	s9 =	sor.u32 s2, s6  }
0xa: {  	s6 =	sadd.s32 $0x4EF400, s0;
	s14 =	smul.u32 $0x27100, s2;
	[dreg:$0x6] =	wrdreg s25  }
0xb: {  	s11 =	ssub.s32 $0x2, s2;
	s2 =	smul.u32 $0x2710, s2;
	[dreg:$0x7] =	wrdreg s26  }
0xc: {  	s25 =	simm.s32 $0x3;
	s26 =	simm.s32 $0x2;
	s10 =	smul.u32 $0x2710, s9  }
0xd: {  	s0 =	sadd.s32 s8, s0;
	s9 =	smul.u32 $0x27100, s9;
	s12 =	sshrl.u32 s11, $0x1  }
0xe: {  	s8 =	sadd.s32 s8, s6;
	s11 =	ssub.s32 s11, s12;
	s0 =	sadd.s32 s14, s0  }
0xf: {  	s2 =	sadd.s32 s2, s20;
	s8 =	sadd.s32 s14, s8;
	s9 =	sadd.s32 s6, s9  }
0x10: {  	s13 =	sshrl.u32 s10, $0x3;
	s10 =	sadd.s32 $0x190, s10;
	[dreg:$0xa] =	wrdreg s9  }
0x11: {  	s14 =	simm.s32 $0xC800;
	s21 =	smax.u32 s11, $0x1;
	[dreg:$0x3] =	wrdreg s10  }
0x12: {  	s20 =	simm.s32 $0x3C00;
	s0 =	sadd.s32 $0x9D1400, s0;
	[dreg:$0xb] =	wrdreg s21  }
0x13: {  	s2 =	sadd.s32 $0xC8, s2;
	s23 =	sadd.s32 $0xC80, s8;
	[dreg:$0x4] =	wrdreg s0  }
0x14: {  	s19 =	sadd.s32 s1, s13;
	s13 =	sadd.s32 s7, s13;
	[dreg:$0x5] =	wrdreg s23  }
0x15: {  	s22 =	sshrl.u32 s2, $0x3;
	s21 =	simm.s32 $0xCA78;
	[dreg:$0x8] =	wrdreg s19  }
0x16: {  	s23 =	simm.s32 $0xCB00;
	[dreg:$0x9] =	wrdreg s13;
	s24 =	sadd.s32 s22, s7  }
0x17: {  	s0 =	sadd.s32 s22, s1;
	s19 =	simm.s32 $0xC878;
	[dreg:$0xc] =	wrdreg s24  }
0x18: {  	s22 =	simm.s32 $0xC900;
	[dreg:$0xd] =	wrdreg s0;
	s24 =	simm.s32 $0x6400  }
.LBB2_1:
0x19: {  	s0 =	rddreg [dreg:$0x8]  }
0x1a: {  	[tilespmem:s14], [sflag:$0x1] =	stream.linear.gather [hbm4b:s0+s3], $0xC8, $0x38;
	[tilespmem:$0xCC00] =	vst v63  }
0x1b: {  	s12 =	rddreg [dreg:$0x9]  }
0x1c: {  	[tilespmem:s15], [sflag:$0x1] =	stream.linear.gather [hbm4b:s12+s3], $0xC8, $0x38;
	[tilespmem:$0xCC00] =	vst v63  }
0x1d: {  	s13 =	rddreg [dreg:$0xa]  }
0x1e: {  	[tilespmem:s3], [sflag:$0x1] =	stream.linear.gather [hbm4b:s13+s3], $0x6400, $0x38;
	[tilespmem:$0xCC00] =	vst v63  }
0x1f: {  	_ =	swait.ge [sflag:s16], $0xC8  }
0x20: {  	[sflag:s16] =	ssyncset.done $0x0  }
0x21: {  	[sflag:s16] =	ssyncadd.s32 $0xFFFFFF38  }
0x22: {  	_ =	swait.ge [sflag:s16], $0xC8  }
0x23: {  	[sflag:s16] =	ssyncset.done $0x0  }
0x24: {  	[sflag:s16] =	ssyncadd.s32 $0xFFFFFF38  }
0x25: {  	_ =	swait.ge [sflag:s16], $0x6400  }
0x26: {  	[sflag:s16] =	ssyncset.done $0x0  }
0x27: {  	[sflag:s16] =	ssyncadd.s32 $0xFFFF9C00  }
0x28: {  	[tilespmem:s3], [sflag:$0x3] =	stream.indirect.gather.add.f32 [hbm:s4], $0x80, s14, s17, $0xb8;
	[tilespmem:$0xCC00] =	vst v63  }
0x29: {  	_ = 	snop  }
0x2a: {  	[tilespmem:s3], [sflag:$0x3] =	stream.indirect.gather.add.f32 [hbm:s5], $0x80, s15, s17, $0xb8;
	[tilespmem:$0xCC00] =	vst v63  }
0x2b: {  	_ = 	snop  }
0x2c: {  	[tilespmem:s20], [sflag:$0x3] =	stream.indirect.gather.add.f32 [hbm:s4], $0x80, s19, s18, $0xb8;
	[tilespmem:$0xCC00] =	vst v63  }
0x2d: {  	s13 =	rddreg [dreg:$0xd]  }
0x2e: {  	[tilespmem:s20], [sflag:$0x3] =	stream.indirect.gather.add.f32 [hbm:s5], $0x80, s21, s18, $0xb8;
	[tilespmem:$0xCC00] =	vst v63  }
0x2f: {  	s2 =	rddreg [dreg:$0x5]  }
0x30: {  	[tilespmem:s22], [sflag:$0x2] =	stream.linear.gather [hbm4b:s13+s3], $0xC8, $0x38;
	[tilespmem:$0xCC00] =	vst v63  }
0x31: {  	s8 =	rddreg [dreg:$0xc]  }
0x32: {  	[tilespmem:s23], [sflag:$0x2] =	stream.linear.gather [hbm4b:s8+s3], $0xC8, $0x38;
	[tilespmem:$0xCC00] =	vst v63  }
0x33: {  	s0 =	sadd.s32 $0x0, s2  }
0x34: {  	[tilespmem:s24], [sflag:$0x2] =	stream.linear.gather [hbm4b:s0+s3], $0x6400, $0x38;
	[tilespmem:$0xCC00] =	vst v63  }
0x35: {  	_ =	swait.ge [sflag:s25], $0x3C00  }
0x36: {  	[sflag:s25] =	ssyncset.done $0x0  }
0x37: {  	[sflag:s25] =	ssyncadd.s32 $0xFFFFC400  }
0x38: {  	_ =	swait.ge [sflag:s25], $0x3C00  }
0x39: {  	[sflag:s25] =	ssyncset.done $0x0  }
0x3a: {  	[sflag:s25] =	ssyncadd.s32 $0xFFFFC400  }
0x3b: {  	_ =	swait.ge [sflag:s25], $0x2800  }
0x3c: {  	[sflag:s25] =	ssyncset.done $0x0  }
0x3d: {  	[sflag:s25] =	ssyncadd.s32 $0xFFFFD800  }
0x3e: {  	_ =	swait.ge [sflag:s25], $0x2800  }
0x3f: {  	[sflag:s25] =	ssyncset.done $0x0  }
0x40: {  	[sflag:s25] =	ssyncadd.s32 $0xFFFFD800  }
0x41: {  	_ =	swait.ge [sflag:s26], $0xC8  }
0x42: {  	[sflag:s26] =	ssyncset.done $0x0  }
0x43: {  	[sflag:s26] =	ssyncadd.s32 $0xFFFFFF38  }
0x44: {  	_ =	swait.ge [sflag:s26], $0xC8  }
0x45: {  	[sflag:s26] =	ssyncset.done $0x0  }
0x46: {  	[sflag:s26] =	ssyncadd.s32 $0xFFFFFF38  }
0x47: {  	_ =	swait.ge [sflag:s26], $0x6400  }
0x48: {  	[sflag:s26] =	ssyncset.done $0x0  }
0x49: {  	[sflag:s26] =	ssyncadd.s32 $0xFFFF9C00  }
0x4a: {  	[tilespmem:s24], [sflag:$0x4] =	stream.indirect.gather.add.f32 [hbm:s4], $0x80, s22, s17, $0xb8;
	[tilespmem:$0xCC00] =	vst v63  }
0x4b: {  	s9 =	rddreg [dreg:$0x4]  }
0x4c: {  	[tilespmem:s24], [sflag:$0x4] =	stream.indirect.gather.add.f32 [hbm:s5], $0x80, s23, s17, $0xb8;
	[tilespmem:$0xCC00] =	vst v63  }
0x4d: {  	s2 =	rddreg [dreg:$0x6]  }
0x4e: {  	[tilespmem:s28], [sflag:$0x4] =	stream.indirect.gather.add.f32 [hbm:s4], $0x80, s2, s18, $0xb8;
	[tilespmem:$0xCC00] =	vst v63  }
0x4f: {  	s10 =	rddreg [dreg:$0x7]  }
0x50: {  	[tilespmem:s28], [sflag:$0x4] =	stream.indirect.gather.add.f32 [hbm:s5], $0x80, s10, s18, $0xb8;
	[tilespmem:$0xCC00] =	vst v63  }
0x51: {  	s11 =	smin.u32 s3, $0x2F;
	s0 =	sadd.s32 $0x0, s9  }
0x52: {  	[hbm4b:s0+s3] =	stream.linear.scatter [tilespmem:s3], [sflag:$0x5], $0x6400, $0x38;
	[tilespmem:$0xCC00] =	vst v63  }
0x53: {  	s2 =	smul.u32 $0xC8, s11;
	_ =	swait.ge [sflag:s29], $0x6400  }
0x54: {  	s12 =	rddreg [dreg:$0x3]  }
0x55: {  	s2 =	sadd.s32 s2, s12  }
0x56: {  	[sflag:s29] =	ssyncset.done $0x0;
	s10 =	sshrl.u32 s2, $0x3  }
0x57: {  	[sflag:s29] =	ssyncadd.s32 $0xFFFF9C00;
	s12 =	sadd.s32 s1, s10  }
0x58: {  	[tilespmem:s14], [sflag:$0x1] =	stream.linear.gather [hbm4b:s12+s3], $0xC8, $0x38;
	[tilespmem:$0xCC00] =	vst v63  }
0x59: {  	s2 =	sshll.u32 s2, $0x4;
	s10 =	sadd.s32 s7, s10  }
0x5a: {  	[tilespmem:s15], [sflag:$0x1] =	stream.linear.gather [hbm4b:s10+s3], $0xC8, $0x38;
	[tilespmem:$0xCC00] =	vst v63  }
0x5b: {  	s2 =	sadd.s32 s6, s2  }
0x5c: {  	[tilespmem:s3], [sflag:$0x1] =	stream.linear.gather [hbm4b:s2+s3], $0x6400, $0x38;
	[tilespmem:$0xCC00] =	vst v63  }
0x5d: {  	_ =	swait.ge [sflag:s30], $0x3C00  }
0x5e: {  	[sflag:s30] =	ssyncset.done $0x0  }
0x5f: {  	[sflag:s30] =	ssyncadd.s32 $0xFFFFC400  }
0x60: {  	_ =	swait.ge [sflag:s30], $0x3C00  }
0x61: {  	[sflag:s30] =	ssyncset.done $0x0  }
0x62: {  	[sflag:s30] =	ssyncadd.s32 $0xFFFFC400  }
0x63: {  	_ =	swait.ge [sflag:s30], $0x2800  }
0x64: {  	[sflag:s30] =	ssyncset.done $0x0  }
0x65: {  	[sflag:s30] =	ssyncadd.s32 $0xFFFFD800  }
0x66: {  	_ =	swait.ge [sflag:s30], $0x2800  }
0x67: {  	[sflag:s30] =	ssyncset.done $0x0  }
0x68: {  	[sflag:s30] =	ssyncadd.s32 $0xFFFFD800  }
0x69: {  	_ =	swait.ge [sflag:s16], $0xC8  }
0x6a: {  	[sflag:s16] =	ssyncset.done $0x0  }
0x6b: {  	[sflag:s16] =	ssyncadd.s32 $0xFFFFFF38  }
0x6c: {  	_ =	swait.ge [sflag:s16], $0xC8  }
0x6d: {  	[sflag:s16] =	ssyncset.done $0x0  }
0x6e: {  	[sflag:s16] =	ssyncadd.s32 $0xFFFFFF38  }
0x6f: {  	_ =	swait.ge [sflag:s16], $0x6400  }
0x70: {  	[sflag:s16] =	ssyncset.done $0x0  }
0x71: {  	[sflag:s16] =	ssyncadd.s32 $0xFFFF9C00  }
0x72: {  	[tilespmem:s3], [sflag:$0x3] =	stream.indirect.gather.add.f32 [hbm:s4], $0x80, s14, s17, $0xb8;
	[tilespmem:$0xCC00] =	vst v63  }
0x73: {  	_ = 	snop  }
0x74: {  	[tilespmem:s3], [sflag:$0x3] =	stream.indirect.gather.add.f32 [hbm:s5], $0x80, s15, s17, $0xb8;
	[tilespmem:$0xCC00] =	vst v63  }
0x75: {  	_ = 	snop  }
0x76: {  	[tilespmem:s20], [sflag:$0x3] =	stream.indirect.gather.add.f32 [hbm:s4], $0x80, s19, s18, $0xb8;
	[tilespmem:$0xCC00] =	vst v63  }
0x77: {  	_ = 	snop  }
0x78: {  	[tilespmem:s20], [sflag:$0x3] =	stream.indirect.gather.add.f32 [hbm:s5], $0x80, s21, s18, $0xb8;
	[tilespmem:$0xCC00] =	vst v63  }
0x79: {  	s0 =	sadd.s32 $0xC80, s0  }
0x7a: {  	[hbm4b:s0+s3] =	stream.linear.scatter [tilespmem:s24], [sflag:$0x5], $0x6400, $0x38;
	[tilespmem:$0xCC00] =	vst v63  }
0x7b: {  	s12 =	smov.u32 s8;
	_ =	swait.ge [sflag:s29], $0x6400  }
0x7c: {  	s2 =	simm.s32 $0x2;
	s0 =	simm.s32 $0x1900;
	[sflag:s29] =	ssyncset.done $0x0  }
.LBB2_2:
0x7d: {  	[sflag:s29] =	ssyncadd.s32 $0xFFFF9C00;
	s13 =	sadd.s32 $0x32, s13  }
0x7e: {  	[tilespmem:s22], [sflag:$0x2] =	stream.linear.gather [hbm4b:s13+s3], $0xC8, $0x38;
	[tilespmem:$0xCC00] =	vst v63  }
0x7f: {  	s12 =	sadd.s32 $0x32, s12;
	s10 =	smov.u32 s0;
	s11 =	rddreg [dreg:$0x5]  }
0x80: {  	[tilespmem:s23], [sflag:$0x2] =	stream.linear.gather [hbm4b:s12+s3], $0xC8, $0x38;
	[tilespmem:$0xCC00] =	vst v63  }
0x81: {  	s11 =	sadd.s32 s10, s11  }
0x82: {  	[tilespmem:s24], [sflag:$0x2] =	stream.linear.gather [hbm4b:s11+s3], $0x6400, $0x38;
	[tilespmem:$0xCC00] =	vst v63  }
0x83: {  	_ =	swait.ge [sflag:s25], $0x3C00  }
0x84: {  	[sflag:s25] =	ssyncset.done $0x0  }
0x85: {  	[sflag:s25] =	ssyncadd.s32 $0xFFFFC400  }
0x86: {  	_ =	swait.ge [sflag:s25], $0x3C00  }
0x87: {  	[sflag:s25] =	ssyncset.done $0x0  }
0x88: {  	[sflag:s25] =	ssyncadd.s32 $0xFFFFC400  }
0x89: {  	_ =	swait.ge [sflag:s25], $0x2800  }
0x8a: {  	[sflag:s25] =	ssyncset.done $0x0  }
0x8b: {  	[sflag:s25] =	ssyncadd.s32 $0xFFFFD800  }
0x8c: {  	_ =	swait.ge [sflag:s25], $0x2800  }
0x8d: {  	[sflag:s25] =	ssyncset.done $0x0  }
0x8e: {  	[sflag:s25] =	ssyncadd.s32 $0xFFFFD800  }
0x8f: {  	_ =	swait.ge [sflag:s26], $0xC8  }
0x90: {  	[sflag:s26] =	ssyncset.done $0x0  }
0x91: {  	[sflag:s26] =	ssyncadd.s32 $0xFFFFFF38  }
0x92: {  	_ =	swait.ge [sflag:s26], $0xC8  }
0x93: {  	[sflag:s26] =	ssyncset.done $0x0  }
0x94: {  	[sflag:s26] =	ssyncadd.s32 $0xFFFFFF38  }
0x95: {  	_ =	swait.ge [sflag:s26], $0x6400  }
0x96: {  	[sflag:s26] =	ssyncset.done $0x0  }
0x97: {  	[sflag:s26] =	ssyncadd.s32 $0xFFFF9C00  }
0x98: {  	[tilespmem:s24], [sflag:$0x4] =	stream.indirect.gather.add.f32 [hbm:s4], $0x80, s22, s17, $0xb8;
	[tilespmem:$0xCC00] =	vst v63  }
0x99: {  	s11 =	rddreg [dreg:$0x4]  }
0x9a: {  	[tilespmem:s24], [sflag:$0x4] =	stream.indirect.gather.add.f32 [hbm:s5], $0x80, s23, s17, $0xb8;
	[tilespmem:$0xCC00] =	vst v63  }
0x9b: {  	s8 =	rddreg [dreg:$0x6]  }
0x9c: {  	[tilespmem:s28], [sflag:$0x4] =	stream.indirect.gather.add.f32 [hbm:s4], $0x80, s8, s18, $0xb8;
	[tilespmem:$0xCC00] =	vst v63  }
0x9d: {  	s9 =	rddreg [dreg:$0x7]  }
0x9e: {  	[tilespmem:s28], [sflag:$0x4] =	stream.indirect.gather.add.f32 [hbm:s5], $0x80, s9, s18, $0xb8;
	[tilespmem:$0xCC00] =	vst v63  }
0x9f: {  	s10 =	sadd.s32 s10, s11;
	s9 =	smin.u32 s2, $0x2F  }
0xa0: {  	[hbm4b:s10+s3] =	stream.linear.scatter [tilespmem:s3], [sflag:$0x5], $0x6400, $0x38;
	[tilespmem:$0xCC00] =	vst v63  }
0xa1: {  	s8 =	smul.u32 $0xC8, s9;
	_ =	swait.ge [sflag:s29], $0x6400  }
0xa2: {  	s11 =	rddreg [dreg:$0x3]  }
0xa3: {  	s8 =	sadd.s32 s8, s11  }
0xa4: {  	[sflag:s29] =	ssyncset.done $0x0;
	s9 =	sshrl.u32 s8, $0x3  }
0xa5: {  	[sflag:s29] =	ssyncadd.s32 $0xFFFF9C00;
	s11 =	sadd.s32 s1, s9  }
0xa6: {  	[tilespmem:s14], [sflag:$0x1] =	stream.linear.gather [hbm4b:s11+s3], $0xC8, $0x38;
	[tilespmem:$0xCC00] =	vst v63  }
0xa7: {  	s8 =	sshll.u32 s8, $0x4;
	s9 =	sadd.s32 s7, s9  }
0xa8: {  	[tilespmem:s15], [sflag:$0x1] =	stream.linear.gather [hbm4b:s9+s3], $0xC8, $0x38;
	[tilespmem:$0xCC00] =	vst v63  }
0xa9: {  	s8 =	sadd.s32 s6, s8  }
0xaa: {  	[tilespmem:s3], [sflag:$0x1] =	stream.linear.gather [hbm4b:s8+s3], $0x6400, $0x38;
	[tilespmem:$0xCC00] =	vst v63  }
0xab: {  	_ =	swait.ge [sflag:s30], $0x3C00  }
0xac: {  	[sflag:s30] =	ssyncset.done $0x0  }
0xad: {  	[sflag:s30] =	ssyncadd.s32 $0xFFFFC400  }
0xae: {  	_ =	swait.ge [sflag:s30], $0x3C00  }
0xaf: {  	[sflag:s30] =	ssyncset.done $0x0  }
0xb0: {  	[sflag:s30] =	ssyncadd.s32 $0xFFFFC400  }
0xb1: {  	_ =	swait.ge [sflag:s30], $0x2800  }
0xb2: {  	[sflag:s30] =	ssyncset.done $0x0  }
0xb3: {  	[sflag:s30] =	ssyncadd.s32 $0xFFFFD800  }
0xb4: {  	_ =	swait.ge [sflag:s30], $0x2800  }
0xb5: {  	[sflag:s30] =	ssyncset.done $0x0  }
0xb6: {  	[sflag:s30] =	ssyncadd.s32 $0xFFFFD800  }
0xb7: {  	_ =	swait.ge [sflag:s16], $0xC8  }
0xb8: {  	[sflag:s16] =	ssyncset.done $0x0  }
0xb9: {  	[sflag:s16] =	ssyncadd.s32 $0xFFFFFF38  }
0xba: {  	_ =	swait.ge [sflag:s16], $0xC8  }
0xbb: {  	[sflag:s16] =	ssyncset.done $0x0  }
0xbc: {  	[sflag:s16] =	ssyncadd.s32 $0xFFFFFF38  }
0xbd: {  	_ =	swait.ge [sflag:s16], $0x6400  }
0xbe: {  	[sflag:s16] =	ssyncset.done $0x0  }
0xbf: {  	[sflag:s16] =	ssyncadd.s32 $0xFFFF9C00  }
0xc0: {  	[tilespmem:s3], [sflag:$0x3] =	stream.indirect.gather.add.f32 [hbm:s4], $0x80, s14, s17, $0xb8;
	[tilespmem:$0xCC00] =	vst v63  }
0xc1: {  	_ = 	snop  }
0xc2: {  	[tilespmem:s3], [sflag:$0x3] =	stream.indirect.gather.add.f32 [hbm:s5], $0x80, s15, s17, $0xb8;
	[tilespmem:$0xCC00] =	vst v63  }
0xc3: {  	_ = 	snop  }
0xc4: {  	[tilespmem:s20], [sflag:$0x3] =	stream.indirect.gather.add.f32 [hbm:s4], $0x80, s19, s18, $0xb8;
	[tilespmem:$0xCC00] =	vst v63  }
0xc5: {  	p0 =	sne.s32 s0, $0x25800  }
0xc6: {  	[tilespmem:s20], [sflag:$0x3] =	stream.indirect.gather.add.f32 [hbm:s5], $0x80, s21, s18, $0xb8;
	[tilespmem:$0xCC00] =	vst v63  }
.Ltmp0:
0xc7: {  	_ = 	snop;
	(pc) =	sbr.rel @p0 .LBB2_2-.Ltmp0, $4  }
0xc8: {  	s11 =	sadd.s32 $0xC80, s10  }
0xc9: {  	[hbm4b:s11+s3] =	stream.linear.scatter [tilespmem:s24], [sflag:$0x5], $0x6400, $0x38;
	[tilespmem:$0xCC00] =	vst v63  }
0xca: {  	_ =	swait.ge [sflag:s29], $0x6400  }
0xcb: {  	s0 =	sadd.s32 $0x1900, s0;
	s2 =	sadd.s32 $0x2, s2;
	[sflag:s29] =	ssyncset.done $0x0  }
0xcc: {  	[sflag:s29] =	ssyncadd.s32 $0xFFFF9C00  }
0xcd: {  	_ =	swait.ge [sflag:s25], $0x3C00  }
0xce: {  	[sflag:s25] =	ssyncset.done $0x0  }
0xcf: {  	[sflag:s25] =	ssyncadd.s32 $0xFFFFC400  }
0xd0: {  	_ =	swait.ge [sflag:s25], $0x3C00  }
0xd1: {  	[sflag:s25] =	ssyncset.done $0x0  }
0xd2: {  	[sflag:s25] =	ssyncadd.s32 $0xFFFFC400  }
0xd3: {  	_ =	swait.ge [sflag:s25], $0x2800  }
0xd4: {  	[sflag:s25] =	ssyncset.done $0x0  }
0xd5: {  	[sflag:s25] =	ssyncadd.s32 $0xFFFFD800  }
0xd6: {  	_ =	swait.ge [sflag:s25], $0x2800  }
0xd7: {  	s31 =	sadd.s32 $0x1, s31;
	s0 =	rddreg [dreg:$0xb]  }
0xd8: {  	p0 =	sne.s32 s31, s0  }
.Ltmp1:
0xd9: {  	_ = 	snop;
	(pc) =	sbr.rel @p0 .LBB2_1-.Ltmp1, $3  }
0xda: {  	_ =	sdelay $0x1  }
0xdb: {  	[sflag:s25] =	ssyncset.done $0x0  }
0xdc: {  	[sflag:s25] =	ssyncadd.s32 $0xFFFFD800  }
0xdd: {  	_ =	sfence.sel $0x180000  }
0xde: {  	[bflag:$0x0] =	sbarrier.arrive $0xFFFF  }
0xdf: {  	_ =	strace $0x90000047  }
0xe0: {  	s0 =	stileid.u32;
	[bflag:$0x2] =	sbarrier.arrive $0xFFFF  }
0xe1: {  	p0 =	sne.s32 s0, $0x0;
	s0 =	rddreg [dreg:$0x2]  }
0xe2: {  	s0 =	sadd.s32 @!p0 $0x100000, s0  }
0xe3: {  	[sflag:s0] =	ssyncadd.tile.s32 @!p0 $0x1;
	_ =	shalt  }
.Lfunc_end2:
_tile_overlayer_lowered:
.L_overlay_start_2:
0xe4: {  	(tag) =	ssettag $0x2  }
0xe5: {  	s0 =	rddreg [dreg:$0x0];
	s2 =	stileid.u32  }
0xe6: {  	s1 =	rddreg [dreg:$0x1];
	p0 =	sne.s32 s2, $0x0  }
0xe7: {  	s3 =	rddreg [dreg:$0x2];
	[bflag:$0x3] =	sbarrier.arrive $0xFFFF;
	s2 =	simm.s32 @!p0 $0x1C05  }
0xe8: {  	[timem:s3], [sflag:s2] =	dma.local @!p0 [hbm:s0], s1  }
0xe9: {  	s0 =	simm.s32 @!p0 $0x5  }
0xea: {  	_ =	swait.ge @!p0 [sflag:s0], s1  }
0xeb: {  	s1 =	ssub.s32 @!p0 $0x0, s1;
	[sflag:s0] =	ssyncset.done @!p0 $0x0  }
0xec: {  	[sflag:s0] =	ssyncadd.s32 @!p0 s1  }
0xed: {  	[bflag:$0x3] =	sbarrier.arrive $0xFFFF  }
0xee: {  	_ =	shalt  }

// kernel: kernel.14.cloned.1.call-start
scs
__scs_entry_jumppad:
0x0: {  	(pc) =	sbr.rel $0x88, $3  }
0x1: {  	(tag) =	ssettag $0x0;
	lr =	simm.s32 $0x1  }
0x2: {  	[smem:$0x3F93] =	sst lr;
	_ =	strace $0xD0000000  }
0x3: {  	_ = 	snop  }
0x4: {  	_ = 	snop  }
0x5: {  	_ = 	snop  }
0x6: {  	_ = 	snop  }
0x7: {  	_ = 	snop  }
__scs_overlays_trampoline_lowered:
0x8: {  	[smem:$0x3FA2] =	sst s0  }
0x9: {  	[smem:$0x3FA3] =	sst s1  }
0xa: {  	[smem:$0x3FA4] =	sst s2  }
0xb: {  	[smem:$0x3FA5] =	sst s3  }
0xc: {  	[smem:$0x3FA6] =	sst s4  }
0xd: {  	[smem:$0x3FA7] =	sst s5  }
0xe: {  	[smem:$0x3FA8] =	sst s6  }
0xf: {  	[smem:$0x3FA9] =	sst s7  }
0x10: {  	[smem:$0x3FAA] =	sst s8  }
0x11: {  	[smem:$0x3FAB] =	sst s9;
	s0 =	simm.s32 @!p0 $0x0  }
0x12: {  	s1 =	sld [smem:$0x3F91];
	s0 =	simm.s32 @p0 $0x1  }
0x13: {  	[smem:$0x3FAC] =	sst s0;
	s0 =	simm.s32 @!p1 $0x0  }
0x14: {  	s2 =	sld [smem:$0x3F90];
	s0 =	simm.s32 @p1 $0x1  }
0x15: {  	[smem:$0x3FAD] =	sst s0;
	s0 =	simm.s32 @!p2 $0x0  }
0x16: {  	s3 =	sld [smem:$0x3FDB];
	s0 =	simm.s32 @p2 $0x1  }
0x17: {  	s4 =	simm.s32 $0x1BF5;
	[smem:$0x3FAF] =	sst s0  }
0x18: {  	s0 =	sld [smem:$0x3F92];
	_ =	swait.ge [sflag:s4], $0x0  }
0x19: {  	s7 =	sld [smem:$0x3F93]  }
0x1a: {  	s8 =	sadd.s32 $0xFFFFE003, lr  }
0x1b: {  	s9 =	sadd.s32 $0xFFFFFEF7, lr;
	s5 =	simm.s32 $0xFFFFFFFF;
	p2 =	slt.u32 s8, $0xFFFFF086  }
0x1c: {  	p1 =	slt.u32 s9, $0xF7A;
	s5 =	simm.s32 @!p2 $0x0  }
0x1d: {  	s5 =	simm.s32 @p1 $0x1;
	p0 =	seq.s32 s7, s2  }
0x1e: {  	s7 =	smul.u32 @!p0 $0xF7A, s2;
	p2 =	seq.s32 @!p0 s5, $0x0  }
0x1f: {  	s9 =	smul.u32 $0xF7A, s1;
	s8 =	simm.s32 @!p0 $0x1BF5;
	p2 =	por !p2, p0  }
0x20: {  	[sflag:s8] =	ssyncset.s32 @!p0 $0xFFFFF086;
	s6 =	sadd.s32 @!p0 s3, s7;
	s7 =	simm.s32 @!p0 $0x108  }
0x21: {  	s3 =	sadd.s32 s3, s9;
	s6 =	sadd.s32 @!p0 $0x88, s6;
	s7 =	simm.s32 @p2 $0x1082  }
0x22: {  	[simem:s7], [sflag:s8] =	dma.local @!p0 [hbm:s6], $0xF7A  }
0x23: {  	s9 =	sor.u32 $0xD0000000, s2;
	s6 =	simm.s32 $0x108;
	_ =	swait.ge @!p0 [sflag:s8], $0x0  }
0x24: {  	s3 =	sadd.s32 $0x88, s3;
	s6 =	simm.s32 @!p1 $0x1082;
	[sflag:s4] =	ssyncset.s32 $0xFFFFF086  }
0x25: {  	[simem:s6], [sflag:s4] =	dma.local [hbm:s3], $0xF7A  }
0x26: {  	[smem:$0x3F93] =	sst s1;
	(tag) =	ssettag s2;
	_ =	strace s9  }
0x27: {  	s1 =	sld [smem:$0x3FA3]  }
0x28: {  	s2 =	sld [smem:$0x3FA4]  }
0x29: {  	s4 =	sld [smem:$0x3FA6]  }
0x2a: {  	p0 =	seq.s32 s5, $0x0;
	s5 =	sld [smem:$0x3FA7]  }
0x2b: {  	s6 =	sld [smem:$0x3FA8]  }
0x2c: {  	s7 =	sld [smem:$0x3FA9]  }
0x2d: {  	s3 =	simm.s32 $0x108;
	s8 =	sld [smem:$0x3FAA]  }
0x2e: {  	s3 =	simm.s32 @!p0 $0x1082;
	s9 =	sld [smem:$0x3FAB]  }
0x2f: {  	lr =	sadd.s32 s0, s3;
	s0 =	sld [smem:$0x3FA2]  }
0x30: {  	s3 =	sld [smem:$0x3FA5]  }
0x31: {  	[smem:$0x3FAE] =	sst s10  }
0x32: {  	s10 =	sld [smem:$0x3FAC];
	_ =	sdelay $0x3  }
0x33: {  	p0 =	seq.s32 s10, $0x1;
	s10 =	sld [smem:$0x3FAE];
	_ =	sdelay $0x3  }
0x34: {  	[smem:$0x3FAE] =	sst s10  }
0x35: {  	s10 =	sld [smem:$0x3FAD];
	_ =	sdelay $0x3  }
0x36: {  	p1 =	seq.s32 s10, $0x1;
	s10 =	sld [smem:$0x3FAE];
	_ =	sdelay $0x3  }
0x37: {  	[smem:$0x3FAE] =	sst s10  }
0x38: {  	s10 =	sld [smem:$0x3FAF]  }
0x39: {  	_ = 	snop;
	(pc) =	sbr.ind lr, $3  }
0x3a: {  	_ = 	snop  }
0x3b: {  	_ = 	snop  }
0x3c: {  	p2 =	seq.s32 s10, $0x1;
	s10 =	sld [smem:$0x3FAE]  }
0x3d: {  	_ =	shalt  }
0x3e: {  	_ =	shalt  }
0x3f: {  	_ =	shalt  }
0x40: {  	_ =	shalt  }
0x41: {  	_ =	shalt  }
0x42: {  	_ =	shalt  }
0x43: {  	_ =	shalt  }
0x44: {  	_ =	shalt  }
0x45: {  	_ =	shalt  }
0x46: {  	_ =	shalt  }
0x47: {  	_ =	shalt  }
0x48: {  	_ =	shalt  }
0x49: {  	_ =	shalt  }
0x4a: {  	_ =	shalt  }
0x4b: {  	_ =	shalt  }
0x4c: {  	_ =	shalt  }
0x4d: {  	_ =	shalt  }
0x4e: {  	_ =	shalt  }
0x4f: {  	_ =	shalt  }
0x50: {  	_ =	shalt  }
0x51: {  	_ =	shalt  }
0x52: {  	_ =	shalt  }
0x53: {  	_ =	shalt  }
0x54: {  	_ =	shalt  }
0x55: {  	_ =	shalt  }
0x56: {  	_ =	shalt  }
0x57: {  	_ =	shalt  }
0x58: {  	_ =	shalt  }
0x59: {  	_ =	shalt  }
0x5a: {  	_ =	shalt  }
0x5b: {  	_ =	shalt  }
0x5c: {  	_ =	shalt  }
0x5d: {  	_ =	shalt  }
0x5e: {  	_ =	shalt  }
0x5f: {  	_ =	shalt  }
0x60: {  	_ =	shalt  }
0x61: {  	_ =	shalt  }
0x62: {  	_ =	shalt  }
0x63: {  	_ =	shalt  }
0x64: {  	_ =	shalt  }
0x65: {  	_ =	shalt  }
0x66: {  	_ =	shalt  }
0x67: {  	_ =	shalt  }
0x68: {  	_ =	shalt  }
0x69: {  	_ =	shalt  }
0x6a: {  	_ =	shalt  }
0x6b: {  	_ =	shalt  }
0x6c: {  	_ =	shalt  }
0x6d: {  	_ =	shalt  }
0x6e: {  	_ =	shalt  }
0x6f: {  	_ =	shalt  }
0x70: {  	_ =	shalt  }
0x71: {  	_ =	shalt  }
0x72: {  	_ =	shalt  }
0x73: {  	_ =	shalt  }
0x74: {  	_ =	shalt  }
0x75: {  	_ =	shalt  }
0x76: {  	_ =	shalt  }
0x77: {  	_ =	shalt  }
0x78: {  	_ =	shalt  }
0x79: {  	_ =	shalt  }
0x7a: {  	_ =	shalt  }
0x7b: {  	_ =	shalt  }
0x7c: {  	_ =	shalt  }
0x7d: {  	_ =	shalt  }
0x7e: {  	_ =	shalt  }
0x7f: {  	_ =	shalt  }
0x80: {  	_ =	shalt  }
0x81: {  	_ =	shalt  }
0x82: {  	_ =	shalt  }
0x83: {  	_ =	shalt  }
0x84: {  	_ =	shalt  }
0x85: {  	_ =	shalt  }
0x86: {  	_ =	shalt  }
0x87: {  	_ =	shalt  }
.Lfunc_end0:
.L_simem_size_0:
called_computation.1_lowered:
.L_overlay_start_0:
0x88: {  	s2 =	sld [smem:$0x3FD9]  }
0x89: {  	s3 =	sld [smem:$0x3FFE];
	_ =	sdelay $0x1  }
0x8a: {  	s1 =	srdreg.scid  }
0x8b: {  	s0 =	sand.u32 $0x1, s1  }
0x8c: {  	s17 =	sshll.u32 s0, $0xA;
	s2 =	sadd.s32 s3, s2  }
0x8d: {  	s2 =	sadd.s32 s2, s17  }
0x8e: {  	[smem:$0x3FBA] =	sst s2  }
0x8f: {  	_ = 	snop  }
0x90: {  	(tm) =	ssettm $0x1  }
0x91: {  	s18 =	sld [smem:$0x3FFB];
	_ =	sdelay $0x3  }
0x92: {  	_ =	strace s18  }
0x93: {  	s2 =	sld [smem:$0x3FFC];
	_ =	sdelay $0x3  }
0x94: {  	_ =	strace s2  }
0x95: {  	s2 =	sld [smem:$0x3FFD];
	_ =	sdelay $0x3  }
0x96: {  	_ =	strace s2  }
0x97: {  	_ =	strace $0x8FFFFFFF  }
0x98: {  	s19 =	sld [smem:$0x3FDB];
	_ =	sdelay $0x1  }
0x99: {  	s20 =	simm.s32 $_scs_section_size  }
0x9a: {  	s4 =	simm.s32 $_size__tile_overlayer_lowered;
	s5 =	simm.s32 $_tile_overlayer_lowered  }
0x9b: {  	s6 =	simm.s32 $0x1BFF;
	s21 =	sshll.u32 s5, $0x1;
	s3 =	sadd.s32 s20, s19  }
0x9c: {  	s22 =	simm.s32 $0x0;
	s4 =	sshll.u32 s4, $0x1;
	s5 =	sadd.s32 s21, s3  }
0x9d: {  	[timem:s22], [sflag:s6] =	dma.local [hbm:s5], s4  }
0x9e: {  	_ =	swait.ge [sflag:s6], s4  }
0x9f: {  	s4 =	ssub.s32 $0x0, s4;
	[sflag:s6] =	ssyncset.done $0x0  }
0xa0: {  	[sflag:s6] =	ssyncadd.s32 s4;
	_ =	sdelay $0x1  }
0xa1: {  	s23 =	simm.s32 $0x1B8B  }
0xa2: {  	_ =	swait.ge [sflag:s23], $0x1  }
0xa3: {  	[sflag:s23] =	ssyncset.done $0x0  }
0xa4: {  	[sflag:s23] =	ssyncadd.s32 $0xFFFFFFFF  }
0xa5: {  	s4 =	sld [smem:$0x0]  }
0xa6: {  	s5 =	sand.u32 $0xFFFFFFFE, s1  }
0xa7: {  	p0 =	sne.s32 s1, s5  }
0xa8: {  	s5 =	sshll.u32 @p0 s5, $0xE  }
0xa9: {  	s5 =	sadd.s32 @p0 $0x11B8D, s5;
	s6 =	sshll.u32 @p0 s4, $0x11  }
0xaa: {  	s5 =	sor.u32 @p0 s6, s5  }
0xab: {  	[sflag:s5] =	ssyncadd.remote.s32 @p0 $0x1;
	_ =	sdelay $0x1  }
0xac: {  	s5 =	simm.s32 @p0 $0x1B8D  }
0xad: {  	_ =	swait.eq @p0 [sflag:s5], $0x1  }
0xae: {  	[sflag:s5] =	ssyncadd.s32 @p0 $0xFFFFFFFF  }
0xaf: {  	s6 =	sshll.u32 @!p0 s1, $0xE  }
0xb0: {  	s6 =	sor.u32 @!p0 $0x4000, s6;
	s5 =	simm.s32 @!p0 $0x1B8D  }
0xb1: {  	s4 =	sshll.u32 @!p0 s4, $0x11;
	s6 =	sadd.s32 @!p0 $0x11B8D, s6;
	_ =	swait.eq @!p0 [sflag:s5], $0x1  }
0xb2: {  	s4 =	sor.u32 @!p0 s4, s6;
	[sflag:s5] =	ssyncadd.s32 @!p0 $0xFFFFFFFF  }
0xb3: {  	s25 =	simm.s32 $0x1B8E;
	s24 =	sld [smem:$0x3FFE];
	[sflag:s4] =	ssyncadd.remote.s32 @!p0 $0x1  }
0xb4: {  	s26 =	simm.s32 $execute0_lowered;
	[smem:$0x3FD2] =	sst s25  }
0xb5: {  	s5 =	sshll.u32 s26, $0x1;
	_ =	strace $0x8000004C;
	[dreg:$0x1] =	wrdreg $0xFFFFFFFF  }
0xb6: {  	s28 =	simm.s32 $_size_execute0_lowered;
	s3 =	sadd.s32 s3, s5;
	[dreg:$0x0] =	wrdreg $0x0  }
0xb7: {  	s5 =	sshll.u32 s28, $0x1;
	[dreg:$0x2] =	wrdreg s3  }
0xb8: {  	[dreg:$0x3] =	wrdreg s5  }
0xb9: {  	[dreg:$0x4] =	wrdreg $0xC0  }
0xba: {  	_ =	task [dreg:s22], $0x5FFFF  }
0xbb: {  	[dreg:$0x1] =	wrdreg $0xFFFFFFFF  }
0xbc: {  	[dreg:$0x0] =	wrdreg $0x60  }
0xbd: {  	[dreg:$0x2] =	wrdreg s24  }
0xbe: {  	[dreg:$0x3] =	wrdreg $0x54800  }
0xbf: {  	[dreg:$0x4] =	wrdreg $0x9  }
0xc0: {  	_ =	task.clear_ibuf [dreg:s22], $0x5FFFF;
	_ =	strace $0x9000004C  }
0xc1: {  	s29 =	simm.s32 $0x9;
	_ =	strace $0x8000004E  }
0xc2: {  	_ =	swait.ge [sflag:s29], $0x1  }
0xc3: {  	[sflag:s29] =	ssyncadd.s32 $0xFFFFFFFF  }
0xc4: {  	_ =	strace $0x9000004E  }
0xc5: {  	_ =	sfence  }
0xc6: {  	s30 =	sld [smem:$0x0];
	_ =	sdelay $0x2  }
0xc7: {  	s31 =	sshll.u32 s1, $0xD;
	s1 =	sshrl.u32 s1, $0x2  }
0xc8: {  	s4 =	sand.u32 $0x4000, s31;
	s1 =	sadd.s32 s1, s30  }
0xc9: {  	s0 =	sor.u32 s4, s0;
	s1 =	sshll.u32 s1, $0x11  }
0xca: {  	s0 =	sor.u32 s1, s0  }
0xcb: {  	s0 =	sadd.s32 $0x8F2B, s0  }
0xcc: {  	[sflag:s0] =	ssyncadd.remote.s32 $0x1  }
0xcd: {  	_ =	sfence.sel $0xFFFF  }
0xce: {  	[dreg:$0x0] =	wrdreg $0xFFFFFFFF;
	(pc) =	sbr.abs _section_cstart, $3  }
0xcf: {  	[dreg:$0x1] =	wrdreg $0xFFFFFFFF  }
0xd0: {  	_ =	task.clear_ibuf [dreg:s22], $0x2FFFF;
	_ =	strace $0x9FFFFFFF  }
0xd1: {  	(tm) =	ssettm $0x7FFFFFFF  }
tec
execute0_lowered:
.L_overlay_start_1:
0x0: {  	(tag) =	ssettag $0x1  }
0x1: {  	s7 =	rddreg [dreg:$0x0]  }
0x2: {  	s1 =	rddreg [dreg:$0x1]  }
0x3: {  	s0 =	rddreg [dreg:$0x2];
	s3 =	simm.s32 $0x0  }
0x4: {  	s4 =	srdreg.scid;
	s2 =	stileid.u32;
	s14 =	simm.s32 $0x3  }
0x5: {  	s15 =	simm.s32 $0x80;
	s16 =	simm.s32 $0x1;
	s17 =	simm.s32 $0x2  }
0x6: {  	s18 =	simm.s32 $0x50;
	s19 =	simm.s32 $0x2880;
	s20 =	simm.s32 $0x0  }
0x7: {  	[smem:$0x7FF] =	sst s3;
	s9 =	sand.u32 $0x1, s4;
	s5 =	sshll.u32 s2, $0x1  }
0x8: {  	s4 =	sadd.s32 $0x3600, s7;
	s31 =	smul.u32 $0x50000, s2;
	p0 =	seq.s32 s2, $0xF  }
0x9: {  	s13 =	smul.u32 $0x14000, s2;
	_ =	strace $0x8000004D;
	s8 =	ssub.s32 $0x2, s9  }
0xa: {  	s6 =	sor.u32 s9, s5;
	s5 =	sadd.s32 $0x34600, s7;
	s12 =	smul.u32 $0x138800, s9  }
0xb: {  	s7 =	sadd.s32 $0x564800, s7;
	s10 =	sshrl.u32 s8, $0x1;
	s6 =	smul.u32 $0x2710, s6  }
0xc: {  	s11 =	ssub.s32 s8, s10;
	s8 =	simm.s32 $0x5;
	s10 =	sshrl.u32 s31, $0x2  }
0xd: {  	s12 =	sadd.s32 s13, s12;
	s13 =	simm.s32 $0x5080;
	s8 =	simm.s32 @!p0 $0x8  }
0xe: {  	v0 =	vimm.f32 $0.0e+00;
	s10 =	sadd.s32 s10, s1;
	s11 =	smax.u32 s11, $0x1;
	s9 =	smul.u32 $0xA, s8  }
.LBB2_1:
0xf: {  	[tilespmem:$0x5080] =	vst v0  }
0x10: {  	[tilespmem:$0x5090] =	vst v0  }
0x11: {  	[tilespmem:$0x50A0] =	vst v0  }
0x12: {  	[tilespmem:$0x50B0] =	vst v0  }
0x13: {  	[tilespmem:$0x50C0] =	vst v0  }
0x14: {  	[tilespmem:$0x50D0] =	vst v0  }
0x15: {  	[tilespmem:$0x50E0] =	vst v0  }
0x16: {  	[tilespmem:$0x50F0] =	vst v0  }
0x17: {  	[tilespmem:$0x5100] =	vst v0  }
0x18: {  	[tilespmem:$0x5110] =	vst v0  }
0x19: {  	[tilespmem:$0x5120] =	vst v0  }
0x1a: {  	[tilespmem:$0x5130] =	vst v0  }
0x1b: {  	[tilespmem:$0x5140] =	vst v0  }
0x1c: {  	[tilespmem:$0x5150] =	vst v0  }
0x1d: {  	[tilespmem:$0x5160] =	vst v0  }
0x1e: {  	[tilespmem:$0x5170] =	vst v0  }
0x1f: {  	[tilespmem:$0x5180] =	vst v0  }
0x20: {  	[tilespmem:$0x5190] =	vst v0  }
0x21: {  	[tilespmem:$0x51A0] =	vst v0  }
0x22: {  	[tilespmem:$0x51B0] =	vst v0  }
0x23: {  	[tilespmem:$0x51C0] =	vst v0  }
0x24: {  	[tilespmem:$0x51D0] =	vst v0  }
0x25: {  	[tilespmem:$0x51E0] =	vst v0  }
0x26: {  	[tilespmem:$0x51F0] =	vst v0  }
0x27: {  	[tilespmem:$0x5200] =	vst v0  }
0x28: {  	[tilespmem:$0x5210] =	vst v0  }
0x29: {  	[tilespmem:$0x5220] =	vst v0  }
0x2a: {  	[tilespmem:$0x5230] =	vst v0  }
0x2b: {  	[tilespmem:$0x5240] =	vst v0  }
0x2c: {  	[tilespmem:$0x5250] =	vst v0  }
0x2d: {  	[tilespmem:$0x5260] =	vst v0  }
0x2e: {  	[tilespmem:$0x5270] =	vst v0  }
0x2f: {  	[tilespmem:$0x5280] =	vst v0  }
0x30: {  	[tilespmem:$0x5290] =	vst v0  }
0x31: {  	[tilespmem:$0x52A0] =	vst v0  }
0x32: {  	[tilespmem:$0x52B0] =	vst v0  }
0x33: {  	[tilespmem:$0x52C0] =	vst v0  }
0x34: {  	[tilespmem:$0x52D0] =	vst v0  }
0x35: {  	[tilespmem:$0x52E0] =	vst v0  }
0x36: {  	[tilespmem:$0x52F0] =	vst v0  }
0x37: {  	[tilespmem:$0x5300] =	vst v0  }
0x38: {  	[tilespmem:$0x5310] =	vst v0  }
0x39: {  	[tilespmem:$0x5320] =	vst v0  }
0x3a: {  	[tilespmem:$0x5330] =	vst v0  }
0x3b: {  	[tilespmem:$0x5340] =	vst v0  }
0x3c: {  	[tilespmem:$0x5350] =	vst v0  }
0x3d: {  	[tilespmem:$0x5360] =	vst v0  }
0x3e: {  	[tilespmem:$0x5370] =	vst v0  }
0x3f: {  	[tilespmem:$0x5380] =	vst v0  }
0x40: {  	[tilespmem:$0x5390] =	vst v0  }
0x41: {  	[tilespmem:$0x53A0] =	vst v0  }
0x42: {  	[tilespmem:$0x53B0] =	vst v0  }
0x43: {  	[tilespmem:$0x53C0] =	vst v0  }
0x44: {  	[tilespmem:$0x53D0] =	vst v0  }
0x45: {  	[tilespmem:$0x53E0] =	vst v0  }
0x46: {  	[tilespmem:$0x53F0] =	vst v0  }
0x47: {  	[tilespmem:$0x5400] =	vst v0  }
0x48: {  	[tilespmem:$0x5410] =	vst v0  }
0x49: {  	[tilespmem:$0x5420] =	vst v0  }
0x4a: {  	[tilespmem:$0x5430] =	vst v0  }
0x4b: {  	[tilespmem:$0x5440] =	vst v0  }
0x4c: {  	[tilespmem:$0x5450] =	vst v0  }
0x4d: {  	[tilespmem:$0x5460] =	vst v0  }
0x4e: {  	[tilespmem:$0x5470] =	vst v0;
	s21 =	smov.u32 s10;
	s22 =	smov.u32 s9  }
.LBB2_2:
0x4f: {  	p0 =	sne.s32 s22, $0x1  }
.Ltmp0:
0x50: {  	_ = 	snop;
	(pc) =	sbr.rel @p0 .LBB2_2-.Ltmp0, $4  }
0x51: {  	[spmem:s21] =	stream.linear.scatter [tilespmem:s13], [sflag:$0x3], $0x400, $0x38;
	[tilespmem:$0x18D00] =	vst v63  }
0x52: {  	_ =	swait.ge [sflag:s14], $0x400  }
0x53: {  	[sflag:s14] =	ssyncset.done $0x0  }
0x54: {  	s21 =	sadd.s32 $0x400, s21;
	s22 =	sadd.s32 $0xFFFFFFFF, s22;
	[sflag:s14] =	ssyncadd.s32 $0xFFFFFC00  }
0x55: {  	s21 =	simm.s32 $0x0;
	s22 =	simm.s32 $0x200  }
.LBB2_4:
0x56: {  	p0 =	sne.s32 s22, $0x9E00;
	[tilespmem:s21+$0x28F0] =	vst v0  }
0x57: {  	[tilespmem:s21+$0x2880] =	vst v0  }
0x58: {  	[tilespmem:s21+$0x2890] =	vst v0  }
.Ltmp1:
0x59: {  	[tilespmem:s21+$0x28A0] =	vst v0;
	(pc) =	sbr.rel @p0 .LBB2_4-.Ltmp1, $4  }
0x5a: {  	[tilespmem:s21+$0x28B0] =	vst v0  }
0x5b: {  	[tilespmem:s21+$0x28C0] =	vst v0  }
0x5c: {  	[tilespmem:s21+$0x28D0] =	vst v0  }
0x5d: {  	[tilespmem:s21+$0x28E0] =	vst v0;
	s21 =	sshra.s32 s22, $0x2;
	s22 =	sadd.s32 $0x200, s22  }
0x5e: {  	[tilespmem:s21+$0x28F0] =	vst v0  }
0x5f: {  	[tilespmem:s21+$0x2880] =	vst v0  }
0x60: {  	[tilespmem:s21+$0x2890] =	vst v0  }
0x61: {  	[tilespmem:s21+$0x28A0] =	vst v0  }
0x62: {  	[tilespmem:s21+$0x28B0] =	vst v0  }
0x63: {  	[tilespmem:s21+$0x28C0] =	vst v0  }
0x64: {  	[tilespmem:s21+$0x28D0] =	vst v0  }
0x65: {  	[tilespmem:s21+$0x28E0] =	vst v0  }
0x66: {  	s21 =	simm.s32 $0x0;
	s22 =	simm.s32 $0x0;
	[bflag:$0x0] =	sbarrier.arrive $0xFFFF  }
.LBB2_6:
0x67: {  	s23 =	smul.u32 $0x50, s22;
	_ =	sdelay $0x1  }
0x68: {  	s23 =	sadd.s32 s6, s23  }
0x69: {  	s24 =	sshrl.u32 s23, $0x3  }
0x6a: {  	s23 =	sshll.u32 s23, $0x4;
	s24 =	sadd.s32 s4, s24  }
0x6b: {  	[tilespmem:s21], [sflag:$0x1] =	stream.linear.gather [hbm4b:s24+s21], $0x50, $0x38;
	[tilespmem:$0x18D00] =	vst v63  }
0x6c: {  	s23 =	sadd.s32 s5, s23  }
0x6d: {  	[tilespmem:s15], [sflag:$0x2] =	stream.linear.gather [hbm4b:s23+s21], $0x2800, $0x38;
	[tilespmem:$0x18D00] =	vst v63  }
0x6e: {  	_ =	swait.ge [sflag:s16], $0x50  }
0x6f: {  	[sflag:s16] =	ssyncset.done $0x0  }
0x70: {  	[sflag:s16] =	ssyncadd.s32 $0xFFFFFFB0  }
0x71: {  	_ =	swait.ge [sflag:s17], $0x2800  }
0x72: {  	[sflag:s17] =	ssyncset.done $0x0  }
0x73: {  	s23 =	simm.s32 $0x0;
	[sflag:s17] =	ssyncadd.s32 $0xFFFFD800  }
0x74: {  	s24 =	simm.s32 $0x200;
	v1 =	vld [tilespmem:s23+$0x80]  }
.LBB2_7:
0x75: {  	p0 =	sne.s32 s24, $0x9E00  }
.Ltmp2:
0x76: {  	_ = 	snop;
	(pc) =	sbr.rel @p0 .LBB2_7-.Ltmp2, $3  }
0x77: {  	_ =	sdelay $0x1  }
0x78: {  	[tilespmem:s23+$0x2880] =	vst v1;
	s23 =	sshra.s32 s24, $0x2;
	s24 =	sadd.s32 $0x200, s24  }
0x79: {  	v1 =	vld [tilespmem:s23+$0x80]  }
0x7a: {  	_ =	sdelay $0x1  }
0x7b: {  	s22 =	sadd.s32 $0x1, s22  }
0x7c: {  	p0 =	sne.s32 s22, $0x7D  }
.Ltmp3:
0x7d: {  	[tilespmem:s23+$0x2880] =	vst v1;
	(pc) =	sbr.rel @p0 .LBB2_6-.Ltmp3, $4  }
0x7e: {  	[spmem:s1] =	stream.indirect.scatter.add.f32 [tilespmem:s19], [sflag:$0x3], $0x80, s3, s18, $0xb8;
	[tilespmem:$0x18D00] =	vst v63  }
0x7f: {  	_ =	swait.ge [sflag:s14], $0x2800  }
0x80: {  	[sflag:s14] =	ssyncset.done $0x0  }
0x81: {  	[sflag:s14] =	ssyncadd.s32 $0xFFFFD800  }
0x82: {  	p0 =	sne.s32 s8, $0x1  }
.Ltmp4:
0x83: {  	_ = 	snop;
	(pc) =	sbr.rel @!p0 .LBB2_11-.Ltmp4, $4  }
0x84: {  	[bflag:$0x0] =	sbarrier.arrive $0xFFFF;
	s21 =	sshll.u32 s2, $0x6;
	s22 =	sshrl.u32 s12, $0x3  }
0x85: {  	s23 =	sshrl.u32 s10, $0x3;
	s22 =	sadd.s32 s7, s22;
	s21 =	sor.u32 $0x1C03, s21  }
0x86: {  	[hbm:s22], [sflag:s21] =	dma.local [spmem:s23], $0x500  }
0x87: {  	s24 =	smov.u32 s10;
	s22 =	sadd.s32 $0xFFFFFFFF, s8;
	s23 =	sadd.s32 $0x2800, s12  }
.LBB2_10:
0x88: {  	_ =	swait.ge [sflag:s14], $0x500  }
0x89: {  	s24 =	sadd.s32 $0x2800, s24;
	s25 =	sshrl.u32 s23, $0x3;
	p0 =	sne.s32 s22, $0x1  }
.Ltmp5:
0x8a: {  	s26 =	sshrl.u32 s24, $0x3;
	[sflag:s14] =	ssyncset.done $0x0;
	(pc) =	sbr.rel @p0 .LBB2_10-.Ltmp5, $4  }
0x8b: {  	s25 =	sadd.s32 s7, s25;
	[sflag:s14] =	ssyncadd.s32 $0xFFFFFB00  }
0x8c: {  	[hbm:s25], [sflag:s21] =	dma.local [spmem:s26], $0x500  }
0x8d: {  	s22 =	sadd.s32 $0xFFFFFFFF, s22  }
0x8e: {  	s23 =	sadd.s32 $0x2800, s23  }
.LBB2_11:
0x8f: {  	s20 =	sadd.s32 $0x1, s20  }
0x90: {  	p0 =	sne.s32 s20, s11  }
.Ltmp6:
0x91: {  	_ = 	snop;
	(pc) =	sbr.rel @p0 .LBB2_1-.Ltmp6, $4  }
0x92: {  	_ = 	snop  }
0x93: {  	_ =	swait.ge [sflag:s14], $0x500  }
0x94: {  	[sflag:s14] =	ssyncset.done $0x0  }
0x95: {  	[sflag:s14] =	ssyncadd.s32 $0xFFFFFB00  }
0x96: {  	_ =	sfence.sel $0x180000  }
0x97: {  	[bflag:$0x0] =	sbarrier.arrive $0xFFFF  }
0x98: {  	p0 =	sne.s32 s2, $0x0;
	_ =	strace $0x9000004D  }
0x99: {  	s0 =	sadd.s32 @!p0 $0x100000, s0;
	[bflag:$0x2] =	sbarrier.arrive $0xFFFF  }
0x9a: {  	[sflag:s0] =	ssyncadd.tile.s32 @!p0 $0x1;
	_ =	shalt  }
.Lfunc_end2:
_tile_overlayer_lowered:
.L_overlay_start_2:
0x9b: {  	(tag) =	ssettag $0x2  }
0x9c: {  	s0 =	rddreg [dreg:$0x0];
	s2 =	stileid.u32  }
0x9d: {  	s1 =	rddreg [dreg:$0x1];
	p0 =	sne.s32 s2, $0x0  }
0x9e: {  	s3 =	rddreg [dreg:$0x2];
	[bflag:$0x3] =	sbarrier.arrive $0xFFFF;
	s2 =	simm.s32 @!p0 $0x1C03  }
0x9f: {  	[timem:s3], [sflag:s2] =	dma.local @!p0 [hbm:s0], s1  }
0xa0: {  	s0 =	simm.s32 @!p0 $0x3  }
0xa1: {  	_ =	swait.ge @!p0 [sflag:s0], s1  }
0xa2: {  	s1 =	ssub.s32 @!p0 $0x0, s1;
	[sflag:s0] =	ssyncset.done @!p0 $0x0  }
0xa3: {  	[sflag:s0] =	ssyncadd.s32 @!p0 s1  }
0xa4: {  	[bflag:$0x3] =	sbarrier.arrive $0xFFFF  }
0xa5: {  	_ =	shalt  }

// kernel: kernel.17.cloned.1.call-start
scs
__scs_entry_jumppad:
0x0: {  	(pc) =	sbr.rel $0x88, $3  }
0x1: {  	(tag) =	ssettag $0x0;
	lr =	simm.s32 $0x1  }
0x2: {  	[smem:$0x3F93] =	sst lr;
	_ =	strace $0xD0000000  }
0x3: {  	_ = 	snop  }
0x4: {  	_ = 	snop  }
0x5: {  	_ = 	snop  }
0x6: {  	_ = 	snop  }
0x7: {  	_ = 	snop  }
__scs_overlays_trampoline_lowered:
0x8: {  	[smem:$0x3FA2] =	sst s0  }
0x9: {  	[smem:$0x3FA3] =	sst s1  }
0xa: {  	[smem:$0x3FA4] =	sst s2  }
0xb: {  	[smem:$0x3FA5] =	sst s3  }
0xc: {  	[smem:$0x3FA6] =	sst s4  }
0xd: {  	[smem:$0x3FA7] =	sst s5  }
0xe: {  	[smem:$0x3FA8] =	sst s6  }
0xf: {  	[smem:$0x3FA9] =	sst s7  }
0x10: {  	[smem:$0x3FAA] =	sst s8  }
0x11: {  	[smem:$0x3FAB] =	sst s9;
	s0 =	simm.s32 @!p0 $0x0  }
0x12: {  	s1 =	sld [smem:$0x3F91];
	s0 =	simm.s32 @p0 $0x1  }
0x13: {  	[smem:$0x3FAC] =	sst s0;
	s0 =	simm.s32 @!p1 $0x0  }
0x14: {  	s2 =	sld [smem:$0x3F90];
	s0 =	simm.s32 @p1 $0x1  }
0x15: {  	[smem:$0x3FAD] =	sst s0;
	s0 =	simm.s32 @!p2 $0x0  }
0x16: {  	s3 =	sld [smem:$0x3FDB];
	s0 =	simm.s32 @p2 $0x1  }
0x17: {  	s4 =	simm.s32 $0x1BF5;
	[smem:$0x3FAF] =	sst s0  }
0x18: {  	s0 =	sld [smem:$0x3F92];
	_ =	swait.ge [sflag:s4], $0x0  }
0x19: {  	s7 =	sld [smem:$0x3F93]  }
0x1a: {  	s8 =	sadd.s32 $0xFFFFE003, lr  }
0x1b: {  	s9 =	sadd.s32 $0xFFFFFEF7, lr;
	s5 =	simm.s32 $0xFFFFFFFF;
	p2 =	slt.u32 s8, $0xFFFFF086  }
0x1c: {  	p1 =	slt.u32 s9, $0xF7A;
	s5 =	simm.s32 @!p2 $0x0  }
0x1d: {  	s5 =	simm.s32 @p1 $0x1;
	p0 =	seq.s32 s7, s2  }
0x1e: {  	s7 =	smul.u32 @!p0 $0xF7A, s2;
	p2 =	seq.s32 @!p0 s5, $0x0  }
0x1f: {  	s9 =	smul.u32 $0xF7A, s1;
	s8 =	simm.s32 @!p0 $0x1BF5;
	p2 =	por !p2, p0  }
0x20: {  	[sflag:s8] =	ssyncset.s32 @!p0 $0xFFFFF086;
	s6 =	sadd.s32 @!p0 s3, s7;
	s7 =	simm.s32 @!p0 $0x108  }
0x21: {  	s3 =	sadd.s32 s3, s9;
	s6 =	sadd.s32 @!p0 $0x88, s6;
	s7 =	simm.s32 @p2 $0x1082  }
0x22: {  	[simem:s7], [sflag:s8] =	dma.local @!p0 [hbm:s6], $0xF7A  }
0x23: {  	s9 =	sor.u32 $0xD0000000, s2;
	s6 =	simm.s32 $0x108;
	_ =	swait.ge @!p0 [sflag:s8], $0x0  }
0x24: {  	s3 =	sadd.s32 $0x88, s3;
	s6 =	simm.s32 @!p1 $0x1082;
	[sflag:s4] =	ssyncset.s32 $0xFFFFF086  }
0x25: {  	[simem:s6], [sflag:s4] =	dma.local [hbm:s3], $0xF7A  }
0x26: {  	[smem:$0x3F93] =	sst s1;
	(tag) =	ssettag s2;
	_ =	strace s9  }
0x27: {  	s1 =	sld [smem:$0x3FA3]  }
0x28: {  	s2 =	sld [smem:$0x3FA4]  }
0x29: {  	s4 =	sld [smem:$0x3FA6]  }
0x2a: {  	p0 =	seq.s32 s5, $0x0;
	s5 =	sld [smem:$0x3FA7]  }
0x2b: {  	s6 =	sld [smem:$0x3FA8]  }
0x2c: {  	s7 =	sld [smem:$0x3FA9]  }
0x2d: {  	s3 =	simm.s32 $0x108;
	s8 =	sld [smem:$0x3FAA]  }
0x2e: {  	s3 =	simm.s32 @!p0 $0x1082;
	s9 =	sld [smem:$0x3FAB]  }
0x2f: {  	lr =	sadd.s32 s0, s3;
	s0 =	sld [smem:$0x3FA2]  }
0x30: {  	s3 =	sld [smem:$0x3FA5]  }
0x31: {  	[smem:$0x3FAE] =	sst s10  }
0x32: {  	s10 =	sld [smem:$0x3FAC];
	_ =	sdelay $0x3  }
0x33: {  	p0 =	seq.s32 s10, $0x1;
	s10 =	sld [smem:$0x3FAE];
	_ =	sdelay $0x3  }
0x34: {  	[smem:$0x3FAE] =	sst s10  }
0x35: {  	s10 =	sld [smem:$0x3FAD];
	_ =	sdelay $0x3  }
0x36: {  	p1 =	seq.s32 s10, $0x1;
	s10 =	sld [smem:$0x3FAE];
	_ =	sdelay $0x3  }
0x37: {  	[smem:$0x3FAE] =	sst s10  }
0x38: {  	s10 =	sld [smem:$0x3FAF]  }
0x39: {  	_ = 	snop;
	(pc) =	sbr.ind lr, $3  }
0x3a: {  	_ = 	snop  }
0x3b: {  	_ = 	snop  }
0x3c: {  	p2 =	seq.s32 s10, $0x1;
	s10 =	sld [smem:$0x3FAE]  }
0x3d: {  	_ =	shalt  }
0x3e: {  	_ =	shalt  }
0x3f: {  	_ =	shalt  }
0x40: {  	_ =	shalt  }
0x41: {  	_ =	shalt  }
0x42: {  	_ =	shalt  }
0x43: {  	_ =	shalt  }
0x44: {  	_ =	shalt  }
0x45: {  	_ =	shalt  }
0x46: {  	_ =	shalt  }
0x47: {  	_ =	shalt  }
0x48: {  	_ =	shalt  }
0x49: {  	_ =	shalt  }
0x4a: {  	_ =	shalt  }
0x4b: {  	_ =	shalt  }
0x4c: {  	_ =	shalt  }
0x4d: {  	_ =	shalt  }
0x4e: {  	_ =	shalt  }
0x4f: {  	_ =	shalt  }
0x50: {  	_ =	shalt  }
0x51: {  	_ =	shalt  }
0x52: {  	_ =	shalt  }
0x53: {  	_ =	shalt  }
0x54: {  	_ =	shalt  }
0x55: {  	_ =	shalt  }
0x56: {  	_ =	shalt  }
0x57: {  	_ =	shalt  }
0x58: {  	_ =	shalt  }
0x59: {  	_ =	shalt  }
0x5a: {  	_ =	shalt  }
0x5b: {  	_ =	shalt  }
0x5c: {  	_ =	shalt  }
0x5d: {  	_ =	shalt  }
0x5e: {  	_ =	shalt  }
0x5f: {  	_ =	shalt  }
0x60: {  	_ =	shalt  }
0x61: {  	_ =	shalt  }
0x62: {  	_ =	shalt  }
0x63: {  	_ =	shalt  }
0x64: {  	_ =	shalt  }
0x65: {  	_ =	shalt  }
0x66: {  	_ =	shalt  }
0x67: {  	_ =	shalt  }
0x68: {  	_ =	shalt  }
0x69: {  	_ =	shalt  }
0x6a: {  	_ =	shalt  }
0x6b: {  	_ =	shalt  }
0x6c: {  	_ =	shalt  }
0x6d: {  	_ =	shalt  }
0x6e: {  	_ =	shalt  }
0x6f: {  	_ =	shalt  }
0x70: {  	_ =	shalt  }
0x71: {  	_ =	shalt  }
0x72: {  	_ =	shalt  }
0x73: {  	_ =	shalt  }
0x74: {  	_ =	shalt  }
0x75: {  	_ =	shalt  }
0x76: {  	_ =	shalt  }
0x77: {  	_ =	shalt  }
0x78: {  	_ =	shalt  }
0x79: {  	_ =	shalt  }
0x7a: {  	_ =	shalt  }
0x7b: {  	_ =	shalt  }
0x7c: {  	_ =	shalt  }
0x7d: {  	_ =	shalt  }
0x7e: {  	_ =	shalt  }
0x7f: {  	_ =	shalt  }
0x80: {  	_ =	shalt  }
0x81: {  	_ =	shalt  }
0x82: {  	_ =	shalt  }
0x83: {  	_ =	shalt  }
0x84: {  	_ =	shalt  }
0x85: {  	_ =	shalt  }
0x86: {  	_ =	shalt  }
0x87: {  	_ =	shalt  }
.Lfunc_end0:
.L_simem_size_0:
called_computation.2_lowered:
.L_overlay_start_0:
0x88: {  	s2 =	sld [smem:$0x3FD9]  }
0x89: {  	s3 =	sld [smem:$0x3FFE];
	_ =	sdelay $0x1  }
0x8a: {  	s1 =	srdreg.scid  }
0x8b: {  	s0 =	sand.u32 $0x1, s1  }
0x8c: {  	s14 =	sshll.u32 s0, $0xA;
	s2 =	sadd.s32 s3, s2  }
0x8d: {  	s2 =	sadd.s32 s2, s14  }
0x8e: {  	[smem:$0x3FBA] =	sst s2  }
0x8f: {  	_ = 	snop  }
0x90: {  	s2 =	sld [smem:$0x3FD0];
	_ =	sdelay $0x2  }
0x91: {  	s15 =	simm.s32 $0xB;
	s4 =	simm.s32 $0x10  }
0x92: {  	[smem:s4], [sflag:s15] =	dma.local [hbm:s2], $0x1  }
0x93: {  	_ =	swait.eq [sflag:s15], $0x1  }
0x94: {  	[sflag:s15] =	ssyncset.done $0x0  }
0x95: {  	[sflag:s15] =	ssyncadd.s32 $0xFFFFFFFF  }
0x96: {  	s16 =	sld [smem:$0x11];
	(tm) =	ssettm $0x1  }
0x97: {  	s17 =	sld [smem:$0x3FFB];
	_ =	sdelay $0x3  }
0x98: {  	_ =	strace s17  }
0x99: {  	s3 =	sld [smem:$0x3FFC];
	_ =	sdelay $0x3  }
0x9a: {  	_ =	strace s3  }
0x9b: {  	s3 =	sld [smem:$0x3FFD];
	_ =	sdelay $0x3  }
0x9c: {  	_ =	strace s3  }
0x9d: {  	_ =	strace $0x8FFFFFFF  }
0x9e: {  	s18 =	sld [smem:$0x3FDB];
	_ =	sdelay $0x1  }
0x9f: {  	s19 =	simm.s32 $_scs_section_size  }
0xa0: {  	s5 =	simm.s32 $_size__tile_overlayer_lowered;
	s6 =	simm.s32 $_tile_overlayer_lowered  }
0xa1: {  	s22 =	simm.s32 $0x1BFF;
	s21 =	sshll.u32 s6, $0x1;
	s3 =	sadd.s32 s19, s18  }
0xa2: {  	s7 =	simm.s32 $0x0;
	s20 =	sshll.u32 s5, $0x1;
	s5 =	sadd.s32 s21, s3  }
0xa3: {  	[timem:s7], [sflag:s22] =	dma.local [hbm:s5], s20  }
0xa4: {  	_ =	swait.ge [sflag:s22], s20  }
0xa5: {  	s4 =	ssub.s32 $0x0, s20;
	[sflag:s22] =	ssyncset.done $0x0  }
0xa6: {  	[sflag:s22] =	ssyncadd.s32 s4;
	_ =	sdelay $0x1  }
0xa7: {  	s23 =	simm.s32 $0x1B8B  }
0xa8: {  	_ =	swait.ge [sflag:s23], $0x1  }
0xa9: {  	[sflag:s23] =	ssyncset.done $0x0  }
0xaa: {  	s25 =	simm.s32 $0x1B8E;
	s24 =	sld [smem:$0x3FFE];
	[sflag:s23] =	ssyncadd.s32 $0xFFFFFFFF  }
0xab: {  	s26 =	simm.s32 $execute0_lowered;
	[smem:$0x3FD2] =	sst s25  }
0xac: {  	s5 =	sshll.u32 s26, $0x1;
	_ =	strace $0x80000049;
	[dreg:$0x1] =	wrdreg $0xFFFFFFFF  }
0xad: {  	s28 =	simm.s32 $_size_execute0_lowered;
	s3 =	sadd.s32 s3, s5;
	[dreg:$0x0] =	wrdreg $0x0  }
0xae: {  	s5 =	sshll.u32 s28, $0x1;
	[dreg:$0x2] =	wrdreg s3  }
0xaf: {  	[dreg:$0x3] =	wrdreg s5  }
0xb0: {  	[dreg:$0x4] =	wrdreg $0xC0  }
0xb1: {  	_ =	task [dreg:s7], $0x5FFFF  }
0xb2: {  	[dreg:$0x1] =	wrdreg $0xFFFFFFFF  }
0xb3: {  	[dreg:$0x0] =	wrdreg $0x60  }
0xb4: {  	[dreg:$0x2] =	wrdreg s24  }
0xb5: {  	[dreg:$0x3] =	wrdreg s16  }
0xb6: {  	[dreg:$0x4] =	wrdreg $0x55000  }
0xb7: {  	[dreg:$0x5] =	wrdreg $0xA  }
0xb8: {  	_ =	task.clear_ibuf [dreg:s7], $0x6FFFF;
	_ =	strace $0x90000049  }
0xb9: {  	s29 =	simm.s32 $0xA;
	_ =	strace $0x8000004B  }
0xba: {  	_ =	swait.ge [sflag:s29], $0x1  }
0xbb: {  	[sflag:s29] =	ssyncadd.s32 $0xFFFFFFFF  }
0xbc: {  	_ =	strace $0x9000004B  }
0xbd: {  	_ =	sfence  }
0xbe: {  	s30 =	sld [smem:$0x0];
	_ =	sdelay $0x2  }
0xbf: {  	s31 =	sshll.u32 s1, $0xD;
	s1 =	sshrl.u32 s1, $0x2  }
0xc0: {  	s3 =	sand.u32 $0x4000, s31;
	s1 =	sadd.s32 s1, s30  }
0xc1: {  	s0 =	sor.u32 s3, s0;
	s1 =	sshll.u32 s1, $0x11  }
0xc2: {  	s0 =	sor.u32 s1, s0  }
0xc3: {  	s0 =	sadd.s32 $0x8F2B, s0  }
0xc4: {  	[sflag:s0] =	ssyncadd.remote.s32 $0x1  }
0xc5: {  	_ =	sfence.sel $0xFFFF  }
0xc6: {  	[dreg:$0x0] =	wrdreg $0xFFFFFFFF;
	(pc) =	sbr.abs _section_cstart, $3  }
0xc7: {  	[dreg:$0x1] =	wrdreg $0xFFFFFFFF  }
0xc8: {  	_ =	task.clear_ibuf [dreg:s7], $0x2FFFF;
	_ =	strace $0x9FFFFFFF  }
0xc9: {  	(tm) =	ssettm $0x7FFFFFFF  }
tec
execute0_lowered:
.L_overlay_start_1:
0x0: {  	(tag) =	ssettag $0x1  }
0x1: {  	s0 =	rddreg [dreg:$0x0]  }
0x2: {  	s1 =	rddreg [dreg:$0x1]  }
0x3: {  	s2 =	rddreg [dreg:$0x2];
	s4 =	simm.s32 $0x0;
	s5 =	srdreg.scid  }
0x4: {  	s3 =	stileid.u32;
	s10 =	simm.s32 $0x5;
	s16 =	simm.s32 $0x4  }
0x5: {  	s17 =	simm.s32 $0x2800;
	s18 =	simm.s32 $0x2880;
	s19 =	simm.s32 $0x2900  }
0x6: {  	s20 =	simm.s32 $0x1;
	s21 =	simm.s32 $0x2;
	s22 =	simm.s32 $0x3  }
0x7: {  	s23 =	simm.s32 $0x28;
	s24 =	simm.s32 $0x2828;
	s25 =	simm.s32 $0x1400  }
0x8: {  	s26 =	simm.s32 $0x50;
	s28 =	simm.s32 $0x0;
	[smem:$0x7FF] =	sst s4  }
0x9: {  	s11 =	sand.u32 $0x1, s5;
	s7 =	sshll.u32 s3, $0x1;
	s5 =	sadd.s32 $0xD400, s0  }
0xa: {  	s6 =	sadd.s32 $0x3600, s0;
	s9 =	sadd.s32 $0x516600, s0;
	s13 =	smul.u32 $0x50000, s3  }
0xb: {  	p0 =	seq.s32 s3, $0xF;
	s15 =	smul.u32 $0x14000, s3;
	_ =	strace $0x8000004A  }
0xc: {  	s8 =	sor.u32 s11, s7;
	s7 =	sadd.s32 $0x34600, s0;
	s12 =	ssub.s32 $0x2, s11  }
0xd: {  	s14 =	smul.u32 $0x138800, s11;
	s10 =	simm.s32 @!p0 $0x8;
	s31 =	sshrl.u32 s12, $0x1  }
0xe: {  	s8 =	smul.u32 $0x2710, s8;
	s13 =	sshrl.u32 s13, $0x2;
	s0 =	ssub.s32 s12, s31  }
0xf: {  	s11 =	smul.u32 $0xA, s10;
	s12 =	sadd.s32 s13, s2;
	s0 =	smax.u32 s0, $0x1  }
0x10: {  	v0 =	vimm.f32 $0.0e+00;
	s14 =	sadd.s32 s15, s14;
	s15 =	simm.s32 $0x5100;
	[dreg:$0x4] =	wrdreg s0  }
.LBB2_1:
0x11: {  	[tilespmem:$0x5100] =	vst v0  }
0x12: {  	[tilespmem:$0x5110] =	vst v0  }
0x13: {  	[tilespmem:$0x5120] =	vst v0  }
0x14: {  	[tilespmem:$0x5130] =	vst v0  }
0x15: {  	[tilespmem:$0x5140] =	vst v0  }
0x16: {  	[tilespmem:$0x5150] =	vst v0  }
0x17: {  	[tilespmem:$0x5160] =	vst v0  }
0x18: {  	[tilespmem:$0x5170] =	vst v0  }
0x19: {  	[tilespmem:$0x5180] =	vst v0  }
0x1a: {  	[tilespmem:$0x5190] =	vst v0  }
0x1b: {  	[tilespmem:$0x51A0] =	vst v0  }
0x1c: {  	[tilespmem:$0x51B0] =	vst v0  }
0x1d: {  	[tilespmem:$0x51C0] =	vst v0  }
0x1e: {  	[tilespmem:$0x51D0] =	vst v0  }
0x1f: {  	[tilespmem:$0x51E0] =	vst v0  }
0x20: {  	[tilespmem:$0x51F0] =	vst v0  }
0x21: {  	[tilespmem:$0x5200] =	vst v0  }
0x22: {  	[tilespmem:$0x5210] =	vst v0  }
0x23: {  	[tilespmem:$0x5220] =	vst v0  }
0x24: {  	[tilespmem:$0x5230] =	vst v0  }
0x25: {  	[tilespmem:$0x5240] =	vst v0  }
0x26: {  	[tilespmem:$0x5250] =	vst v0  }
0x27: {  	[tilespmem:$0x5260] =	vst v0  }
0x28: {  	[tilespmem:$0x5270] =	vst v0  }
0x29: {  	[tilespmem:$0x5280] =	vst v0  }
0x2a: {  	[tilespmem:$0x5290] =	vst v0  }
0x2b: {  	[tilespmem:$0x52A0] =	vst v0  }
0x2c: {  	[tilespmem:$0x52B0] =	vst v0  }
0x2d: {  	[tilespmem:$0x52C0] =	vst v0  }
0x2e: {  	[tilespmem:$0x52D0] =	vst v0  }
0x2f: {  	[tilespmem:$0x52E0] =	vst v0  }
0x30: {  	[tilespmem:$0x52F0] =	vst v0  }
0x31: {  	[tilespmem:$0x5300] =	vst v0  }
0x32: {  	[tilespmem:$0x5310] =	vst v0  }
0x33: {  	[tilespmem:$0x5320] =	vst v0  }
0x34: {  	[tilespmem:$0x5330] =	vst v0  }
0x35: {  	[tilespmem:$0x5340] =	vst v0  }
0x36: {  	[tilespmem:$0x5350] =	vst v0  }
0x37: {  	[tilespmem:$0x5360] =	vst v0  }
0x38: {  	[tilespmem:$0x5370] =	vst v0  }
0x39: {  	[tilespmem:$0x5380] =	vst v0  }
0x3a: {  	[tilespmem:$0x5390] =	vst v0  }
0x3b: {  	[tilespmem:$0x53A0] =	vst v0  }
0x3c: {  	[tilespmem:$0x53B0] =	vst v0  }
0x3d: {  	[tilespmem:$0x53C0] =	vst v0  }
0x3e: {  	[tilespmem:$0x53D0] =	vst v0  }
0x3f: {  	[tilespmem:$0x53E0] =	vst v0  }
0x40: {  	[tilespmem:$0x53F0] =	vst v0  }
0x41: {  	[tilespmem:$0x5400] =	vst v0  }
0x42: {  	[tilespmem:$0x5410] =	vst v0  }
0x43: {  	[tilespmem:$0x5420] =	vst v0  }
0x44: {  	[tilespmem:$0x5430] =	vst v0  }
0x45: {  	[tilespmem:$0x5440] =	vst v0  }
0x46: {  	[tilespmem:$0x5450] =	vst v0  }
0x47: {  	[tilespmem:$0x5460] =	vst v0  }
0x48: {  	[tilespmem:$0x5470] =	vst v0  }
0x49: {  	[tilespmem:$0x5480] =	vst v0  }
0x4a: {  	[tilespmem:$0x5490] =	vst v0  }
0x4b: {  	[tilespmem:$0x54A0] =	vst v0  }
0x4c: {  	[tilespmem:$0x54B0] =	vst v0  }
0x4d: {  	[tilespmem:$0x54C0] =	vst v0  }
0x4e: {  	[tilespmem:$0x54D0] =	vst v0;
	p0 =	sne.s32 s11, $0x1  }
.Ltmp0:
0x4f: {  	[tilespmem:$0x54E0] =	vst v0;
	(pc) =	sbr.rel @!p0 .LBB2_3-.Ltmp0, $4  }
0x50: {  	[tilespmem:$0x54F0] =	vst v0  }
0x51: {  	[spmem:s12] =	stream.linear.scatter [tilespmem:s15], [sflag:$0x4], $0x400, $0x38;
	[tilespmem:$0x18D80] =	vst v63  }
0x52: {  	_ =	swait.ge [sflag:s16], $0x400  }
0x53: {  	s0 =	sadd.s32 $0xFFFFFFFF, s11;
	s29 =	smov.u32 s12;
	[sflag:s16] =	ssyncset.done $0x0  }
.LBB2_2:
0x54: {  	p0 =	sne.s32 s0, $0x1;
	[sflag:s16] =	ssyncadd.s32 $0xFFFFFC00;
	s29 =	sadd.s32 $0x400, s29  }
.Ltmp1:
0x55: {  	s0 =	sadd.s32 $0xFFFFFFFF, s0;
	(pc) =	sbr.rel @p0 .LBB2_2-.Ltmp1, $4  }
0x56: {  	_ = 	snop  }
0x57: {  	[spmem:s29] =	stream.linear.scatter [tilespmem:s15], [sflag:$0x4], $0x400, $0x38;
	[tilespmem:$0x18D80] =	vst v63  }
0x58: {  	_ =	swait.ge [sflag:s16], $0x400  }
0x59: {  	[sflag:s16] =	ssyncset.done $0x0  }
.LBB2_3:
0x5a: {  	[sflag:s16] =	ssyncadd.s32 $0xFFFFFC00  }
0x5b: {  	s29 =	simm.s32 $0x0;
	s30 =	simm.s32 $0x0;
	[bflag:$0x0] =	sbarrier.arrive $0xFFFF  }
.LBB2_4:
0x5c: {  	s0 =	smul.u32 $0x50, s30;
	_ =	sdelay $0x1  }
0x5d: {  	s0 =	sadd.s32 s8, s0  }
0x5e: {  	s31 =	sshrl.u32 s0, $0x3  }
0x5f: {  	s3 =	sadd.s32 s1, s31  }
0x60: {  	[tilespmem:s17], [sflag:$0x1] =	stream.linear.gather [hbm4b:s3+s29], $0x50, $0x38;
	[tilespmem:$0x18D80] =	vst v63  }
0x61: {  	s0 =	sshll.u32 s0, $0x4;
	s13 =	sadd.s32 s6, s31  }
0x62: {  	[tilespmem:s18], [sflag:$0x2] =	stream.linear.gather [hbm4b:s13+s29], $0x50, $0x38;
	[tilespmem:$0x18D80] =	vst v63  }
0x63: {  	s0 =	sadd.s32 s7, s0  }
0x64: {  	[tilespmem:s19], [sflag:$0x3] =	stream.linear.gather [hbm4b:s0+s29], $0x2800, $0x38;
	[tilespmem:$0x18D80] =	vst v63  }
0x65: {  	_ =	swait.ge [sflag:s20], $0x50  }
0x66: {  	[sflag:s20] =	ssyncset.done $0x0  }
0x67: {  	[sflag:s20] =	ssyncadd.s32 $0xFFFFFFB0  }
0x68: {  	_ =	swait.ge [sflag:s21], $0x50  }
0x69: {  	[sflag:s21] =	ssyncset.done $0x0  }
0x6a: {  	[sflag:s21] =	ssyncadd.s32 $0xFFFFFFB0  }
0x6b: {  	_ =	swait.ge [sflag:s22], $0x2800  }
0x6c: {  	[sflag:s22] =	ssyncset.done $0x0  }
0x6d: {  	[sflag:s22] =	ssyncadd.s32 $0xFFFFD800  }
0x6e: {  	[tilespmem:s29], [sflag:$0x1] =	stream.indirect.gather [hbm4b:s5+s23], $0x80, s17, s23, $0xb8;
	[tilespmem:$0x18D80] =	vst v63  }
0x6f: {  	_ = 	snop  }
0x70: {  	[tilespmem:s25], [sflag:$0x2] =	stream.indirect.gather [hbm4b:s5+s23], $0x80, s24, s23, $0xb8;
	[tilespmem:$0x18D80] =	vst v63  }
0x71: {  	_ =	swait.ge [sflag:s20], $0x1400  }
0x72: {  	[sflag:s20] =	ssyncset.done $0x0  }
0x73: {  	s31 =	simm.s32 $0x0;
	[sflag:s20] =	ssyncadd.s32 $0xFFFFEC00  }
0x74: {  	v1 =	vld [tilespmem:s31+$0x2900]  }
0x75: {  	v5 =	vld [tilespmem:s31+$0x0]  }
0x76: {  	v7 =	vld [tilespmem:s31+$0x10]  }
0x77: {  	v6 =	vld [tilespmem:s31+$0x20]  }
0x78: {  	v4 =	vld [tilespmem:s31+$0x30]  }
0x79: {  	v2 =	vld [tilespmem:s31+$0x40]  }
0x7a: {  	v3 =	vld [tilespmem:s31+$0x50];
	v8 =	vmul.f32 v5, v1  }
0x7b: {  	s0 =	simm.s32 $0x200;
	v7 =	vmul.f32 v7, v1;
	v5 =	vld [tilespmem:s31+$0x60]  }
.LBB2_5:
0x7c: {  	s3 =	sshra.s32 s0, $0x2;
	p0 =	sne.s32 s0, $0x4E00;
	[tilespmem:s31+$0x0] =	vst v8;
	v6 =	vmul.f32 v6, v1;
	v8 =	vld [tilespmem:s31+$0x70]  }
0x7d: {  	v9 =	vld [tilespmem:s3+$0x2900];
	[tilespmem:s31+$0x10] =	vst v7;
	v4 =	vmul.f32 v4, v1  }
0x7e: {  	v7 =	vld [tilespmem:s3+$0x0];
	[tilespmem:s31+$0x20] =	vst v6;
	v2 =	vmul.f32 v2, v1  }
0x7f: {  	v10 =	vld [tilespmem:s3+$0x10];
	[tilespmem:s31+$0x30] =	vst v4;
	v3 =	vmul.f32 v3, v1  }
.Ltmp2:
0x80: {  	v6 =	vld [tilespmem:s3+$0x20];
	[tilespmem:s31+$0x40] =	vst v2;
	v5 =	vmul.f32 v5, v1;
	(pc) =	sbr.rel @p0 .LBB2_5-.Ltmp2, $4  }
0x81: {  	v4 =	vld [tilespmem:s3+$0x30];
	[tilespmem:s31+$0x50] =	vst v3;
	v11 =	vmul.f32 v8, v1  }
0x82: {  	v2 =	vld [tilespmem:s3+$0x40];
	[tilespmem:s31+$0x60] =	vst v5;
	v1 =	vmov v9  }
0x83: {  	v8 =	vmul.f32 v7, v1;
	v3 =	vld [tilespmem:s3+$0x50];
	[tilespmem:s31+$0x70] =	vst v11;
	s31 =	smov.u32 s3  }
0x84: {  	s0 =	sadd.s32 $0x200, s0;
	v7 =	vmul.f32 v10, v1;
	v5 =	vld [tilespmem:s31+$0x60]  }
0x85: {  	[tilespmem:s31+$0x0] =	vst v8;
	v6 =	vmul.f32 v6, v1;
	v8 =	vld [tilespmem:s31+$0x70]  }
0x86: {  	[tilespmem:s31+$0x10] =	vst v7;
	v4 =	vmul.f32 v4, v1  }
0x87: {  	[tilespmem:s31+$0x20] =	vst v6;
	v2 =	vmul.f32 v2, v1  }
0x88: {  	[tilespmem:s31+$0x30] =	vst v4;
	v3 =	vmul.f32 v3, v1  }
0x89: {  	[tilespmem:s31+$0x40] =	vst v2;
	v2 =	vmul.f32 v5, v1  }
0x8a: {  	[tilespmem:s31+$0x50] =	vst v3;
	v1 =	vmul.f32 v8, v1  }
0x8b: {  	[tilespmem:s31+$0x60] =	vst v2  }
0x8c: {  	[tilespmem:s31+$0x70] =	vst v1  }
0x8d: {  	_ =	swait.ge [sflag:s21], $0x1400  }
0x8e: {  	[sflag:s21] =	ssyncset.done $0x0  }
0x8f: {  	s31 =	simm.s32 $0x0;
	[sflag:s21] =	ssyncadd.s32 $0xFFFFEC00  }
0x90: {  	v1 =	vld [tilespmem:s31+$0x3D00]  }
0x91: {  	v5 =	vld [tilespmem:s31+$0x1400]  }
0x92: {  	v7 =	vld [tilespmem:s31+$0x1410]  }
0x93: {  	v6 =	vld [tilespmem:s31+$0x1420]  }
0x94: {  	v4 =	vld [tilespmem:s31+$0x1430]  }
0x95: {  	v2 =	vld [tilespmem:s31+$0x1440]  }
0x96: {  	v3 =	vld [tilespmem:s31+$0x1450];
	v8 =	vmul.f32 v5, v1  }
0x97: {  	s0 =	simm.s32 $0x200;
	v7 =	vmul.f32 v7, v1;
	v5 =	vld [tilespmem:s31+$0x1460]  }
.LBB2_7:
0x98: {  	s3 =	sshra.s32 s0, $0x2;
	p0 =	sne.s32 s0, $0x4E00;
	[tilespmem:s31+$0x1400] =	vst v8;
	v6 =	vmul.f32 v6, v1;
	v8 =	vld [tilespmem:s31+$0x1470]  }
0x99: {  	v9 =	vld [tilespmem:s3+$0x3D00];
	[tilespmem:s31+$0x1410] =	vst v7;
	v4 =	vmul.f32 v4, v1  }
0x9a: {  	v7 =	vld [tilespmem:s3+$0x1400];
	[tilespmem:s31+$0x1420] =	vst v6;
	v2 =	vmul.f32 v2, v1  }
0x9b: {  	v10 =	vld [tilespmem:s3+$0x1410];
	[tilespmem:s31+$0x1430] =	vst v4;
	v3 =	vmul.f32 v3, v1  }
.Ltmp3:
0x9c: {  	v6 =	vld [tilespmem:s3+$0x1420];
	[tilespmem:s31+$0x1440] =	vst v2;
	v5 =	vmul.f32 v5, v1;
	(pc) =	sbr.rel @p0 .LBB2_7-.Ltmp3, $4  }
0x9d: {  	v4 =	vld [tilespmem:s3+$0x1430];
	[tilespmem:s31+$0x1450] =	vst v3;
	v11 =	vmul.f32 v8, v1  }
0x9e: {  	v2 =	vld [tilespmem:s3+$0x1440];
	[tilespmem:s31+$0x1460] =	vst v5;
	v1 =	vmov v9  }
0x9f: {  	v8 =	vmul.f32 v7, v1;
	v3 =	vld [tilespmem:s3+$0x1450];
	[tilespmem:s31+$0x1470] =	vst v11;
	s31 =	smov.u32 s3  }
0xa0: {  	s0 =	sadd.s32 $0x200, s0;
	v7 =	vmul.f32 v10, v1;
	v5 =	vld [tilespmem:s31+$0x1460]  }
0xa1: {  	[tilespmem:s31+$0x1400] =	vst v8;
	v6 =	vmul.f32 v6, v1;
	v63 =	vld [tilespmem:s31+$0x1470]  }
0xa2: {  	[tilespmem:s31+$0x1410] =	vst v7;
	v4 =	vmul.f32 v4, v1  }
0xa3: {  	[tilespmem:s31+$0x1420] =	vst v6;
	v2 =	vmul.f32 v2, v1  }
0xa4: {  	[tilespmem:s31+$0x1430] =	vst v4;
	v3 =	vmul.f32 v3, v1  }
0xa5: {  	[tilespmem:s31+$0x1440] =	vst v2;
	v2 =	vmul.f32 v5, v1  }
0xa6: {  	s30 =	sadd.s32 $0x1, s30;
	[tilespmem:s31+$0x1450] =	vst v3;
	v1 =	vmul.f32 v63, v1  }
0xa7: {  	p0 =	sne.s32 s30, $0x7D;
	[tilespmem:s31+$0x1460] =	vst v2  }
.Ltmp4:
0xa8: {  	[tilespmem:s31+$0x1470] =	vst v1;
	(pc) =	sbr.rel @p0 .LBB2_4-.Ltmp4, $4  }
0xa9: {  	[spmem:s2] =	stream.indirect.scatter.add.f32 [tilespmem:s4], [sflag:$0x4], $0x80, s18, s26, $0xb8;
	[tilespmem:$0x18D80] =	vst v63  }
0xaa: {  	_ =	swait.ge [sflag:s16], $0x2800  }
0xab: {  	[sflag:s16] =	ssyncset.done $0x0  }
0xac: {  	[sflag:s16] =	ssyncadd.s32 $0xFFFFD800  }
0xad: {  	p0 =	sne.s32 s10, $0x1  }
.Ltmp5:
0xae: {  	s0 =	stileid.u32;
	(pc) =	sbr.rel @!p0 .LBB2_11-.Ltmp5, $4  }
0xaf: {  	[bflag:$0x0] =	sbarrier.arrive $0xFFFF;
	s3 =	sshrl.u32 s14, $0x3;
	s0 =	sshll.u32 s0, $0x6  }
0xb0: {  	s29 =	sshrl.u32 s12, $0x3;
	s3 =	sadd.s32 s9, s3;
	s0 =	sor.u32 $0x1C04, s0  }
0xb1: {  	[hbm:s3], [sflag:s0] =	dma.local [spmem:s29], $0x500  }
0xb2: {  	s30 =	sadd.s32 $0x2800, s14;
	s31 =	smov.u32 s12;
	s29 =	sadd.s32 $0xFFFFFFFF, s10  }
.LBB2_10:
0xb3: {  	_ =	swait.ge [sflag:s16], $0x500  }
0xb4: {  	s31 =	sadd.s32 $0x2800, s31;
	s3 =	sshrl.u32 s30, $0x3;
	p0 =	sne.s32 s29, $0x1  }
.Ltmp6:
0xb5: {  	s13 =	sshrl.u32 s31, $0x3;
	[sflag:s16] =	ssyncset.done $0x0;
	(pc) =	sbr.rel @p0 .LBB2_10-.Ltmp6, $4  }
0xb6: {  	s3 =	sadd.s32 s9, s3;
	[sflag:s16] =	ssyncadd.s32 $0xFFFFFB00  }
0xb7: {  	[hbm:s3], [sflag:s0] =	dma.local [spmem:s13], $0x500  }
0xb8: {  	s29 =	sadd.s32 $0xFFFFFFFF, s29  }
0xb9: {  	s30 =	sadd.s32 $0x2800, s30  }
.LBB2_11:
0xba: {  	_ =	swait.ge [sflag:s16], $0x500  }
0xbb: {  	s28 =	sadd.s32 $0x1, s28;
	s0 =	rddreg [dreg:$0x4]  }
0xbc: {  	p0 =	sne.s32 s28, s0  }
.Ltmp7:
0xbd: {  	_ = 	snop;
	(pc) =	sbr.rel @p0 .LBB2_1-.Ltmp7, $3  }
0xbe: {  	_ =	sdelay $0x1  }
0xbf: {  	[sflag:s16] =	ssyncset.done $0x0  }
0xc0: {  	[sflag:s16] =	ssyncadd.s32 $0xFFFFFB00  }
0xc1: {  	_ =	sfence.sel $0x180000  }
0xc2: {  	[bflag:$0x0] =	sbarrier.arrive $0xFFFF  }
0xc3: {  	_ =	strace $0x9000004A  }
0xc4: {  	s0 =	stileid.u32;
	[bflag:$0x2] =	sbarrier.arrive $0xFFFF  }
0xc5: {  	p0 =	sne.s32 s0, $0x0;
	s0 =	rddreg [dreg:$0x3]  }
0xc6: {  	s0 =	sadd.s32 @!p0 $0x100000, s0  }
0xc7: {  	[sflag:s0] =	ssyncadd.tile.s32 @!p0 $0x1;
	_ =	shalt  }
.Lfunc_end2:
_tile_overlayer_lowered:
.L_overlay_start_2:
0xc8: {  	(tag) =	ssettag $0x2  }
0xc9: {  	s0 =	rddreg [dreg:$0x0];
	s2 =	stileid.u32  }
0xca: {  	s1 =	rddreg [dreg:$0x1];
	p0 =	sne.s32 s2, $0x0  }
0xcb: {  	s3 =	rddreg [dreg:$0x2];
	[bflag:$0x3] =	sbarrier.arrive $0xFFFF;
	s2 =	simm.s32 @!p0 $0x1C04  }
0xcc: {  	[timem:s3], [sflag:s2] =	dma.local @!p0 [hbm:s0], s1  }
0xcd: {  	s0 =	simm.s32 @!p0 $0x4  }
0xce: {  	_ =	swait.ge @!p0 [sflag:s0], s1  }
0xcf: {  	s1 =	ssub.s32 @!p0 $0x0, s1;
	[sflag:s0] =	ssyncset.done @!p0 $0x0  }
0xd0: {  	[sflag:s0] =	ssyncadd.s32 @!p0 s1  }
0xd1: {  	[bflag:$0x3] =	sbarrier.arrive $0xFFFF  }
0xd2: {  	_ =	shalt  }

// kernel: kernel.20.cloned.1.call-start
scs
__scs_entry_jumppad:
0x0: {  	(pc) =	sbr.rel $0x88, $3  }
0x1: {  	(tag) =	ssettag $0x0;
	lr =	simm.s32 $0x1  }
0x2: {  	[smem:$0x3F93] =	sst lr;
	_ =	strace $0xD0000000  }
0x3: {  	_ = 	snop  }
0x4: {  	_ = 	snop  }
0x5: {  	_ = 	snop  }
0x6: {  	_ = 	snop  }
0x7: {  	_ = 	snop  }
__scs_overlays_trampoline_lowered:
0x8: {  	[smem:$0x3FA2] =	sst s0  }
0x9: {  	[smem:$0x3FA3] =	sst s1  }
0xa: {  	[smem:$0x3FA4] =	sst s2  }
0xb: {  	[smem:$0x3FA5] =	sst s3  }
0xc: {  	[smem:$0x3FA6] =	sst s4  }
0xd: {  	[smem:$0x3FA7] =	sst s5  }
0xe: {  	[smem:$0x3FA8] =	sst s6  }
0xf: {  	[smem:$0x3FA9] =	sst s7  }
0x10: {  	[smem:$0x3FAA] =	sst s8  }
0x11: {  	[smem:$0x3FAB] =	sst s9;
	s0 =	simm.s32 @!p0 $0x0  }
0x12: {  	s1 =	sld [smem:$0x3F91];
	s0 =	simm.s32 @p0 $0x1  }
0x13: {  	[smem:$0x3FAC] =	sst s0;
	s0 =	simm.s32 @!p1 $0x0  }
0x14: {  	s2 =	sld [smem:$0x3F90];
	s0 =	simm.s32 @p1 $0x1  }
0x15: {  	[smem:$0x3FAD] =	sst s0;
	s0 =	simm.s32 @!p2 $0x0  }
0x16: {  	s3 =	sld [smem:$0x3FDB];
	s0 =	simm.s32 @p2 $0x1  }
0x17: {  	s4 =	simm.s32 $0x1BF5;
	[smem:$0x3FAF] =	sst s0  }
0x18: {  	s0 =	sld [smem:$0x3F92];
	_ =	swait.ge [sflag:s4], $0x0  }
0x19: {  	s7 =	sld [smem:$0x3F93]  }
0x1a: {  	s8 =	sadd.s32 $0xFFFFE003, lr  }
0x1b: {  	s9 =	sadd.s32 $0xFFFFFEF7, lr;
	s5 =	simm.s32 $0xFFFFFFFF;
	p2 =	slt.u32 s8, $0xFFFFF086  }
0x1c: {  	p1 =	slt.u32 s9, $0xF7A;
	s5 =	simm.s32 @!p2 $0x0  }
0x1d: {  	s5 =	simm.s32 @p1 $0x1;
	p0 =	seq.s32 s7, s2  }
0x1e: {  	s7 =	smul.u32 @!p0 $0xF7A, s2;
	p2 =	seq.s32 @!p0 s5, $0x0  }
0x1f: {  	s9 =	smul.u32 $0xF7A, s1;
	s8 =	simm.s32 @!p0 $0x1BF5;
	p2 =	por !p2, p0  }
0x20: {  	[sflag:s8] =	ssyncset.s32 @!p0 $0xFFFFF086;
	s6 =	sadd.s32 @!p0 s3, s7;
	s7 =	simm.s32 @!p0 $0x108  }
0x21: {  	s3 =	sadd.s32 s3, s9;
	s6 =	sadd.s32 @!p0 $0x88, s6;
	s7 =	simm.s32 @p2 $0x1082  }
0x22: {  	[simem:s7], [sflag:s8] =	dma.local @!p0 [hbm:s6], $0xF7A  }
0x23: {  	s9 =	sor.u32 $0xD0000000, s2;
	s6 =	simm.s32 $0x108;
	_ =	swait.ge @!p0 [sflag:s8], $0x0  }
0x24: {  	s3 =	sadd.s32 $0x88, s3;
	s6 =	simm.s32 @!p1 $0x1082;
	[sflag:s4] =	ssyncset.s32 $0xFFFFF086  }
0x25: {  	[simem:s6], [sflag:s4] =	dma.local [hbm:s3], $0xF7A  }
0x26: {  	[smem:$0x3F93] =	sst s1;
	(tag) =	ssettag s2;
	_ =	strace s9  }
0x27: {  	s1 =	sld [smem:$0x3FA3]  }
0x28: {  	s2 =	sld [smem:$0x3FA4]  }
0x29: {  	s4 =	sld [smem:$0x3FA6]  }
0x2a: {  	p0 =	seq.s32 s5, $0x0;
	s5 =	sld [smem:$0x3FA7]  }
0x2b: {  	s6 =	sld [smem:$0x3FA8]  }
0x2c: {  	s7 =	sld [smem:$0x3FA9]  }
0x2d: {  	s3 =	simm.s32 $0x108;
	s8 =	sld [smem:$0x3FAA]  }
0x2e: {  	s3 =	simm.s32 @!p0 $0x1082;
	s9 =	sld [smem:$0x3FAB]  }
0x2f: {  	lr =	sadd.s32 s0, s3;
	s0 =	sld [smem:$0x3FA2]  }
0x30: {  	s3 =	sld [smem:$0x3FA5]  }
0x31: {  	[smem:$0x3FAE] =	sst s10  }
0x32: {  	s10 =	sld [smem:$0x3FAC];
	_ =	sdelay $0x3  }
0x33: {  	p0 =	seq.s32 s10, $0x1;
	s10 =	sld [smem:$0x3FAE];
	_ =	sdelay $0x3  }
0x34: {  	[smem:$0x3FAE] =	sst s10  }
0x35: {  	s10 =	sld [smem:$0x3FAD];
	_ =	sdelay $0x3  }
0x36: {  	p1 =	seq.s32 s10, $0x1;
	s10 =	sld [smem:$0x3FAE];
	_ =	sdelay $0x3  }
0x37: {  	[smem:$0x3FAE] =	sst s10  }
0x38: {  	s10 =	sld [smem:$0x3FAF]  }
0x39: {  	_ = 	snop;
	(pc) =	sbr.ind lr, $3  }
0x3a: {  	_ = 	snop  }
0x3b: {  	_ = 	snop  }
0x3c: {  	p2 =	seq.s32 s10, $0x1;
	s10 =	sld [smem:$0x3FAE]  }
0x3d: {  	_ =	shalt  }
0x3e: {  	_ =	shalt  }
0x3f: {  	_ =	shalt  }
0x40: {  	_ =	shalt  }
0x41: {  	_ =	shalt  }
0x42: {  	_ =	shalt  }
0x43: {  	_ =	shalt  }
0x44: {  	_ =	shalt  }
0x45: {  	_ =	shalt  }
0x46: {  	_ =	shalt  }
0x47: {  	_ =	shalt  }
0x48: {  	_ =	shalt  }
0x49: {  	_ =	shalt  }
0x4a: {  	_ =	shalt  }
0x4b: {  	_ =	shalt  }
0x4c: {  	_ =	shalt  }
0x4d: {  	_ =	shalt  }
0x4e: {  	_ =	shalt  }
0x4f: {  	_ =	shalt  }
0x50: {  	_ =	shalt  }
0x51: {  	_ =	shalt  }
0x52: {  	_ =	shalt  }
0x53: {  	_ =	shalt  }
0x54: {  	_ =	shalt  }
0x55: {  	_ =	shalt  }
0x56: {  	_ =	shalt  }
0x57: {  	_ =	shalt  }
0x58: {  	_ =	shalt  }
0x59: {  	_ =	shalt  }
0x5a: {  	_ =	shalt  }
0x5b: {  	_ =	shalt  }
0x5c: {  	_ =	shalt  }
0x5d: {  	_ =	shalt  }
0x5e: {  	_ =	shalt  }
0x5f: {  	_ =	shalt  }
0x60: {  	_ =	shalt  }
0x61: {  	_ =	shalt  }
0x62: {  	_ =	shalt  }
0x63: {  	_ =	shalt  }
0x64: {  	_ =	shalt  }
0x65: {  	_ =	shalt  }
0x66: {  	_ =	shalt  }
0x67: {  	_ =	shalt  }
0x68: {  	_ =	shalt  }
0x69: {  	_ =	shalt  }
0x6a: {  	_ =	shalt  }
0x6b: {  	_ =	shalt  }
0x6c: {  	_ =	shalt  }
0x6d: {  	_ =	shalt  }
0x6e: {  	_ =	shalt  }
0x6f: {  	_ =	shalt  }
0x70: {  	_ =	shalt  }
0x71: {  	_ =	shalt  }
0x72: {  	_ =	shalt  }
0x73: {  	_ =	shalt  }
0x74: {  	_ =	shalt  }
0x75: {  	_ =	shalt  }
0x76: {  	_ =	shalt  }
0x77: {  	_ =	shalt  }
0x78: {  	_ =	shalt  }
0x79: {  	_ =	shalt  }
0x7a: {  	_ =	shalt  }
0x7b: {  	_ =	shalt  }
0x7c: {  	_ =	shalt  }
0x7d: {  	_ =	shalt  }
0x7e: {  	_ =	shalt  }
0x7f: {  	_ =	shalt  }
0x80: {  	_ =	shalt  }
0x81: {  	_ =	shalt  }
0x82: {  	_ =	shalt  }
0x83: {  	_ =	shalt  }
0x84: {  	_ =	shalt  }
0x85: {  	_ =	shalt  }
0x86: {  	_ =	shalt  }
0x87: {  	_ =	shalt  }
.Lfunc_end0:
.L_simem_size_0:
called_computation.3_lowered:
.L_overlay_start_0:
0x88: {  	s2 =	sld [smem:$0x3FD9]  }
0x89: {  	s3 =	sld [smem:$0x3FFE];
	_ =	sdelay $0x1  }
0x8a: {  	s1 =	srdreg.scid  }
0x8b: {  	s0 =	sand.u32 $0x1, s1  }
0x8c: {  	s14 =	sshll.u32 s0, $0xA;
	s2 =	sadd.s32 s3, s2  }
0x8d: {  	s2 =	sadd.s32 s2, s14  }
0x8e: {  	[smem:$0x3FBA] =	sst s2  }
0x8f: {  	_ = 	snop  }
0x90: {  	s2 =	sld [smem:$0x3FD0];
	_ =	sdelay $0x2  }
0x91: {  	s15 =	simm.s32 $0xB;
	s4 =	simm.s32 $0x10  }
0x92: {  	[smem:s4], [sflag:s15] =	dma.local [hbm:s2], $0x1  }
0x93: {  	_ =	swait.eq [sflag:s15], $0x1  }
0x94: {  	[sflag:s15] =	ssyncset.done $0x0  }
0x95: {  	[sflag:s15] =	ssyncadd.s32 $0xFFFFFFFF  }
0x96: {  	s16 =	sld [smem:$0x11];
	(tm) =	ssettm $0x1  }
0x97: {  	s17 =	sld [smem:$0x3FFB];
	_ =	sdelay $0x3  }
0x98: {  	_ =	strace s17  }
0x99: {  	s3 =	sld [smem:$0x3FFC];
	_ =	sdelay $0x3  }
0x9a: {  	_ =	strace s3  }
0x9b: {  	s3 =	sld [smem:$0x3FFD];
	_ =	sdelay $0x3  }
0x9c: {  	_ =	strace s3  }
0x9d: {  	_ =	strace $0x8FFFFFFF  }
0x9e: {  	s18 =	sld [smem:$0x3FDB];
	_ =	sdelay $0x1  }
0x9f: {  	s19 =	simm.s32 $_scs_section_size  }
0xa0: {  	s5 =	simm.s32 $_size__tile_overlayer_lowered;
	s6 =	simm.s32 $_tile_overlayer_lowered  }
0xa1: {  	s22 =	simm.s32 $0x1BFF;
	s21 =	sshll.u32 s6, $0x1;
	s3 =	sadd.s32 s19, s18  }
0xa2: {  	s7 =	simm.s32 $0x0;
	s20 =	sshll.u32 s5, $0x1;
	s5 =	sadd.s32 s21, s3  }
0xa3: {  	[timem:s7], [sflag:s22] =	dma.local [hbm:s5], s20  }
0xa4: {  	_ =	swait.ge [sflag:s22], s20  }
0xa5: {  	s4 =	ssub.s32 $0x0, s20;
	[sflag:s22] =	ssyncset.done $0x0  }
0xa6: {  	[sflag:s22] =	ssyncadd.s32 s4;
	_ =	sdelay $0x1  }
0xa7: {  	s23 =	simm.s32 $0x1B8B  }
0xa8: {  	_ =	swait.ge [sflag:s23], $0x1  }
0xa9: {  	[sflag:s23] =	ssyncset.done $0x0  }
0xaa: {  	s25 =	simm.s32 $0x1B8E;
	s24 =	sld [smem:$0x3FFE];
	[sflag:s23] =	ssyncadd.s32 $0xFFFFFFFF  }
0xab: {  	s26 =	simm.s32 $execute0_lowered;
	[smem:$0x3FD2] =	sst s25  }
0xac: {  	s5 =	sshll.u32 s26, $0x1;
	_ =	strace $0x8000004F;
	[dreg:$0x1] =	wrdreg $0xFFFFFFFF  }
0xad: {  	s28 =	simm.s32 $_size_execute0_lowered;
	s3 =	sadd.s32 s3, s5;
	[dreg:$0x0] =	wrdreg $0x0  }
0xae: {  	s5 =	sshll.u32 s28, $0x1;
	[dreg:$0x2] =	wrdreg s3  }
0xaf: {  	[dreg:$0x3] =	wrdreg s5  }
0xb0: {  	[dreg:$0x4] =	wrdreg $0xC0  }
0xb1: {  	_ =	task [dreg:s7], $0x5FFFF  }
0xb2: {  	[dreg:$0x1] =	wrdreg $0xFFFFFFFF  }
0xb3: {  	[dreg:$0x0] =	wrdreg $0x60  }
0xb4: {  	[dreg:$0x2] =	wrdreg s24  }
0xb5: {  	[dreg:$0x3] =	wrdreg s16  }
0xb6: {  	[dreg:$0x4] =	wrdreg $0x69000  }
0xb7: {  	[dreg:$0x5] =	wrdreg $0x9  }
0xb8: {  	_ =	task.clear_ibuf [dreg:s7], $0x6FFFF;
	_ =	strace $0x9000004F  }
0xb9: {  	s29 =	simm.s32 $0x9;
	_ =	strace $0x80000051  }
0xba: {  	_ =	swait.ge [sflag:s29], $0x1  }
0xbb: {  	[sflag:s29] =	ssyncadd.s32 $0xFFFFFFFF  }
0xbc: {  	_ =	strace $0x90000051  }
0xbd: {  	_ =	sfence  }
0xbe: {  	s30 =	sld [smem:$0x0];
	_ =	sdelay $0x2  }
0xbf: {  	s31 =	sshll.u32 s1, $0xD;
	s1 =	sshrl.u32 s1, $0x2  }
0xc0: {  	s3 =	sand.u32 $0x4000, s31;
	s1 =	sadd.s32 s1, s30  }
0xc1: {  	s0 =	sor.u32 s3, s0;
	s1 =	sshll.u32 s1, $0x11  }
0xc2: {  	s0 =	sor.u32 s1, s0  }
0xc3: {  	s0 =	sadd.s32 $0x8F2B, s0  }
0xc4: {  	[sflag:s0] =	ssyncadd.remote.s32 $0x1  }
0xc5: {  	_ =	sfence.sel $0xFFFF  }
0xc6: {  	[dreg:$0x0] =	wrdreg $0xFFFFFFFF;
	(pc) =	sbr.abs _section_cstart, $3  }
0xc7: {  	[dreg:$0x1] =	wrdreg $0xFFFFFFFF  }
0xc8: {  	_ =	task.clear_ibuf [dreg:s7], $0x2FFFF;
	_ =	strace $0x9FFFFFFF  }
0xc9: {  	(tm) =	ssettm $0x7FFFFFFF  }
tec
execute0_lowered:
.L_overlay_start_1:
0x0: {  	(tag) =	ssettag $0x1  }
0x1: {  	s0 =	rddreg [dreg:$0x0]  }
0x2: {  	s1 =	rddreg [dreg:$0x1]  }
0x3: {  	s2 =	rddreg [dreg:$0x2]  }
0x4: {  	s3 =	simm.s32 $0x0;
	s4 =	srdreg.scid;
	s15 =	stileid.u32  }
0x5: {  	s12 =	simm.s32 $0x5;
	s17 =	simm.s32 $0x6500;
	s18 =	simm.s32 $0x4  }
0x6: {  	s19 =	simm.s32 $0x2800;
	s20 =	simm.s32 $0x2880;
	s21 =	simm.s32 $0x2900  }
0x7: {  	s22 =	simm.s32 $0x1;
	s23 =	simm.s32 $0x2;
	s24 =	simm.s32 $0x3  }
0x8: {  	s28 =	simm.s32 $0x5100;
	s29 =	simm.s32 $0x28A8;
	s30 =	simm.s32 $0x0  }
0x9: {  	[smem:$0x7FF] =	sst s3;
	s5 =	sadd.s32 $0xD400, s0;
	s6 =	sadd.s32 $0x3600, s0  }
0xa: {  	s4 =	sand.u32 $0x1, s4;
	s9 =	sshll.u32 s15, $0x1;
	s8 =	sadd.s32 $0x516600, s0  }
0xb: {  	s11 =	sadd.s32 $0x58BA00, s0;
	s14 =	smul.u32 $0x50000, s15;
	p0 =	seq.s32 s15, $0xF  }
0xc: {  	s15 =	smul.u32 $0x14000, s15;
	_ =	strace $0x80000050;
	s10 =	sor.u32 s4, s9  }
0xd: {  	s13 =	ssub.s32 $0x2, s4;
	s4 =	smul.u32 $0x138800, s4;
	s12 =	simm.s32 @!p0 $0x8  }
0xe: {  	s7 =	sadd.s32 $0x34600, s0;
	s9 =	sadd.s32 $0x53D800, s0;
	s26 =	smul.u32 $0xA, s12  }
0xf: {  	s10 =	smul.u32 $0x2710, s10;
	s25 =	sshrl.u32 s13, $0x1;
	s14 =	sshrl.u32 s14, $0x2  }
0x10: {  	s0 =	ssub.s32 s13, s25;
	s31 =	sadd.s32 s15, s4;
	[dreg:$0x4] =	wrdreg s26  }
0x11: {  	s14 =	sadd.s32 s14, s2;
	s0 =	smax.u32 s0, $0x1;
	[dreg:$0x6] =	wrdreg s31  }
0x12: {  	v0 =	vimm.f32 $0.0e+00;
	s25 =	simm.s32 $0x50;
	s26 =	simm.s32 $0x28;
	[dreg:$0x5] =	wrdreg s0  }
.LBB2_1:
0x13: {  	[tilespmem:$0x6500] =	vst v0  }
0x14: {  	[tilespmem:$0x6510] =	vst v0  }
0x15: {  	[tilespmem:$0x6520] =	vst v0  }
0x16: {  	[tilespmem:$0x6530] =	vst v0  }
0x17: {  	[tilespmem:$0x6540] =	vst v0  }
0x18: {  	[tilespmem:$0x6550] =	vst v0  }
0x19: {  	[tilespmem:$0x6560] =	vst v0  }
0x1a: {  	[tilespmem:$0x6570] =	vst v0  }
0x1b: {  	[tilespmem:$0x6580] =	vst v0  }
0x1c: {  	[tilespmem:$0x6590] =	vst v0  }
0x1d: {  	[tilespmem:$0x65A0] =	vst v0  }
0x1e: {  	[tilespmem:$0x65B0] =	vst v0  }
0x1f: {  	[tilespmem:$0x65C0] =	vst v0  }
0x20: {  	[tilespmem:$0x65D0] =	vst v0  }
0x21: {  	[tilespmem:$0x65E0] =	vst v0  }
0x22: {  	[tilespmem:$0x65F0] =	vst v0  }
0x23: {  	[tilespmem:$0x6600] =	vst v0  }
0x24: {  	[tilespmem:$0x6610] =	vst v0  }
0x25: {  	[tilespmem:$0x6620] =	vst v0  }
0x26: {  	[tilespmem:$0x6630] =	vst v0  }
0x27: {  	[tilespmem:$0x6640] =	vst v0  }
0x28: {  	[tilespmem:$0x6650] =	vst v0  }
0x29: {  	[tilespmem:$0x6660] =	vst v0  }
0x2a: {  	[tilespmem:$0x6670] =	vst v0  }
0x2b: {  	[tilespmem:$0x6680] =	vst v0  }
0x2c: {  	[tilespmem:$0x6690] =	vst v0  }
0x2d: {  	[tilespmem:$0x66A0] =	vst v0  }
0x2e: {  	[tilespmem:$0x66B0] =	vst v0  }
0x2f: {  	[tilespmem:$0x66C0] =	vst v0  }
0x30: {  	[tilespmem:$0x66D0] =	vst v0  }
0x31: {  	[tilespmem:$0x66E0] =	vst v0  }
0x32: {  	[tilespmem:$0x66F0] =	vst v0  }
0x33: {  	[tilespmem:$0x6700] =	vst v0  }
0x34: {  	[tilespmem:$0x6710] =	vst v0  }
0x35: {  	[tilespmem:$0x6720] =	vst v0  }
0x36: {  	[tilespmem:$0x6730] =	vst v0  }
0x37: {  	[tilespmem:$0x6740] =	vst v0  }
0x38: {  	[tilespmem:$0x6750] =	vst v0  }
0x39: {  	[tilespmem:$0x6760] =	vst v0  }
0x3a: {  	[tilespmem:$0x6770] =	vst v0  }
0x3b: {  	[tilespmem:$0x6780] =	vst v0  }
0x3c: {  	[tilespmem:$0x6790] =	vst v0  }
0x3d: {  	[tilespmem:$0x67A0] =	vst v0  }
0x3e: {  	[tilespmem:$0x67B0] =	vst v0  }
0x3f: {  	[tilespmem:$0x67C0] =	vst v0  }
0x40: {  	[tilespmem:$0x67D0] =	vst v0  }
0x41: {  	[tilespmem:$0x67E0] =	vst v0  }
0x42: {  	[tilespmem:$0x67F0] =	vst v0  }
0x43: {  	[tilespmem:$0x6800] =	vst v0  }
0x44: {  	[tilespmem:$0x6810] =	vst v0  }
0x45: {  	[tilespmem:$0x6820] =	vst v0  }
0x46: {  	[tilespmem:$0x6830] =	vst v0  }
0x47: {  	[tilespmem:$0x6840] =	vst v0  }
0x48: {  	[tilespmem:$0x6850] =	vst v0  }
0x49: {  	[tilespmem:$0x6860] =	vst v0  }
0x4a: {  	[tilespmem:$0x6870] =	vst v0  }
0x4b: {  	[tilespmem:$0x6880] =	vst v0  }
0x4c: {  	[tilespmem:$0x6890] =	vst v0  }
0x4d: {  	[tilespmem:$0x68A0] =	vst v0  }
0x4e: {  	[tilespmem:$0x68B0] =	vst v0  }
0x4f: {  	[tilespmem:$0x68C0] =	vst v0;
	s0 =	rddreg [dreg:$0x4]  }
0x50: {  	[tilespmem:$0x68D0] =	vst v0;
	p0 =	sne.s32 s0, $0x1  }
.Ltmp0:
0x51: {  	[tilespmem:$0x68E0] =	vst v0;
	(pc) =	sbr.rel @!p0 .LBB2_3-.Ltmp0, $4  }
0x52: {  	[tilespmem:$0x68F0] =	vst v0  }
0x53: {  	[spmem:s14] =	stream.linear.scatter [tilespmem:s17], [sflag:$0x4], $0x400, $0x38;
	[tilespmem:$0x1A180] =	vst v63  }
0x54: {  	_ =	swait.ge [sflag:s18], $0x400  }
0x55: {  	s4 =	smov.u32 s14;
	s0 =	sadd.s32 $0xFFFFFFFF, s0;
	[sflag:s18] =	ssyncset.done $0x0  }
.LBB2_2:
0x56: {  	p0 =	sne.s32 s0, $0x1;
	[sflag:s18] =	ssyncadd.s32 $0xFFFFFC00;
	s4 =	sadd.s32 $0x400, s4  }
.Ltmp1:
0x57: {  	s0 =	sadd.s32 $0xFFFFFFFF, s0;
	(pc) =	sbr.rel @p0 .LBB2_2-.Ltmp1, $4  }
0x58: {  	_ = 	snop  }
0x59: {  	[spmem:s4] =	stream.linear.scatter [tilespmem:s17], [sflag:$0x4], $0x400, $0x38;
	[tilespmem:$0x1A180] =	vst v63  }
0x5a: {  	_ =	swait.ge [sflag:s18], $0x400  }
0x5b: {  	[sflag:s18] =	ssyncset.done $0x0  }
.LBB2_3:
0x5c: {  	[sflag:s18] =	ssyncadd.s32 $0xFFFFFC00  }
0x5d: {  	s31 =	simm.s32 $0x0;
	s0 =	simm.s32 $0x0;
	[bflag:$0x0] =	sbarrier.arrive $0xFFFF  }
.LBB2_4:
0x5e: {  	s4 =	smul.u32 $0x50, s0;
	_ =	sdelay $0x1  }
0x5f: {  	s4 =	sadd.s32 s10, s4  }
0x60: {  	s13 =	sshrl.u32 s4, $0x3  }
0x61: {  	s15 =	sadd.s32 s1, s13  }
0x62: {  	[tilespmem:s19], [sflag:$0x1] =	stream.linear.gather [hbm4b:s15+s31], $0x50, $0x38;
	[tilespmem:$0x1A180] =	vst v63  }
0x63: {  	s4 =	sshll.u32 s4, $0x4;
	s13 =	sadd.s32 s6, s13  }
0x64: {  	[tilespmem:s20], [sflag:$0x2] =	stream.linear.gather [hbm4b:s13+s31], $0x50, $0x38;
	[tilespmem:$0x1A180] =	vst v63  }
0x65: {  	s16 =	sadd.s32 s7, s4  }
0x66: {  	[tilespmem:s21], [sflag:$0x3] =	stream.linear.gather [hbm4b:s16+s31], $0x2800, $0x38;
	[tilespmem:$0x1A180] =	vst v63  }
0x67: {  	_ =	swait.ge [sflag:s22], $0x50  }
0x68: {  	[sflag:s22] =	ssyncset.done $0x0  }
0x69: {  	[sflag:s22] =	ssyncadd.s32 $0xFFFFFFB0  }
0x6a: {  	_ =	swait.ge [sflag:s23], $0x50  }
0x6b: {  	[sflag:s23] =	ssyncset.done $0x0  }
0x6c: {  	[sflag:s23] =	ssyncadd.s32 $0xFFFFFFB0  }
0x6d: {  	_ =	swait.ge [sflag:s24], $0x2800  }
0x6e: {  	[sflag:s24] =	ssyncset.done $0x0  }
0x6f: {  	[sflag:s24] =	ssyncadd.s32 $0xFFFFD800  }
0x70: {  	[tilespmem:s31], [sflag:$0x1] =	stream.indirect.gather [hbm4b:s5+s25], $0x80, s19, s25, $0xb8;
	[tilespmem:$0x1A180] =	vst v63  }
0x71: {  	_ = 	snop  }
0x72: {  	[tilespmem:s28], [sflag:$0x2] =	stream.indirect.gather [hbm4b:s8+s26], $0x80, s20, s26, $0xb8;
	[tilespmem:$0x1A180] =	vst v63  }
0x73: {  	_ =	swait.ge [sflag:s23], $0x1400  }
0x74: {  	[sflag:s23] =	ssyncset.done $0x0  }
0x75: {  	s13 =	simm.s32 $0x0;
	[sflag:s23] =	ssyncadd.s32 $0xFFFFEC00  }
0x76: {  	s15 =	simm.s32 $0x200;
	v1 =	vld [tilespmem:s13+$0x5100]  }
.LBB2_5:
0x77: {  	p0 =	sne.s32 s15, $0x4E00;
	v2 =	vld [tilespmem:s13+$0x2900];
	_ =	sdelay $0x2  }
.Ltmp2:
0x78: {  	(pc) =	sbr.rel @p0 .LBB2_5-.Ltmp2, $4  }
0x79: {  	_ = 	snop  }
0x7a: {  	v2 =	vmul.f32 v1, v2  }
0x7b: {  	s16 =	sshra.s32 s15, $0x2  }
0x7c: {  	s15 =	sadd.s32 $0x200, s15;
	v1 =	vld [tilespmem:s16+$0x5100];
	[tilespmem:s13+$0x2900] =	vst v2;
	s13 =	smov.u32 s16  }
0x7d: {  	v2 =	vld [tilespmem:s13+$0x2900];
	_ =	sdelay $0x4  }
0x7e: {  	v1 =	vmul.f32 v1, v2;
	_ =	sdelay $0x1  }
0x7f: {  	[tilespmem:s13+$0x2900] =	vst v1  }
0x80: {  	[tilespmem:s28], [sflag:$0x3] =	stream.indirect.gather [hbm4b:s8+s26], $0x80, s29, s26, $0xb8;
	[tilespmem:$0x1A180] =	vst v63  }
0x81: {  	_ =	swait.ge [sflag:s24], $0x1400  }
0x82: {  	[sflag:s24] =	ssyncset.done $0x0  }
0x83: {  	s13 =	simm.s32 $0x0;
	[sflag:s24] =	ssyncadd.s32 $0xFFFFEC00  }
0x84: {  	s15 =	simm.s32 $0x200;
	v1 =	vld [tilespmem:s13+$0x5100]  }
.LBB2_7:
0x85: {  	p0 =	sne.s32 s15, $0x4E00;
	v2 =	vld [tilespmem:s13+$0x3D00];
	_ =	sdelay $0x2  }
.Ltmp3:
0x86: {  	(pc) =	sbr.rel @p0 .LBB2_7-.Ltmp3, $4  }
0x87: {  	_ = 	snop  }
0x88: {  	v2 =	vmul.f32 v1, v2  }
0x89: {  	s16 =	sshra.s32 s15, $0x2  }
0x8a: {  	s15 =	sadd.s32 $0x200, s15;
	v1 =	vld [tilespmem:s16+$0x5100];
	[tilespmem:s13+$0x3D00] =	vst v2;
	s13 =	smov.u32 s16  }
0x8b: {  	v2 =	vld [tilespmem:s13+$0x3D00];
	_ =	sdelay $0x4  }
0x8c: {  	v1 =	vmul.f32 v1, v2;
	_ =	sdelay $0x1  }
0x8d: {  	[tilespmem:s13+$0x3D00] =	vst v1  }
0x8e: {  	_ =	swait.ge [sflag:s22], $0x2800  }
0x8f: {  	[sflag:s22] =	ssyncset.done $0x0  }
0x90: {  	s15 =	simm.s32 $0x0;
	[sflag:s22] =	ssyncadd.s32 $0xFFFFD800  }
0x91: {  	v1 =	vld [tilespmem:s15+$0x2900]  }
0x92: {  	v5 =	vld [tilespmem:s15+$0x0]  }
0x93: {  	v7 =	vld [tilespmem:s15+$0x10]  }
0x94: {  	v6 =	vld [tilespmem:s15+$0x20]  }
0x95: {  	v4 =	vld [tilespmem:s15+$0x30]  }
0x96: {  	v2 =	vld [tilespmem:s15+$0x40]  }
0x97: {  	v3 =	vld [tilespmem:s15+$0x50];
	v8 =	vmul.f32 v5, v1  }
0x98: {  	s13 =	simm.s32 $0x200;
	v7 =	vmul.f32 v7, v1;
	v5 =	vld [tilespmem:s15+$0x60]  }
.LBB2_9:
0x99: {  	s16 =	sshra.s32 s13, $0x2;
	p0 =	sne.s32 s13, $0x9E00;
	[tilespmem:s15+$0x0] =	vst v8;
	v6 =	vmul.f32 v6, v1;
	v8 =	vld [tilespmem:s15+$0x70]  }
0x9a: {  	v9 =	vld [tilespmem:s16+$0x2900];
	[tilespmem:s15+$0x10] =	vst v7;
	v4 =	vmul.f32 v4, v1  }
0x9b: {  	v7 =	vld [tilespmem:s16+$0x0];
	[tilespmem:s15+$0x20] =	vst v6;
	v2 =	vmul.f32 v2, v1  }
0x9c: {  	v10 =	vld [tilespmem:s16+$0x10];
	[tilespmem:s15+$0x30] =	vst v4;
	v3 =	vmul.f32 v3, v1  }
.Ltmp4:
0x9d: {  	v6 =	vld [tilespmem:s16+$0x20];
	[tilespmem:s15+$0x40] =	vst v2;
	v5 =	vmul.f32 v5, v1;
	(pc) =	sbr.rel @p0 .LBB2_9-.Ltmp4, $4  }
0x9e: {  	v4 =	vld [tilespmem:s16+$0x30];
	[tilespmem:s15+$0x50] =	vst v3;
	v11 =	vmul.f32 v8, v1  }
0x9f: {  	v2 =	vld [tilespmem:s16+$0x40];
	[tilespmem:s15+$0x60] =	vst v5;
	v1 =	vmov v9  }
0xa0: {  	v8 =	vmul.f32 v7, v1;
	v3 =	vld [tilespmem:s16+$0x50];
	[tilespmem:s15+$0x70] =	vst v11;
	s15 =	smov.u32 s16  }
0xa1: {  	s13 =	sadd.s32 $0x200, s13;
	v7 =	vmul.f32 v10, v1;
	v5 =	vld [tilespmem:s15+$0x60]  }
0xa2: {  	[tilespmem:s15+$0x0] =	vst v8;
	v6 =	vmul.f32 v6, v1;
	v63 =	vld [tilespmem:s15+$0x70]  }
0xa3: {  	[tilespmem:s15+$0x10] =	vst v7;
	v4 =	vmul.f32 v4, v1  }
0xa4: {  	[tilespmem:s15+$0x20] =	vst v6;
	v2 =	vmul.f32 v2, v1  }
0xa5: {  	[tilespmem:s15+$0x30] =	vst v4;
	v3 =	vmul.f32 v3, v1  }
0xa6: {  	[tilespmem:s15+$0x40] =	vst v2;
	v2 =	vmul.f32 v5, v1  }
0xa7: {  	[tilespmem:s15+$0x50] =	vst v3;
	v1 =	vmul.f32 v63, v1  }
0xa8: {  	[tilespmem:s15+$0x60] =	vst v2  }
0xa9: {  	s4 =	sadd.s32 s11, s4;
	[tilespmem:s15+$0x70] =	vst v1  }
0xaa: {  	[hbm4b:s4+s3] =	stream.linear.scatter [tilespmem:s21], [sflag:$0x4], $0x2800, $0x38;
	[tilespmem:$0x1A180] =	vst v63  }
0xab: {  	s0 =	sadd.s32 $0x1, s0;
	_ =	swait.ge [sflag:s18], $0x2800  }
0xac: {  	p0 =	sne.s32 s0, $0x7D;
	[sflag:s18] =	ssyncset.done $0x0  }
.Ltmp5:
0xad: {  	[sflag:s18] =	ssyncadd.s32 $0xFFFFD800;
	(pc) =	sbr.rel @p0 .LBB2_4-.Ltmp5, $4  }
0xae: {  	[spmem:s2] =	stream.indirect.scatter.add.f32 [tilespmem:s3], [sflag:$0x4], $0x80, s20, s25, $0xb8;
	[tilespmem:$0x1A180] =	vst v63  }
0xaf: {  	_ =	swait.ge [sflag:s18], $0x2800  }
0xb0: {  	[sflag:s18] =	ssyncset.done $0x0  }
0xb1: {  	[sflag:s18] =	ssyncadd.s32 $0xFFFFD800  }
0xb2: {  	[bflag:$0x0] =	sbarrier.arrive $0xFFFF;
	s0 =	stileid.u32;
	p0 =	sne.s32 s12, $0x1  }
.Ltmp6:
0xb3: {  	s15 =	rddreg [dreg:$0x6];
	(pc) =	sbr.rel @!p0 .LBB2_13-.Ltmp6, $4  }
0xb4: {  	s0 =	sshll.u32 s0, $0x6;
	s4 =	sshrl.u32 s15, $0x3  }
0xb5: {  	s13 =	sshrl.u32 s14, $0x3;
	s0 =	sor.u32 $0x1C04, s0;
	s4 =	sadd.s32 s9, s4  }
0xb6: {  	[hbm:s4], [sflag:s0] =	dma.local [spmem:s13], $0x500  }
0xb7: {  	s4 =	sadd.s32 $0xFFFFFFFF, s12;
	s13 =	sadd.s32 $0x2800, s15;
	s15 =	smov.u32 s14  }
.LBB2_12:
0xb8: {  	_ =	swait.ge [sflag:s18], $0x500  }
0xb9: {  	s15 =	sadd.s32 $0x2800, s15;
	s16 =	sshrl.u32 s13, $0x3;
	p0 =	sne.s32 s4, $0x1  }
.Ltmp7:
0xba: {  	s31 =	sshrl.u32 s15, $0x3;
	[sflag:s18] =	ssyncset.done $0x0;
	(pc) =	sbr.rel @p0 .LBB2_12-.Ltmp7, $4  }
0xbb: {  	s16 =	sadd.s32 s9, s16;
	[sflag:s18] =	ssyncadd.s32 $0xFFFFFB00  }
0xbc: {  	[hbm:s16], [sflag:s0] =	dma.local [spmem:s31], $0x500  }
0xbd: {  	s4 =	sadd.s32 $0xFFFFFFFF, s4  }
0xbe: {  	s13 =	sadd.s32 $0x2800, s13  }
.LBB2_13:
0xbf: {  	_ =	swait.ge [sflag:s18], $0x500  }
0xc0: {  	s30 =	sadd.s32 $0x1, s30;
	s0 =	rddreg [dreg:$0x5]  }
0xc1: {  	p0 =	sne.s32 s30, s0  }
.Ltmp8:
0xc2: {  	_ = 	snop;
	(pc) =	sbr.rel @p0 .LBB2_1-.Ltmp8, $3  }
0xc3: {  	_ =	sdelay $0x1  }
0xc4: {  	[sflag:s18] =	ssyncset.done $0x0  }
0xc5: {  	[sflag:s18] =	ssyncadd.s32 $0xFFFFFB00  }
0xc6: {  	_ =	sfence.sel $0x180000  }
0xc7: {  	[bflag:$0x0] =	sbarrier.arrive $0xFFFF  }
0xc8: {  	_ =	strace $0x90000050  }
0xc9: {  	s0 =	stileid.u32;
	[bflag:$0x2] =	sbarrier.arrive $0xFFFF  }
0xca: {  	p0 =	sne.s32 s0, $0x0;
	s0 =	rddreg [dreg:$0x3]  }
0xcb: {  	s0 =	sadd.s32 @!p0 $0x100000, s0  }
0xcc: {  	[sflag:s0] =	ssyncadd.tile.s32 @!p0 $0x1;
	_ =	shalt  }
.Lfunc_end2:
_tile_overlayer_lowered:
.L_overlay_start_2:
0xcd: {  	(tag) =	ssettag $0x2  }
0xce: {  	s0 =	rddreg [dreg:$0x0];
	s2 =	stileid.u32  }
0xcf: {  	s1 =	rddreg [dreg:$0x1];
	p0 =	sne.s32 s2, $0x0  }
0xd0: {  	s3 =	rddreg [dreg:$0x2];
	[bflag:$0x3] =	sbarrier.arrive $0xFFFF;
	s2 =	simm.s32 @!p0 $0x1C04  }
0xd1: {  	[timem:s3], [sflag:s2] =	dma.local @!p0 [hbm:s0], s1  }
0xd2: {  	s0 =	simm.s32 @!p0 $0x4  }
0xd3: {  	_ =	swait.ge @!p0 [sflag:s0], s1  }
0xd4: {  	s1 =	ssub.s32 @!p0 $0x0, s1;
	[sflag:s0] =	ssyncset.done @!p0 $0x0  }
0xd5: {  	[sflag:s0] =	ssyncadd.s32 @!p0 s1  }
0xd6: {  	[bflag:$0x3] =	sbarrier.arrive $0xFFFF  }
0xd7: {  	_ =	shalt  }

</sc_bundles>
